<compile_context>
chip_gen: v7x
topology: tpu7x:2x2x1
jax: 0.10.2.dev20260603
libtpu: 0.0.44.dev20260713+nightly
codegen_flags: <defaults>
</compile_context>

<pallas_src>
import jax
import jax.numpy as jnp
from jax import lax
from jax.experimental import pallas as pl
from jax.experimental.pallas import tpu as pltpu
from jax.experimental.pallas import tpu_sc as plsc

N = 10000
E = 320000
DIM = 128
H = 8
NPAD = 10240
DUMMY = N
NW = 32
EPW = 10240
EP = NW * EPW
ROWS = EP // 128
RPW = EPW // 128
CH = 4
NCH = RPW // CH
CH2 = 2
NCH2 = RPW // CH2

_mesh = lambda: plsc.VectorSubcoreMesh(core_axis_name="c", subcore_axis_name="s")
_params = lambda: pltpu.CompilerParams(use_tc_tiling_on_sc=False)



def _prolog_body(x_ref, wuu_ref, buu_ref, wvv_ref, tuu_ref, tvv_ref):
    xb = x_ref[...]
    tuu_ref[...] = jnp.dot(xb, wuu_ref[...],
                           preferred_element_type=jnp.float32) + buu_ref[...]
    tvv_ref[...] = jnp.dot(xb, wvv_ref[...], preferred_element_type=jnp.float32)


def _prolog(xp, wuu, buu, wvv):
    return pl.pallas_call(
        _prolog_body,
        grid=(NPAD // 512,),
        in_specs=[
            pl.BlockSpec((512, DIM), lambda i: (i, 0)),
            pl.BlockSpec((DIM, 16), lambda i: (0, 0)),
            pl.BlockSpec((1, 16), lambda i: (0, 0)),
            pl.BlockSpec((DIM, 16), lambda i: (0, 0)),
        ],
        out_specs=[
            pl.BlockSpec((512, 16), lambda i: (i, 0)),
            pl.BlockSpec((512, 16), lambda i: (i, 0)),
        ],
        out_shape=[
            jax.ShapeDtypeStruct((NPAD, 16), jnp.float32),
            jax.ShapeDtypeStruct((NPAD, 16), jnp.float32),
        ],
    )(xp, wuu, buu, wvv)



def _pass1_body(tuu, tvv, srcm, dstm, z16, denoms, exm,
                dsp, sidx, didx, av, bv, semA, semB):
    cid = lax.axis_index("c")
    sid = lax.axis_index("s")
    wid = sid * 2 + cid
    pltpu.sync_copy(z16, dsp.at[pl.ds(sid * 640, 640)])
    plsc.subcore_barrier()

    def _chunk(c, carry):
        r0 = wid * RPW + c * CH
        pltpu.sync_copy(srcm.at[pl.ds(r0, CH)], sidx)
        pltpu.sync_copy(dstm.at[pl.ds(r0, CH)], didx)
        cps = [pltpu.async_copy(tuu.at[sidx.at[j]], av.at[j], semA)
               for j in range(CH)]
        cps += [pltpu.async_copy(tvv.at[didx.at[j]], bv.at[j], semB)
                for j in range(CH)]
        for cp in cps:
            cp.wait()
        for j in range(CH):
            @plsc.parallel_loop(0, 128, 1, unroll=2)
            def _edge(i):
                e2 = av[j, i, :] + bv[j, i, :]
                e2 = jnp.where(e2 >= 0.0, e2, e2 * 0.2)
                av[j, i, :] = jnp.exp(e2)
        outs = [pltpu.async_copy(av.at[j], dsp.at[didx.at[j]], semA, add=True)
                for j in range(CH)]
        outs.append(pltpu.async_copy(av, exm.at[pl.ds(r0, CH)], semB))
        for cp in outs:
            cp.wait()
        return carry
    lax.fori_loop(0, NCH, _chunk, 0)
    plsc.subcore_barrier()
    pltpu.sync_copy(dsp.at[pl.ds(sid * 640, 640)],
                    denoms.at[pl.ds(cid * NPAD + sid * 640, 640)])


def _pass1(tuu, tvv, srcm, dstm, z16):
    return pl.kernel(
        _pass1_body,
        out_type=[
            jax.ShapeDtypeStruct((2 * NPAD, 16), jnp.float32),
            jax.ShapeDtypeStruct((ROWS, 128, 16), jnp.float32),
        ],
        mesh=_mesh(),
        compiler_params=_params(),
        scratch_types=[
            pltpu.VMEM_SHARED((NPAD, 16), jnp.float32),
            pltpu.VMEM((CH, 128), jnp.int32),
            pltpu.VMEM((CH, 128), jnp.int32),
            pltpu.VMEM((CH, 128, 16), jnp.float32),
            pltpu.VMEM((CH, 128, 16), jnp.float32),
            pltpu.SemaphoreType.DMA,
            pltpu.SemaphoreType.DMA,
        ],
    )(tuu, tvv, srcm, dstm, z16)



def _combine_body(denoms, rcp, d0, d1):
    cid = lax.axis_index("c")
    sid = lax.axis_index("s")
    wid = sid * 2 + cid
    r0 = wid * (NPAD // NW)
    pltpu.sync_copy(denoms.at[pl.ds(r0, NPAD // NW)], d0)
    pltpu.sync_copy(denoms.at[pl.ds(NPAD + r0, NPAD // NW)], d1)

    @plsc.parallel_loop(0, NPAD // NW, 1, unroll=2)
    def _row(i):
        d0[i, :] = 1.0 / (d0[i, :] + d1[i, :] + 1e-9)

    pltpu.sync_copy(d0, rcp.at[pl.ds(r0, NPAD // NW)])


def _combine(denoms):
    return pl.kernel(
        _combine_body,
        out_type=jax.ShapeDtypeStruct((NPAD, 16), jnp.float32),
        mesh=_mesh(),
        compiler_params=_params(),
        scratch_types=[
            pltpu.VMEM((NPAD // NW, 16), jnp.float32),
            pltpu.VMEM((NPAD // NW, 16), jnp.float32),
        ],
    )(denoms)



def _pass2_body(rcp, exm, srcm, dstm, xp, z128, aggs,
                asp, sidx, didx, exv, rv, xv, semA, semB):
    cid = lax.axis_index("c")
    sid = lax.axis_index("s")
    wid = sid * 2 + cid
    pltpu.sync_copy(z128, asp.at[pl.ds(sid * 640, 640)])
    plsc.subcore_barrier()

    def _chunk(c, carry):
        r0 = wid * RPW + c * CH2
        pltpu.sync_copy(srcm.at[pl.ds(r0, CH2)], sidx)
        pltpu.sync_copy(dstm.at[pl.ds(r0, CH2)], didx)
        cps0 = [pltpu.async_copy(exm.at[pl.ds(r0, CH2)], exv, semA),
                pltpu.async_copy(rcp.at[didx.at[0]], rv.at[0], semA),
                pltpu.async_copy(xp.at[sidx.at[0]], xv.at[0], semA)]
        cps1 = [pltpu.async_copy(rcp.at[didx.at[1]], rv.at[1], semB),
                pltpu.async_copy(xp.at[sidx.at[1]], xv.at[1], semB)]
        for cp in cps0:
            cp.wait()

        @plsc.parallel_loop(0, 128, 1, unroll=2)
        def _edge0(i):
            p2 = exv[0, i, :] * rv[0, i, :]
            for t in range(8):
                xv[0, i, pl.ds(16 * t, 16)] = xv[0, i, pl.ds(16 * t, 16)] * p2

        for cp in cps1:
            cp.wait()
        o0 = pltpu.async_copy(xv.at[0], asp.at[didx.at[0]], semA, add=True)

        @plsc.parallel_loop(0, 128, 1, unroll=2)
        def _edge1(i):
            p2 = exv[1, i, :] * rv[1, i, :]
            for t in range(8):
                xv[1, i, pl.ds(16 * t, 16)] = xv[1, i, pl.ds(16 * t, 16)] * p2

        o0.wait()
        o1 = pltpu.async_copy(xv.at[1], asp.at[didx.at[1]], semB, add=True)
        o1.wait()
        return carry
    lax.fori_loop(0, NCH2, _chunk, 0)
    plsc.subcore_barrier()
    pltpu.sync_copy(asp.at[pl.ds(sid * 640, 640)],
                    aggs.at[pl.ds(cid * NPAD + sid * 640, 640)])


def _pass2(rcp, exm, srcm, dstm, xp, z128):
    return pl.kernel(
        _pass2_body,
        out_type=jax.ShapeDtypeStruct((2 * NPAD, DIM), jnp.float32),
        mesh=_mesh(),
        compiler_params=_params(),
        scratch_types=[
            pltpu.VMEM_SHARED((NPAD, DIM), jnp.float32),
            pltpu.VMEM((CH2, 128), jnp.int32),
            pltpu.VMEM((CH2, 128), jnp.int32),
            pltpu.VMEM((CH2, 128, 16), jnp.float32),
            pltpu.VMEM((CH2, 128, 16), jnp.float32),
            pltpu.VMEM((CH2, 128, DIM), jnp.float32),
            pltpu.SemaphoreType.DMA,
            pltpu.SemaphoreType.DMA,
        ],
    )(rcp, exm, srcm, dstm, xp, z128)



def _epilog_body(x_ref, a0_ref, a1_ref, o_ref):
    o_ref[:, :DIM] = x_ref[...]
    o_ref[:, DIM:] = a0_ref[0] + a1_ref[0]


def _epilog(x, aggs3):
    return pl.pallas_call(
        _epilog_body,
        grid=(N // 400,),
        in_specs=[
            pl.BlockSpec((400, DIM), lambda i: (i, 0)),
            pl.BlockSpec((1, 400, DIM), lambda i: (0, i, 0)),
            pl.BlockSpec((1, 400, DIM), lambda i: (1, i, 0)),
        ],
        out_specs=pl.BlockSpec((400, 2 * DIM), lambda i: (i, 0)),
        out_shape=jax.ShapeDtypeStruct((N, 2 * DIM), jnp.float32),
    )(x, aggs3, aggs3)


def kernel(x, edge_index, W_u, b_u, W_v):
    f32 = jnp.float32
    src = edge_index[0]
    dst = edge_index[1]
    xp = jnp.zeros((NPAD, DIM), f32).at[:N].set(x)
    wuu = jnp.concatenate([W_u, W_u], axis=1)
    buu = jnp.concatenate([b_u, b_u]).reshape(1, 16)
    wvv = jnp.concatenate([W_v, W_v], axis=1)
    tuu, tvv = _prolog(xp, wuu, buu, wvv)
    pad = EP - E
    srcm = jnp.concatenate([src, jnp.zeros((pad,), jnp.int32)]).reshape(ROWS, 128)
    dstm = jnp.concatenate([dst, jnp.full((pad,), DUMMY, jnp.int32)]).reshape(ROWS, 128)
    z16 = jnp.zeros((640, 16), f32)
    z128 = jnp.zeros((640, DIM), f32)
    denoms, exm = _pass1(tuu, tvv, srcm, dstm, z16)
    rcp = _combine(denoms)
    aggs = _pass2(rcp, exm, srcm, dstm, xp, z128)
    return _epilog(x, aggs.reshape(2, NPAD, DIM))

# --- scband reference (transcript-rebuilt; emitter-appended) ---
"""Pipeline reference for scband-graph-attn-gataggregation-module-75050258530504 (READ-ONLY COPY).

The authoritative reference and input builder live on the scoring server;
editing this copy changes nothing except your own understanding.
"""

import jax, jax.numpy as jnp
import numpy as np

N = 10000
E = 320000
DIM = 128
H = 8
HD = DIM // H


def setup_inputs(seed: int = 0) -> dict:
    key = jax.random.key(seed)
    k1, k2, k3, k4 = jax.random.split(key, 4)
    x = jax.random.normal(k1, (N, DIM), dtype=jnp.float32)
    edge_index = jax.random.randint(k2, (2, E), 0, N, dtype=jnp.int32)
    # nn.Linear(dim, num_heads) weights: stored here as [dim, H] (transposed torch layout)
    W_u = jax.random.normal(k3, (DIM, H), dtype=jnp.float32) * 0.05
    b_u = jnp.zeros((H,), dtype=jnp.float32)
    W_v = jax.random.normal(k4, (DIM, H), dtype=jnp.float32) * 0.05
    return {"x": x, "edge_index": edge_index, "W_u": W_u, "b_u": b_u, "W_v": W_v}


def reference(x, edge_index, W_u, b_u, W_v):
    src = edge_index[0]
    dst = edge_index[1]
    # attn_linear_u / attn_linear_v
    s_u = x @ W_u + b_u          # [N, H]
    s_v = x @ W_v                # [N, H]
    # ops.u_add_v: per-edge src score + dst score
    e = s_u[src] + s_v[dst]      # [E, H]
    # LeakyReLU(0.2)
    e = jax.nn.leaky_relu(e, negative_slope=0.2)
    # ops.edge_softmax: softmax over incoming edges grouped by dst node
    m = jax.ops.segment_max(e, dst, num_segments=N)  # [N, H]
    m = jnp.where(jnp.isfinite(m), m, 0.0)
    ex = jnp.exp(e - m[dst])
    denom = jax.ops.segment_sum(ex, dst, num_segments=N)  # [N, H]
    probs = ex / (denom[dst] + 1e-9)  # [E, H]
    # x reshape to [N, head_dim, num_heads]
    xr = x.reshape(N, HD, H)
    # ops.u_mul_e_sum: gather src feats, weight by per-edge probs, scatter-add to dst
    msg = xr[src] * probs[:, None, :]                 # [E, HD, H]
    agg = jax.ops.segment_sum(msg, dst, num_segments=N)  # [N, HD, H]
    agg = agg.reshape(N, DIM)
    return jnp.concatenate([x, agg], axis=-1)  # [N, 2*DIM]

if __name__ == "__main__":
    import jax
    _d = setup_inputs()
    print(jax.jit(kernel)(*tuple(_d.values())))

</pallas_src>

<mosaic_0001>
#map = affine_map<(d0, d1) -> (0, 0)>
module attributes {stable_mosaic.version = 14 : i64} {
  func.func @_combine_body(%arg0: i32, %arg1: i32, %arg2: memref<20480x16xf32, #tpu.memory_space<hbm>>, %arg3: memref<10240x16xf32, #tpu.memory_space<hbm>>, %arg4: memref<320x16xf32, #tpu.memory_space<vmem>>, %arg5: memref<320x16xf32, #tpu.memory_space<vmem>>) attributes {dimension_semantics = [#tpu.dimension_semantics<core_parallel>, #tpu.dimension_semantics<subcore_parallel>], iteration_bounds = array<i64: 2, 16>, scalar_prefetch = 0 : i64, scratch_operands = 2 : i64, tpu.core_type = #tpu.core_type<sc_vector_subcore>, window_params = [{transform_indices = #map}, {transform_indices = #map}]} {
    %mul3A = arith.constant 2 : i32
    %mul3A_0 = arith.muli %arg1, %mul3A : i32
    %add3A = arith.addi %mul3A_0, %arg0 : i32
    %mul3A_1 = arith.constant 320 : i32
    %mul3A_2 = arith.muli %add3A, %mul3A_1 : i32
    "tpu.region"() ({
      %run_scoped3A = tpu.sem_alloc : memref<!tpu.dma_semaphore, #tpu.memory_space<semaphore_mem>>
      %dma_start3A = arith.constant 0 : i32
      %dma_start3A_7 = tpu.memref_slice %arg2[%mul3A_2, %dma_start3A] : memref<20480x16xf32, #tpu.memory_space<hbm>> -> memref<320x16xf32, #tpu.memory_space<hbm>>
      %dma_start3A_8 = arith.constant 0 : i32
      %dma_start3A_9 = tpu.memref_slice %arg2[%mul3A_2, %dma_start3A_8] : memref<20480x16xf32, #tpu.memory_space<hbm>> -> memref<320x16xf32, #tpu.memory_space<hbm>>
      tpu.enqueue_dma source(%dma_start3A_9 : memref<320x16xf32, #tpu.memory_space<hbm>>) target(%arg4 : memref<320x16xf32, #tpu.memory_space<vmem>>) target_semaphore(%run_scoped3A : memref<!tpu.dma_semaphore, #tpu.memory_space<semaphore_mem>>)
      %dma_wait3A = arith.constant 0 : i32
      %dma_wait3A_10 = tpu.memref_slice %arg2[%mul3A_2, %dma_wait3A] : memref<20480x16xf32, #tpu.memory_space<hbm>> -> memref<320x16xf32, #tpu.memory_space<hbm>>
      %dma_wait3A_11 = arith.constant 0 : i32
      %dma_wait3A_12 = tpu.memref_slice %arg2[%mul3A_2, %dma_wait3A_11] : memref<20480x16xf32, #tpu.memory_space<hbm>> -> memref<320x16xf32, #tpu.memory_space<hbm>>
      tpu.wait_dma2 semaphore(%run_scoped3A : memref<!tpu.dma_semaphore, #tpu.memory_space<semaphore_mem>>) src(%dma_wait3A_12 : memref<320x16xf32, #tpu.memory_space<hbm>>) dst(%arg4 : memref<320x16xf32, #tpu.memory_space<vmem>>)
      tpu.yield
    }) : () -> ()
    %add3A_3 = arith.constant 10240 : i32
    %add3A_4 = arith.addi %add3A_3, %mul3A_2 : i32
    "tpu.region"() ({
      %run_scoped3A = tpu.sem_alloc : memref<!tpu.dma_semaphore, #tpu.memory_space<semaphore_mem>>
      %dma_start3A = arith.constant 0 : i32
      %dma_start3A_7 = tpu.memref_slice %arg2[%add3A_4, %dma_start3A] : memref<20480x16xf32, #tpu.memory_space<hbm>> -> memref<320x16xf32, #tpu.memory_space<hbm>>
      %dma_start3A_8 = arith.constant 0 : i32
      %dma_start3A_9 = tpu.memref_slice %arg2[%add3A_4, %dma_start3A_8] : memref<20480x16xf32, #tpu.memory_space<hbm>> -> memref<320x16xf32, #tpu.memory_space<hbm>>
      tpu.enqueue_dma source(%dma_start3A_9 : memref<320x16xf32, #tpu.memory_space<hbm>>) target(%arg5 : memref<320x16xf32, #tpu.memory_space<vmem>>) target_semaphore(%run_scoped3A : memref<!tpu.dma_semaphore, #tpu.memory_space<semaphore_mem>>)
      %dma_wait3A = arith.constant 0 : i32
      %dma_wait3A_10 = tpu.memref_slice %arg2[%add3A_4, %dma_wait3A] : memref<20480x16xf32, #tpu.memory_space<hbm>> -> memref<320x16xf32, #tpu.memory_space<hbm>>
      %dma_wait3A_11 = arith.constant 0 : i32
      %dma_wait3A_12 = tpu.memref_slice %arg2[%add3A_4, %dma_wait3A_11] : memref<20480x16xf32, #tpu.memory_space<hbm>> -> memref<320x16xf32, #tpu.memory_space<hbm>>
      tpu.wait_dma2 semaphore(%run_scoped3A : memref<!tpu.dma_semaphore, #tpu.memory_space<semaphore_mem>>) src(%dma_wait3A_12 : memref<320x16xf32, #tpu.memory_space<hbm>>) dst(%arg5 : memref<320x16xf32, #tpu.memory_space<vmem>>)
      tpu.yield
    }) : () -> ()
    %parallel_loop3A = arith.constant 0 : i32
    %parallel_loop3A_5 = arith.constant 320 : i32
    %parallel_loop3A_6 = arith.constant 1 : i32
    scf.for %parallel_loop3A_7 = %parallel_loop3A to %parallel_loop3A_5 step %parallel_loop3A_6  : i32 {
      %parallel_loop3A_8 = arith.index_cast %parallel_loop3A_7 : i32 to index
      %parallel_loop3A_9 = arith.constant 0 : index
      %parallel_loop3A_10 = tpu.vector_load %arg4[%parallel_loop3A_8, %parallel_loop3A_9] {strides = array<i32>} : memref<320x16xf32, #tpu.memory_space<vmem>>, vector<1x16xf32>,
      %parallel_loop3A_11 = vector.shape_cast %parallel_loop3A_10 : vector<1x16xf32> to vector<16xf32>
      %parallel_loop3A_12 = arith.index_cast %parallel_loop3A_7 : i32 to index
      %parallel_loop3A_13 = arith.constant 0 : index
      %parallel_loop3A_14 = tpu.vector_load %arg5[%parallel_loop3A_12, %parallel_loop3A_13] {strides = array<i32>} : memref<320x16xf32, #tpu.memory_space<vmem>>, vector<1x16xf32>,
      %parallel_loop3A_15 = vector.shape_cast %parallel_loop3A_14 : vector<1x16xf32> to vector<16xf32>
      %parallel_loop3A_16 = arith.addf %parallel_loop3A_11, %parallel_loop3A_15 : vector<16xf32>
      %parallel_loop3A_17 = arith.constant 9.99999971E-10 : f32
      %parallel_loop3A_18 = vector.broadcast %parallel_loop3A_17 : f32 to vector<16xf32>
      %parallel_loop3A_19 = arith.addf %parallel_loop3A_16, %parallel_loop3A_18 : vector<16xf32>
      %parallel_loop3A_20 = arith.constant 1.000000e+00 : f32
      %parallel_loop3A_21 = vector.broadcast %parallel_loop3A_20 : f32 to vector<16xf32>
      %parallel_loop3A_22 = arith.divf %parallel_loop3A_21, %parallel_loop3A_19 : vector<16xf32>
      %parallel_loop3A_23 = arith.index_cast %parallel_loop3A_7 : i32 to index
      %parallel_loop3A_24 = arith.constant 0 : index
      %parallel_loop3A_25 = tpu.vector_load %arg4[%parallel_loop3A_23, %parallel_loop3A_24] {strides = array<i32>} : memref<320x16xf32, #tpu.memory_space<vmem>>, vector<1x16xf32>,
      %parallel_loop3A_26 = vector.shape_cast %parallel_loop3A_25 : vector<1x16xf32> to vector<16xf32>
      %parallel_loop3A_27 = vector.shape_cast %parallel_loop3A_22 : vector<16xf32> to vector<1x16xf32>
      tpu.vector_store %arg4[%parallel_loop3A_23, %parallel_loop3A_24], %parallel_loop3A_27 {strides = array<i32>} : memref<320x16xf32, #tpu.memory_space<vmem>>, vector<1x16xf32>,
    } {sc.loop_unroll_factor = 2 : i64, sc.parallel_access}
    "tpu.region"() ({
      %run_scoped3A = tpu.sem_alloc : memref<!tpu.dma_semaphore, #tpu.memory_space<semaphore_mem>>
      %dma_start3A = arith.constant 0 : i32
      %dma_start3A_7 = tpu.memref_slice %arg3[%mul3A_2, %dma_start3A] : memref<10240x16xf32, #tpu.memory_space<hbm>> -> memref<320x16xf32, #tpu.memory_space<hbm>>
      %dma_start3A_8 = arith.constant 0 : i32
      %dma_start3A_9 = tpu.memref_slice %arg3[%mul3A_2, %dma_start3A_8] : memref<10240x16xf32, #tpu.memory_space<hbm>> -> memref<320x16xf32, #tpu.memory_space<hbm>>
      tpu.enqueue_dma source(%arg4 : memref<320x16xf32, #tpu.memory_space<vmem>>) target(%dma_start3A_9 : memref<320x16xf32, #tpu.memory_space<hbm>>) target_semaphore(%run_scoped3A : memref<!tpu.dma_semaphore, #tpu.memory_space<semaphore_mem>>)
      %dma_wait3A = arith.constant 0 : i32
      %dma_wait3A_10 = tpu.memref_slice %arg3[%mul3A_2, %dma_wait3A] : memref<10240x16xf32, #tpu.memory_space<hbm>> -> memref<320x16xf32, #tpu.memory_space<hbm>>
      %dma_wait3A_11 = arith.constant 0 : i32
      %dma_wait3A_12 = tpu.memref_slice %arg3[%mul3A_2, %dma_wait3A_11] : memref<10240x16xf32, #tpu.memory_space<hbm>> -> memref<320x16xf32, #tpu.memory_space<hbm>>
      tpu.wait_dma2 semaphore(%run_scoped3A : memref<!tpu.dma_semaphore, #tpu.memory_space<semaphore_mem>>) src(%arg4 : memref<320x16xf32, #tpu.memory_space<vmem>>) dst(%dma_wait3A_12 : memref<320x16xf32, #tpu.memory_space<hbm>>)
      tpu.yield
    }) : () -> ()
    return
  }
}

#map = affine_map<(d0, d1) -> (0, 0)>
#map1 = affine_map<(d0, d1) -> (0, 0, 0)>
module attributes {stable_mosaic.version = 14 : i64} {
  func.func @_pass2_body(%arg0: i32, %arg1: i32, %arg2: memref<10240x16xf32, #tpu.memory_space<hbm>>, %arg3: memref<2560x128x16xf32, #tpu.memory_space<hbm>>, %arg4: memref<2560x128xi32, #tpu.memory_space<hbm>>, %arg5: memref<2560x128xi32, #tpu.memory_space<hbm>>, %arg6: memref<10240x128xf32, #tpu.memory_space<hbm>>, %arg7: memref<640x128xf32, #tpu.memory_space<hbm>>, %arg8: memref<20480x128xf32, #tpu.memory_space<hbm>>, %arg9: memref<10240x128xf32, #tpu.memory_space<vmem_shared>>, %arg10: memref<2x128xi32, #tpu.memory_space<vmem>>, %arg11: memref<2x128xi32, #tpu.memory_space<vmem>>, %arg12: memref<2x128x16xf32, #tpu.memory_space<vmem>>, %arg13: memref<2x128x16xf32, #tpu.memory_space<vmem>>, %arg14: memref<2x128x128xf32, #tpu.memory_space<vmem>>, %arg15: memref<!tpu.dma_semaphore, #tpu.memory_space<semaphore_mem>>, %arg16: memref<!tpu.dma_semaphore, #tpu.memory_space<semaphore_mem>>) attributes {dimension_semantics = [#tpu.dimension_semantics<core_parallel>, #tpu.dimension_semantics<subcore_parallel>], iteration_bounds = array<i64: 2, 16>, scalar_prefetch = 0 : i64, scratch_operands = 8 : i64, tpu.core_type = #tpu.core_type<sc_vector_subcore>, window_params = [{transform_indices = #map}, {transform_indices = #map1}, {transform_indices = #map}, {transform_indices = #map}, {transform_indices = #map}, {transform_indices = #map}, {transform_indices = #map}]} {
    %mul3A = arith.constant 2 : i32
    %mul3A_0 = arith.muli %arg1, %mul3A : i32
    %add3A = arith.addi %mul3A_0, %arg0 : i32
    %mul3A_1 = arith.constant 640 : i32
    %mul3A_2 = arith.muli %arg1, %mul3A_1 : i32
    "tpu.region"() ({
      %run_scoped3A = tpu.sem_alloc : memref<!tpu.dma_semaphore, #tpu.memory_space<semaphore_mem>>
      %dma_start3A = arith.constant 0 : i32
      %dma_start3A_16 = tpu.memref_slice %arg9[%mul3A_2, %dma_start3A] : memref<10240x128xf32, #tpu.memory_space<vmem_shared>> -> memref<640x128xf32, #tpu.memory_space<vmem_shared>>
      tpu.enqueue_dma source(%arg7 : memref<640x128xf32, #tpu.memory_space<hbm>>) target(%dma_start3A_16 : memref<640x128xf32, #tpu.memory_space<vmem_shared>>) target_semaphore(%run_scoped3A : memref<!tpu.dma_semaphore, #tpu.memory_space<semaphore_mem>>)
      %dma_wait3A = arith.constant 0 : i32
      %dma_wait3A_17 = tpu.memref_slice %arg9[%mul3A_2, %dma_wait3A] : memref<10240x128xf32, #tpu.memory_space<vmem_shared>> -> memref<640x128xf32, #tpu.memory_space<vmem_shared>>
      tpu.wait_dma2 semaphore(%run_scoped3A : memref<!tpu.dma_semaphore, #tpu.memory_space<semaphore_mem>>) src(%arg7 : memref<640x128xf32, #tpu.memory_space<hbm>>) dst(%dma_wait3A_17 : memref<640x128xf32, #tpu.memory_space<vmem_shared>>)
      tpu.yield
    }) : () -> ()
    %barrier3A = arith.constant 0 : index
    tpu.barrier barrier_id(%barrier3A)
    %scan3A = arith.constant 0 : i32
    %scan3A_3 = arith.constant 0 : i32
    %scan3A_4 = arith.constant 40 : i32
    %scan3A_5 = arith.addi %scan3A_3, %scan3A_4 : i32
    %scan3A_6 = arith.constant 1 : i32
    scf.for %scan3A_16 = %scan3A_3 to %scan3A_5 step %scan3A_6  : i32 {
      %mul3A_17 = arith.constant 80 : i32
      %mul3A_18 = arith.muli %add3A, %mul3A_17 : i32
      %mul3A_19 = arith.constant 2 : i32
      %mul3A_20 = arith.muli %scan3A_16, %mul3A_19 : i32
      %add3A_21 = arith.addi %mul3A_18, %mul3A_20 : i32
      "tpu.region"() ({
        %run_scoped3A = tpu.sem_alloc : memref<!tpu.dma_semaphore, #tpu.memory_space<semaphore_mem>>
        %dma_start3A_181 = arith.constant 0 : i32
        %dma_start3A_182 = tpu.memref_slice %arg4[%add3A_21, %dma_start3A_181] : memref<2560x128xi32, #tpu.memory_space<hbm>> -> memref<2x128xi32, #tpu.memory_space<hbm>>
        %dma_start3A_183 = arith.constant 0 : i32
        %dma_start3A_184 = tpu.memref_slice %arg4[%add3A_21, %dma_start3A_183] : memref<2560x128xi32, #tpu.memory_space<hbm>> -> memref<2x128xi32, #tpu.memory_space<hbm>>
        tpu.enqueue_dma source(%dma_start3A_184 : memref<2x128xi32, #tpu.memory_space<hbm>>) target(%arg10 : memref<2x128xi32, #tpu.memory_space<vmem>>) target_semaphore(%run_scoped3A : memref<!tpu.dma_semaphore, #tpu.memory_space<semaphore_mem>>)
        %dma_wait3A_185 = arith.constant 0 : i32
        %dma_wait3A_186 = tpu.memref_slice %arg4[%add3A_21, %dma_wait3A_185] : memref<2560x128xi32, #tpu.memory_space<hbm>> -> memref<2x128xi32, #tpu.memory_space<hbm>>
        %dma_wait3A_187 = arith.constant 0 : i32
        %dma_wait3A_188 = tpu.memref_slice %arg4[%add3A_21, %dma_wait3A_187] : memref<2560x128xi32, #tpu.memory_space<hbm>> -> memref<2x128xi32, #tpu.memory_space<hbm>>
        tpu.wait_dma2 semaphore(%run_scoped3A : memref<!tpu.dma_semaphore, #tpu.memory_space<semaphore_mem>>) src(%dma_wait3A_188 : memref<2x128xi32, #tpu.memory_space<hbm>>) dst(%arg10 : memref<2x128xi32, #tpu.memory_space<vmem>>)
        tpu.yield
      }) : () -> ()
      "tpu.region"() ({
        %run_scoped3A = tpu.sem_alloc : memref<!tpu.dma_semaphore, #tpu.memory_space<semaphore_mem>>
        %dma_start3A_181 = arith.constant 0 : i32
        %dma_start3A_182 = tpu.memref_slice %arg5[%add3A_21, %dma_start3A_181] : memref<2560x128xi32, #tpu.memory_space<hbm>> -> memref<2x128xi32, #tpu.memory_space<hbm>>
        %dma_start3A_183 = arith.constant 0 : i32
        %dma_start3A_184 = tpu.memref_slice %arg5[%add3A_21, %dma_start3A_183] : memref<2560x128xi32, #tpu.memory_space<hbm>> -> memref<2x128xi32, #tpu.memory_space<hbm>>
        tpu.enqueue_dma source(%dma_start3A_184 : memref<2x128xi32, #tpu.memory_space<hbm>>) target(%arg11 : memref<2x128xi32, #tpu.memory_space<vmem>>) target_semaphore(%run_scoped3A : memref<!tpu.dma_semaphore, #tpu.memory_space<semaphore_mem>>)
        %dma_wait3A_185 = arith.constant 0 : i32
        %dma_wait3A_186 = tpu.memref_slice %arg5[%add3A_21, %dma_wait3A_185] : memref<2560x128xi32, #tpu.memory_space<hbm>> -> memref<2x128xi32, #tpu.memory_space<hbm>>
        %dma_wait3A_187 = arith.constant 0 : i32
        %dma_wait3A_188 = tpu.memref_slice %arg5[%add3A_21, %dma_wait3A_187] : memref<2560x128xi32, #tpu.memory_space<hbm>> -> memref<2x128xi32, #tpu.memory_space<hbm>>
        tpu.wait_dma2 semaphore(%run_scoped3A : memref<!tpu.dma_semaphore, #tpu.memory_space<semaphore_mem>>) src(%dma_wait3A_188 : memref<2x128xi32, #tpu.memory_space<hbm>>) dst(%arg11 : memref<2x128xi32, #tpu.memory_space<vmem>>)
        tpu.yield
      }) : () -> ()
      %dma_start3A = arith.constant 0 : i32
      %dma_start3A_22 = arith.constant 0 : i32
      %dma_start3A_23 = tpu.memref_slice %arg3[%add3A_21, %dma_start3A, %dma_start3A_22] : memref<2560x128x16xf32, #tpu.memory_space<hbm>> -> memref<2x128x16xf32, #tpu.memory_space<hbm>>
      %dma_start3A_24 = arith.constant 0 : i32
      %dma_start3A_25 = arith.constant 0 : i32
      %dma_start3A_26 = tpu.memref_slice %arg3[%add3A_21, %dma_start3A_24, %dma_start3A_25] : memref<2560x128x16xf32, #tpu.memory_space<hbm>> -> memref<2x128x16xf32, #tpu.memory_space<hbm>>
      tpu.enqueue_dma source(%dma_start3A_26 : memref<2x128x16xf32, #tpu.memory_space<hbm>>) target(%arg12 : memref<2x128x16xf32, #tpu.memory_space<vmem>>) target_semaphore(%arg15 : memref<!tpu.dma_semaphore, #tpu.memory_space<semaphore_mem>>)
      %dma_start3A_27 = arith.constant 0 : i32
      %dma_start3A_28 = arith.constant 0 : i32
      %dma_start3A_29 = arith.constant 0 : i32
      %dma_start3A_30 = arith.constant 0 : i32
      %dma_start3A_31 = tpu.memref_slice %arg13[%dma_start3A_28, %dma_start3A_29, %dma_start3A_30] : memref<2x128x16xf32, #tpu.memory_space<vmem>> -> memref<1x128x16xf32, #tpu.memory_space<vmem>>
      %dma_start3A_32 = tpu.memref_squeeze %dma_start3A_31 : memref<1x128x16xf32, #tpu.memory_space<vmem>> -> memref<128x16xf32, #tpu.memory_space<vmem>>
      %dma_start3A_33 = arith.constant 0 : i32
      %dma_start3A_34 = tpu.memref_slice %arg11[%dma_start3A_27, %dma_start3A_33] : memref<2x128xi32, #tpu.memory_space<vmem>> -> memref<1x128xi32, #tpu.memory_space<vmem>>
      %dma_start3A_35 = tpu.memref_squeeze %dma_start3A_34 : memref<1x128xi32, #tpu.memory_space<vmem>> -> memref<128xi32, #tpu.memory_space<vmem>>
      %dma_start3A_36 = arith.constant 0 : i32
      %dma_start3A_37 = arith.constant 0 : i32
      %dma_start3A_38 = tpu.memref_slice %arg2[%dma_start3A_36, %dma_start3A_37] : memref<10240x16xf32, #tpu.memory_space<hbm>> -> memref<10240x16xf32, #tpu.memory_space<hbm>>
      tpu.enqueue_indirect_dma source(%dma_start3A_38 : memref<10240x16xf32, #tpu.memory_space<hbm>>) target(%dma_start3A_32 : memref<128x16xf32, #tpu.memory_space<vmem>>) offsets(%dma_start3A_35 : memref<128xi32, #tpu.memory_space<vmem>>) semaphore(%arg15 : memref<!tpu.dma_semaphore, #tpu.memory_space<semaphore_mem>>)
      %dma_start3A_39 = arith.constant 0 : i32
      %dma_start3A_40 = arith.constant 0 : i32
      %dma_start3A_41 = arith.constant 0 : i32
      %dma_start3A_42 = arith.constant 0 : i32
      %dma_start3A_43 = tpu.memref_slice %arg14[%dma_start3A_40, %dma_start3A_41, %dma_start3A_42] : memref<2x128x128xf32, #tpu.memory_space<vmem>> -> memref<1x128x128xf32, #tpu.memory_space<vmem>>
      %dma_start3A_44 = tpu.memref_squeeze %dma_start3A_43 : memref<1x128x128xf32, #tpu.memory_space<vmem>> -> memref<128x128xf32, #tpu.memory_space<vmem>>
      %dma_start3A_45 = arith.constant 0 : i32
      %dma_start3A_46 = tpu.memref_slice %arg10[%dma_start3A_39, %dma_start3A_45] : memref<2x128xi32, #tpu.memory_space<vmem>> -> memref<1x128xi32, #tpu.memory_space<vmem>>
      %dma_start3A_47 = tpu.memref_squeeze %dma_start3A_46 : memref<1x128xi32, #tpu.memory_space<vmem>> -> memref<128xi32, #tpu.memory_space<vmem>>
      %dma_start3A_48 = arith.constant 0 : i32
      %dma_start3A_49 = arith.constant 0 : i32
      %dma_start3A_50 = tpu.memref_slice %arg6[%dma_start3A_48, %dma_start3A_49] : memref<10240x128xf32, #tpu.memory_space<hbm>> -> memref<10240x128xf32, #tpu.memory_space<hbm>>
      tpu.enqueue_indirect_dma source(%dma_start3A_50 : memref<10240x128xf32, #tpu.memory_space<hbm>>) target(%dma_start3A_44 : memref<128x128xf32, #tpu.memory_space<vmem>>) offsets(%dma_start3A_47 : memref<128xi32, #tpu.memory_space<vmem>>) semaphore(%arg15 : memref<!tpu.dma_semaphore, #tpu.memory_space<semaphore_mem>>)
      %dma_start3A_51 = arith.constant 1 : i32
      %dma_start3A_52 = arith.constant 1 : i32
      %dma_start3A_53 = arith.constant 0 : i32
      %dma_start3A_54 = arith.constant 0 : i32
      %dma_start3A_55 = tpu.memref_slice %arg13[%dma_start3A_52, %dma_start3A_53, %dma_start3A_54] : memref<2x128x16xf32, #tpu.memory_space<vmem>> -> memref<1x128x16xf32, #tpu.memory_space<vmem>>
      %dma_start3A_56 = tpu.memref_squeeze %dma_start3A_55 : memref<1x128x16xf32, #tpu.memory_space<vmem>> -> memref<128x16xf32, #tpu.memory_space<vmem>>
      %dma_start3A_57 = arith.constant 0 : i32
      %dma_start3A_58 = tpu.memref_slice %arg11[%dma_start3A_51, %dma_start3A_57] : memref<2x128xi32, #tpu.memory_space<vmem>> -> memref<1x128xi32, #tpu.memory_space<vmem>>
      %dma_start3A_59 = tpu.memref_squeeze %dma_start3A_58 : memref<1x128xi32, #tpu.memory_space<vmem>> -> memref<128xi32, #tpu.memory_space<vmem>>
      %dma_start3A_60 = arith.constant 0 : i32
      %dma_start3A_61 = arith.constant 0 : i32
      %dma_start3A_62 = tpu.memref_slice %arg2[%dma_start3A_60, %dma_start3A_61] : memref<10240x16xf32, #tpu.memory_space<hbm>> -> memref<10240x16xf32, #tpu.memory_space<hbm>>
      tpu.enqueue_indirect_dma source(%dma_start3A_62 : memref<10240x16xf32, #tpu.memory_space<hbm>>) target(%dma_start3A_56 : memref<128x16xf32, #tpu.memory_space<vmem>>) offsets(%dma_start3A_59 : memref<128xi32, #tpu.memory_space<vmem>>) semaphore(%arg16 : memref<!tpu.dma_semaphore, #tpu.memory_space<semaphore_mem>>)
      %dma_start3A_63 = arith.constant 1 : i32
      %dma_start3A_64 = arith.constant 1 : i32
      %dma_start3A_65 = arith.constant 0 : i32
      %dma_start3A_66 = arith.constant 0 : i32
      %dma_start3A_67 = tpu.memref_slice %arg14[%dma_start3A_64, %dma_start3A_65, %dma_start3A_66] : memref<2x128x128xf32, #tpu.memory_space<vmem>> -> memref<1x128x128xf32, #tpu.memory_space<vmem>>
      %dma_start3A_68 = tpu.memref_squeeze %dma_start3A_67 : memref<1x128x128xf32, #tpu.memory_space<vmem>> -> memref<128x128xf32, #tpu.memory_space<vmem>>
      %dma_start3A_69 = arith.constant 0 : i32
      %dma_start3A_70 = tpu.memref_slice %arg10[%dma_start3A_63, %dma_start3A_69] : memref<2x128xi32, #tpu.memory_space<vmem>> -> memref<1x128xi32, #tpu.memory_space<vmem>>
      %dma_start3A_71 = tpu.memref_squeeze %dma_start3A_70 : memref<1x128xi32, #tpu.memory_space<vmem>> -> memref<128xi32, #tpu.memory_space<vmem>>
      %dma_start3A_72 = arith.constant 0 : i32
      %dma_start3A_73 = arith.constant 0 : i32
      %dma_start3A_74 = tpu.memref_slice %arg6[%dma_start3A_72, %dma_start3A_73] : memref<10240x128xf32, #tpu.memory_space<hbm>> -> memref<10240x128xf32, #tpu.memory_space<hbm>>
      tpu.enqueue_indirect_dma source(%dma_start3A_74 : memref<10240x128xf32, #tpu.memory_space<hbm>>) target(%dma_start3A_68 : memref<128x128xf32, #tpu.memory_space<vmem>>) offsets(%dma_start3A_71 : memref<128xi32, #tpu.memory_space<vmem>>) semaphore(%arg16 : memref<!tpu.dma_semaphore, #tpu.memory_space<semaphore_mem>>)
      %dma_wait3A = arith.constant 0 : i32
      %dma_wait3A_75 = arith.constant 0 : i32
      %dma_wait3A_76 = tpu.memref_slice %arg3[%add3A_21, %dma_wait3A, %dma_wait3A_75] : memref<2560x128x16xf32, #tpu.memory_space<hbm>> -> memref<2x128x16xf32, #tpu.memory_space<hbm>>
      %dma_wait3A_77 = arith.constant 0 : i32
      %dma_wait3A_78 = arith.constant 0 : i32
      %dma_wait3A_79 = tpu.memref_slice %arg3[%add3A_21, %dma_wait3A_77, %dma_wait3A_78] : memref<2560x128x16xf32, #tpu.memory_space<hbm>> -> memref<2x128x16xf32, #tpu.memory_space<hbm>>
      tpu.wait_dma2 semaphore(%arg15 : memref<!tpu.dma_semaphore, #tpu.memory_space<semaphore_mem>>) src(%dma_wait3A_79 : memref<2x128x16xf32, #tpu.memory_space<hbm>>) dst(%arg12 : memref<2x128x16xf32, #tpu.memory_space<vmem>>)
      %dma_wait3A_80 = arith.constant 0 : i32
      %dma_wait3A_81 = arith.constant 0 : i32
      %dma_wait3A_82 = arith.constant 0 : i32
      %dma_wait3A_83 = arith.constant 0 : i32
      %dma_wait3A_84 = tpu.memref_slice %arg13[%dma_wait3A_81, %dma_wait3A_82, %dma_wait3A_83] : memref<2x128x16xf32, #tpu.memory_space<vmem>> -> memref<1x128x16xf32, #tpu.memory_space<vmem>>
      %dma_wait3A_85 = tpu.memref_squeeze %dma_wait3A_84 : memref<1x128x16xf32, #tpu.memory_space<vmem>> -> memref<128x16xf32, #tpu.memory_space<vmem>>
      %dma_wait3A_86 = arith.constant 0 : i32
      %dma_wait3A_87 = tpu.memref_slice %arg11[%dma_wait3A_80, %dma_wait3A_86] : memref<2x128xi32, #tpu.memory_space<vmem>> -> memref<1x128xi32, #tpu.memory_space<vmem>>
      %dma_wait3A_88 = tpu.memref_squeeze %dma_wait3A_87 : memref<1x128xi32, #tpu.memory_space<vmem>> -> memref<128xi32, #tpu.memory_space<vmem>>
      %dma_wait3A_89 = arith.constant 0 : i32
      %dma_wait3A_90 = arith.constant 0 : i32
      %dma_wait3A_91 = tpu.memref_slice %arg2[%dma_wait3A_89, %dma_wait3A_90] : memref<10240x16xf32, #tpu.memory_space<hbm>> -> memref<10240x16xf32, #tpu.memory_space<hbm>>
      tpu.wait_indirect_dma semaphore(%arg15 : memref<!tpu.dma_semaphore, #tpu.memory_space<semaphore_mem>>) src(%dma_wait3A_91 : memref<10240x16xf32, #tpu.memory_space<hbm>>) dst(%dma_wait3A_85 : memref<128x16xf32, #tpu.memory_space<vmem>>)
      %dma_wait3A_92 = arith.constant 0 : i32
      %dma_wait3A_93 = arith.constant 0 : i32
      %dma_wait3A_94 = arith.constant 0 : i32
      %dma_wait3A_95 = arith.constant 0 : i32
      %dma_wait3A_96 = tpu.memref_slice %arg14[%dma_wait3A_93, %dma_wait3A_94, %dma_wait3A_95] : memref<2x128x128xf32, #tpu.memory_space<vmem>> -> memref<1x128x128xf32, #tpu.memory_space<vmem>>
      %dma_wait3A_97 = tpu.memref_squeeze %dma_wait3A_96 : memref<1x128x128xf32, #tpu.memory_space<vmem>> -> memref<128x128xf32, #tpu.memory_space<vmem>>
      %dma_wait3A_98 = arith.constant 0 : i32
      %dma_wait3A_99 = tpu.memref_slice %arg10[%dma_wait3A_92, %dma_wait3A_98] : memref<2x128xi32, #tpu.memory_space<vmem>> -> memref<1x128xi32, #tpu.memory_space<vmem>>
      %dma_wait3A_100 = tpu.memref_squeeze %dma_wait3A_99 : memref<1x128xi32, #tpu.memory_space<vmem>> -> memref<128xi32, #tpu.memory_space<vmem>>
      %dma_wait3A_101 = arith.constant 0 : i32
      %dma_wait3A_102 = arith.constant 0 : i32
      %dma_wait3A_103 = tpu.memref_slice %arg6[%dma_wait3A_101, %dma_wait3A_102] : memref<10240x128xf32, #tpu.memory_space<hbm>> -> memref<10240x128xf32, #tpu.memory_space<hbm>>
      tpu.wait_indirect_dma semaphore(%arg15 : memref<!tpu.dma_semaphore, #tpu.memory_space<semaphore_mem>>) src(%dma_wait3A_103 : memref<10240x128xf32, #tpu.memory_space<hbm>>) dst(%dma_wait3A_97 : memref<128x128xf32, #tpu.memory_space<vmem>>)
      %parallel_loop3A = arith.constant 0 : i32
      %parallel_loop3A_104 = arith.constant 128 : i32
      %parallel_loop3A_105 = arith.constant 1 : i32
      scf.for %parallel_loop3A_181 = %parallel_loop3A to %parallel_loop3A_104 step %parallel_loop3A_105  : i32 {
        %parallel_loop3A_182 = arith.constant 0 : i32
        %parallel_loop3A_183 = arith.index_cast %parallel_loop3A_182 : i32 to index
        %parallel_loop3A_184 = arith.index_cast %parallel_loop3A_181 : i32 to index
        %parallel_loop3A_185 = arith.constant 0 : index
        %parallel_loop3A_186 = tpu.vector_load %arg12[%parallel_loop3A_183, %parallel_loop3A_184, %parallel_loop3A_185] {strides = array<i32>} : memref<2x128x16xf32, #tpu.memory_space<vmem>>, vector<1x1x16xf32>,
        %parallel_loop3A_187 = vector.shape_cast %parallel_loop3A_186 : vector<1x1x16xf32> to vector<16xf32>
        %parallel_loop3A_188 = arith.constant 0 : i32
        %parallel_loop3A_189 = arith.index_cast %parallel_loop3A_188 : i32 to index
        %parallel_loop3A_190 = arith.index_cast %parallel_loop3A_181 : i32 to index
        %parallel_loop3A_191 = arith.constant 0 : index
        %parallel_loop3A_192 = tpu.vector_load %arg13[%parallel_loop3A_189, %parallel_loop3A_190, %parallel_loop3A_191] {strides = array<i32>} : memref<2x128x16xf32, #tpu.memory_space<vmem>>, vector<1x1x16xf32>,
        %parallel_loop3A_193 = vector.shape_cast %parallel_loop3A_192 : vector<1x1x16xf32> to vector<16xf32>
        %parallel_loop3A_194 = arith.mulf %parallel_loop3A_187, %parallel_loop3A_193 : vector<16xf32>
        %parallel_loop3A_195 = arith.constant 0 : i32
        %parallel_loop3A_196 = arith.index_cast %parallel_loop3A_195 : i32 to index
        %parallel_loop3A_197 = arith.index_cast %parallel_loop3A_181 : i32 to index
        %parallel_loop3A_198 = arith.constant 0 : index
        %parallel_loop3A_199 = tpu.vector_load %arg14[%parallel_loop3A_196, %parallel_loop3A_197, %parallel_loop3A_198] {strides = array<i32>} : memref<2x128x128xf32, #tpu.memory_space<vmem>>, vector<1x1x16xf32>,
        %parallel_loop3A_200 = vector.shape_cast %parallel_loop3A_199 : vector<1x1x16xf32> to vector<16xf32>
        %parallel_loop3A_201 = arith.mulf %parallel_loop3A_200, %parallel_loop3A_194 : vector<16xf32>
        %parallel_loop3A_202 = arith.constant 0 : i32
        %parallel_loop3A_203 = arith.index_cast %parallel_loop3A_202 : i32 to index
        %parallel_loop3A_204 = arith.index_cast %parallel_loop3A_181 : i32 to index
        %parallel_loop3A_205 = arith.constant 0 : index
        %parallel_loop3A_206 = tpu.vector_load %arg14[%parallel_loop3A_203, %parallel_loop3A_204, %parallel_loop3A_205] {strides = array<i32>} : memref<2x128x128xf32, #tpu.memory_space<vmem>>, vector<1x1x16xf32>,
        %parallel_loop3A_207 = vector.shape_cast %parallel_loop3A_206 : vector<1x1x16xf32> to vector<16xf32>
        %parallel_loop3A_208 = vector.shape_cast %parallel_loop3A_201 : vector<16xf32> to vector<1x1x16xf32>
        tpu.vector_store %arg14[%parallel_loop3A_203, %parallel_loop3A_204, %parallel_loop3A_205], %parallel_loop3A_208 {strides = array<i32>} : memref<2x128x128xf32, #tpu.memory_space<vmem>>, vector<1x1x16xf32>,
        %parallel_loop3A_209 = arith.constant 0 : i32
        %parallel_loop3A_210 = arith.index_cast %parallel_loop3A_209 : i32 to index
        %parallel_loop3A_211 = arith.index_cast %parallel_loop3A_181 : i32 to index
        %parallel_loop3A_212 = arith.constant 16 : index
        %parallel_loop3A_213 = tpu.vector_load %arg14[%parallel_loop3A_210, %parallel_loop3A_211, %parallel_loop3A_212] {strides = array<i32>} : memref<2x128x128xf32, #tpu.memory_space<vmem>>, vector<1x1x16xf32>,
        %parallel_loop3A_214 = vector.shape_cast %parallel_loop3A_213 : vector<1x1x16xf32> to vector<16xf32>
        %parallel_loop3A_215 = arith.mulf %parallel_loop3A_214, %parallel_loop3A_194 : vector<16xf32>
        %parallel_loop3A_216 = arith.constant 0 : i32
        %parallel_loop3A_217 = arith.index_cast %parallel_loop3A_216 : i32 to index
        %parallel_loop3A_218 = arith.index_cast %parallel_loop3A_181 : i32 to index
        %parallel_loop3A_219 = arith.constant 16 : index
        %parallel_loop3A_220 = tpu.vector_load %arg14[%parallel_loop3A_217, %parallel_loop3A_218, %parallel_loop3A_219] {strides = array<i32>} : memref<2x128x128xf32, #tpu.memory_space<vmem>>, vector<1x1x16xf32>,
        %parallel_loop3A_221 = vector.shape_cast %parallel_loop3A_220 : vector<1x1x16xf32> to vector<16xf32>
        %parallel_loop3A_222 = vector.shape_cast %parallel_loop3A_215 : vector<16xf32> to vector<1x1x16xf32>
        tpu.vector_store %arg14[%parallel_loop3A_217, %parallel_loop3A_218, %parallel_loop3A_219], %parallel_loop3A_222 {strides = array<i32>} : memref<2x128x128xf32, #tpu.memory_space<vmem>>, vector<1x1x16xf32>,
        %parallel_loop3A_223 = arith.constant 0 : i32
        %parallel_loop3A_224 = arith.index_cast %parallel_loop3A_223 : i32 to index
        %parallel_loop3A_225 = arith.index_cast %parallel_loop3A_181 : i32 to index
        %parallel_loop3A_226 = arith.constant 32 : index
        %parallel_loop3A_227 = tpu.vector_load %arg14[%parallel_loop3A_224, %parallel_loop3A_225, %parallel_loop3A_226] {strides = array<i32>} : memref<2x128x128xf32, #tpu.memory_space<vmem>>, vector<1x1x16xf32>,
        %parallel_loop3A_228 = vector.shape_cast %parallel_loop3A_227 : vector<1x1x16xf32> to vector<16xf32>
        %parallel_loop3A_229 = arith.mulf %parallel_loop3A_228, %parallel_loop3A_194 : vector<16xf32>
        %parallel_loop3A_230 = arith.constant 0 : i32
        %parallel_loop3A_231 = arith.index_cast %parallel_loop3A_230 : i32 to index
        %parallel_loop3A_232 = arith.index_cast %parallel_loop3A_181 : i32 to index
        %parallel_loop3A_233 = arith.constant 32 : index
        %parallel_loop3A_234 = tpu.vector_load %arg14[%parallel_loop3A_231, %parallel_loop3A_232, %parallel_loop3A_233] {strides = array<i32>} : memref<2x128x128xf32, #tpu.memory_space<vmem>>, vector<1x1x16xf32>,
        %parallel_loop3A_235 = vector.shape_cast %parallel_loop3A_234 : vector<1x1x16xf32> to vector<16xf32>
        %parallel_loop3A_236 = vector.shape_cast %parallel_loop3A_229 : vector<16xf32> to vector<1x1x16xf32>
        tpu.vector_store %arg14[%parallel_loop3A_231, %parallel_loop3A_232, %parallel_loop3A_233], %parallel_loop3A_236 {strides = array<i32>} : memref<2x128x128xf32, #tpu.memory_space<vmem>>, vector<1x1x16xf32>,
        %parallel_loop3A_237 = arith.constant 0 : i32
        %parallel_loop3A_238 = arith.index_cast %parallel_loop3A_237 : i32 to index
        %parallel_loop3A_239 = arith.index_cast %parallel_loop3A_181 : i32 to index
        %parallel_loop3A_240 = arith.constant 48 : index
        %parallel_loop3A_241 = tpu.vector_load %arg14[%parallel_loop3A_238, %parallel_loop3A_239, %parallel_loop3A_240] {strides = array<i32>} : memref<2x128x128xf32, #tpu.memory_space<vmem>>, vector<1x1x16xf32>,
        %parallel_loop3A_242 = vector.shape_cast %parallel_loop3A_241 : vector<1x1x16xf32> to vector<16xf32>
        %parallel_loop3A_243 = arith.mulf %parallel_loop3A_242, %parallel_loop3A_194 : vector<16xf32>
        %parallel_loop3A_244 = arith.constant 0 : i32
        %parallel_loop3A_245 = arith.index_cast %parallel_loop3A_244 : i32 to index
        %parallel_loop3A_246 = arith.index_cast %parallel_loop3A_181 : i32 to index
        %parallel_loop3A_247 = arith.constant 48 : index
        %parallel_loop3A_248 = tpu.vector_load %arg14[%parallel_loop3A_245, %parallel_loop3A_246, %parallel_loop3A_247] {strides = array<i32>} : memref<2x128x128xf32, #tpu.memory_space<vmem>>, vector<1x1x16xf32>,
        %parallel_loop3A_249 = vector.shape_cast %parallel_loop3A_248 : vector<1x1x16xf32> to vector<16xf32>
        %parallel_loop3A_250 = vector.shape_cast %parallel_loop3A_243 : vector<16xf32> to vector<1x1x16xf32>
        tpu.vector_store %arg14[%parallel_loop3A_245, %parallel_loop3A_246, %parallel_loop3A_247], %parallel_loop3A_250 {strides = array<i32>} : memref<2x128x128xf32, #tpu.memory_space<vmem>>, vector<1x1x16xf32>,
        %parallel_loop3A_251 = arith.constant 0 : i32
        %parallel_loop3A_252 = arith.index_cast %parallel_loop3A_251 : i32 to index
        %parallel_loop3A_253 = arith.index_cast %parallel_loop3A_181 : i32 to index
        %parallel_loop3A_254 = arith.constant 64 : index
        %parallel_loop3A_255 = tpu.vector_load %arg14[%parallel_loop3A_252, %parallel_loop3A_253, %parallel_loop3A_254] {strides = array<i32>} : memref<2x128x128xf32, #tpu.memory_space<vmem>>, vector<1x1x16xf32>,
        %parallel_loop3A_256 = vector.shape_cast %parallel_loop3A_255 : vector<1x1x16xf32> to vector<16xf32>
        %parallel_loop3A_257 = arith.mulf %parallel_loop3A_256, %parallel_loop3A_194 : vector<16xf32>
        %parallel_loop3A_258 = arith.constant 0 : i32
        %parallel_loop3A_259 = arith.index_cast %parallel_loop3A_258 : i32 to index
        %parallel_loop3A_260 = arith.index_cast %parallel_loop3A_181 : i32 to index
        %parallel_loop3A_261 = arith.constant 64 : index
        %parallel_loop3A_262 = tpu.vector_load %arg14[%parallel_loop3A_259, %parallel_loop3A_260, %parallel_loop3A_261] {strides = array<i32>} : memref<2x128x128xf32, #tpu.memory_space<vmem>>, vector<1x1x16xf32>,
        %parallel_loop3A_263 = vector.shape_cast %parallel_loop3A_262 : vector<1x1x16xf32> to vector<16xf32>
        %parallel_loop3A_264 = vector.shape_cast %parallel_loop3A_257 : vector<16xf32> to vector<1x1x16xf32>
        tpu.vector_store %arg14[%parallel_loop3A_259, %parallel_loop3A_260, %parallel_loop3A_261], %parallel_loop3A_264 {strides = array<i32>} : memref<2x128x128xf32, #tpu.memory_space<vmem>>, vector<1x1x16xf32>,
        %parallel_loop3A_265 = arith.constant 0 : i32
        %parallel_loop3A_266 = arith.index_cast %parallel_loop3A_265 : i32 to index
        %parallel_loop3A_267 = arith.index_cast %parallel_loop3A_181 : i32 to index
        %parallel_loop3A_268 = arith.constant 80 : index
        %parallel_loop3A_269 = tpu.vector_load %arg14[%parallel_loop3A_266, %parallel_loop3A_267, %parallel_loop3A_268] {strides = array<i32>} : memref<2x128x128xf32, #tpu.memory_space<vmem>>, vector<1x1x16xf32>,
        %parallel_loop3A_270 = vector.shape_cast %parallel_loop3A_269 : vector<1x1x16xf32> to vector<16xf32>
        %parallel_loop3A_271 = arith.mulf %parallel_loop3A_270, %parallel_loop3A_194 : vector<16xf32>
        %parallel_loop3A_272 = arith.constant 0 : i32
        %parallel_loop3A_273 = arith.index_cast %parallel_loop3A_272 : i32 to index
        %parallel_loop3A_274 = arith.index_cast %parallel_loop3A_181 : i32 to index
        %parallel_loop3A_275 = arith.constant 80 : index
        %parallel_loop3A_276 = tpu.vector_load %arg14[%parallel_loop3A_273, %parallel_loop3A_274, %parallel_loop3A_275] {strides = array<i32>} : memref<2x128x128xf32, #tpu.memory_space<vmem>>, vector<1x1x16xf32>,
        %parallel_loop3A_277 = vector.shape_cast %parallel_loop3A_276 : vector<1x1x16xf32> to vector<16xf32>
        %parallel_loop3A_278 = vector.shape_cast %parallel_loop3A_271 : vector<16xf32> to vector<1x1x16xf32>
        tpu.vector_store %arg14[%parallel_loop3A_273, %parallel_loop3A_274, %parallel_loop3A_275], %parallel_loop3A_278 {strides = array<i32>} : memref<2x128x128xf32, #tpu.memory_space<vmem>>, vector<1x1x16xf32>,
        %parallel_loop3A_279 = arith.constant 0 : i32
        %parallel_loop3A_280 = arith.index_cast %parallel_loop3A_279 : i32 to index
        %parallel_loop3A_281 = arith.index_cast %parallel_loop3A_181 : i32 to index
        %parallel_loop3A_282 = arith.constant 96 : index
        %parallel_loop3A_283 = tpu.vector_load %arg14[%parallel_loop3A_280, %parallel_loop3A_281, %parallel_loop3A_282] {strides = array<i32>} : memref<2x128x128xf32, #tpu.memory_space<vmem>>, vector<1x1x16xf32>,
        %parallel_loop3A_284 = vector.shape_cast %parallel_loop3A_283 : vector<1x1x16xf32> to vector<16xf32>
        %parallel_loop3A_285 = arith.mulf %parallel_loop3A_284, %parallel_loop3A_194 : vector<16xf32>
        %parallel_loop3A_286 = arith.constant 0 : i32
        %parallel_loop3A_287 = arith.index_cast %parallel_loop3A_286 : i32 to index
        %parallel_loop3A_288 = arith.index_cast %parallel_loop3A_181 : i32 to index
        %parallel_loop3A_289 = arith.constant 96 : index
        %parallel_loop3A_290 = tpu.vector_load %arg14[%parallel_loop3A_287, %parallel_loop3A_288, %parallel_loop3A_289] {strides = array<i32>} : memref<2x128x128xf32, #tpu.memory_space<vmem>>, vector<1x1x16xf32>,
        %parallel_loop3A_291 = vector.shape_cast %parallel_loop3A_290 : vector<1x1x16xf32> to vector<16xf32>
        %parallel_loop3A_292 = vector.shape_cast %parallel_loop3A_285 : vector<16xf32> to vector<1x1x16xf32>
        tpu.vector_store %arg14[%parallel_loop3A_287, %parallel_loop3A_288, %parallel_loop3A_289], %parallel_loop3A_292 {strides = array<i32>} : memref<2x128x128xf32, #tpu.memory_space<vmem>>, vector<1x1x16xf32>,
        %parallel_loop3A_293 = arith.constant 0 : i32
        %parallel_loop3A_294 = arith.index_cast %parallel_loop3A_293 : i32 to index
        %parallel_loop3A_295 = arith.index_cast %parallel_loop3A_181 : i32 to index
        %parallel_loop3A_296 = arith.constant 112 : index
        %parallel_loop3A_297 = tpu.vector_load %arg14[%parallel_loop3A_294, %parallel_loop3A_295, %parallel_loop3A_296] {strides = array<i32>} : memref<2x128x128xf32, #tpu.memory_space<vmem>>, vector<1x1x16xf32>,
        %parallel_loop3A_298 = vector.shape_cast %parallel_loop3A_297 : vector<1x1x16xf32> to vector<16xf32>
        %parallel_loop3A_299 = arith.mulf %parallel_loop3A_298, %parallel_loop3A_194 : vector<16xf32>
        %parallel_loop3A_300 = arith.constant 0 : i32
        %parallel_loop3A_301 = arith.index_cast %parallel_loop3A_300 : i32 to index
        %parallel_loop3A_302 = arith.index_cast %parallel_loop3A_181 : i32 to index
        %parallel_loop3A_303 = arith.constant 112 : index
        %parallel_loop3A_304 = tpu.vector_load %arg14[%parallel_loop3A_301, %parallel_loop3A_302, %parallel_loop3A_303] {strides = array<i32>} : memref<2x128x128xf32, #tpu.memory_space<vmem>>, vector<1x1x16xf32>,
        %parallel_loop3A_305 = vector.shape_cast %parallel_loop3A_304 : vector<1x1x16xf32> to vector<16xf32>
        %parallel_loop3A_306 = vector.shape_cast %parallel_loop3A_299 : vector<16xf32> to vector<1x1x16xf32>
        tpu.vector_store %arg14[%parallel_loop3A_301, %parallel_loop3A_302, %parallel_loop3A_303], %parallel_loop3A_306 {strides = array<i32>} : memref<2x128x128xf32, #tpu.memory_space<vmem>>, vector<1x1x16xf32>,
      } {sc.loop_unroll_factor = 2 : i64, sc.parallel_access}
      %dma_wait3A_106 = arith.constant 1 : i32
      %dma_wait3A_107 = arith.constant 1 : i32
      %dma_wait3A_108 = arith.constant 0 : i32
      %dma_wait3A_109 = arith.constant 0 : i32
      %dma_wait3A_110 = tpu.memref_slice %arg13[%dma_wait3A_107, %dma_wait3A_108, %dma_wait3A_109] : memref<2x128x16xf32, #tpu.memory_space<vmem>> -> memref<1x128x16xf32, #tpu.memory_space<vmem>>
      %dma_wait3A_111 = tpu.memref_squeeze %dma_wait3A_110 : memref<1x128x16xf32, #tpu.memory_space<vmem>> -> memref<128x16xf32, #tpu.memory_space<vmem>>
      %dma_wait3A_112 = arith.constant 0 : i32
      %dma_wait3A_113 = tpu.memref_slice %arg11[%dma_wait3A_106, %dma_wait3A_112] : memref<2x128xi32, #tpu.memory_space<vmem>> -> memref<1x128xi32, #tpu.memory_space<vmem>>
      %dma_wait3A_114 = tpu.memref_squeeze %dma_wait3A_113 : memref<1x128xi32, #tpu.memory_space<vmem>> -> memref<128xi32, #tpu.memory_space<vmem>>
      %dma_wait3A_115 = arith.constant 0 : i32
      %dma_wait3A_116 = arith.constant 0 : i32
      %dma_wait3A_117 = tpu.memref_slice %arg2[%dma_wait3A_115, %dma_wait3A_116] : memref<10240x16xf32, #tpu.memory_space<hbm>> -> memref<10240x16xf32, #tpu.memory_space<hbm>>
      tpu.wait_indirect_dma semaphore(%arg16 : memref<!tpu.dma_semaphore, #tpu.memory_space<semaphore_mem>>) src(%dma_wait3A_117 : memref<10240x16xf32, #tpu.memory_space<hbm>>) dst(%dma_wait3A_111 : memref<128x16xf32, #tpu.memory_space<vmem>>)
      %dma_wait3A_118 = arith.constant 1 : i32
      %dma_wait3A_119 = arith.constant 1 : i32
      %dma_wait3A_120 = arith.constant 0 : i32
      %dma_wait3A_121 = arith.constant 0 : i32
      %dma_wait3A_122 = tpu.memref_slice %arg14[%dma_wait3A_119, %dma_wait3A_120, %dma_wait3A_121] : memref<2x128x128xf32, #tpu.memory_space<vmem>> -> memref<1x128x128xf32, #tpu.memory_space<vmem>>
      %dma_wait3A_123 = tpu.memref_squeeze %dma_wait3A_122 : memref<1x128x128xf32, #tpu.memory_space<vmem>> -> memref<128x128xf32, #tpu.memory_space<vmem>>
      %dma_wait3A_124 = arith.constant 0 : i32
      %dma_wait3A_125 = tpu.memref_slice %arg10[%dma_wait3A_118, %dma_wait3A_124] : memref<2x128xi32, #tpu.memory_space<vmem>> -> memref<1x128xi32, #tpu.memory_space<vmem>>
      %dma_wait3A_126 = tpu.memref_squeeze %dma_wait3A_125 : memref<1x128xi32, #tpu.memory_space<vmem>> -> memref<128xi32, #tpu.memory_space<vmem>>
      %dma_wait3A_127 = arith.constant 0 : i32
      %dma_wait3A_128 = arith.constant 0 : i32
      %dma_wait3A_129 = tpu.memref_slice %arg6[%dma_wait3A_127, %dma_wait3A_128] : memref<10240x128xf32, #tpu.memory_space<hbm>> -> memref<10240x128xf32, #tpu.memory_space<hbm>>
      tpu.wait_indirect_dma semaphore(%arg16 : memref<!tpu.dma_semaphore, #tpu.memory_space<semaphore_mem>>) src(%dma_wait3A_129 : memref<10240x128xf32, #tpu.memory_space<hbm>>) dst(%dma_wait3A_123 : memref<128x128xf32, #tpu.memory_space<vmem>>)
      %dma_start3A_130 = arith.constant 0 : i32
      %dma_start3A_131 = arith.constant 0 : i32
      %dma_start3A_132 = arith.constant 0 : i32
      %dma_start3A_133 = arith.constant 0 : i32
      %dma_start3A_134 = tpu.memref_slice %arg14[%dma_start3A_130, %dma_start3A_132, %dma_start3A_133] : memref<2x128x128xf32, #tpu.memory_space<vmem>> -> memref<1x128x128xf32, #tpu.memory_space<vmem>>
      %dma_start3A_135 = tpu.memref_squeeze %dma_start3A_134 : memref<1x128x128xf32, #tpu.memory_space<vmem>> -> memref<128x128xf32, #tpu.memory_space<vmem>>
      %dma_start3A_136 = arith.constant 0 : i32
      %dma_start3A_137 = tpu.memref_slice %arg11[%dma_start3A_131, %dma_start3A_136] : memref<2x128xi32, #tpu.memory_space<vmem>> -> memref<1x128xi32, #tpu.memory_space<vmem>>
      %dma_start3A_138 = tpu.memref_squeeze %dma_start3A_137 : memref<1x128xi32, #tpu.memory_space<vmem>> -> memref<128xi32, #tpu.memory_space<vmem>>
      %dma_start3A_139 = arith.constant 0 : i32
      %dma_start3A_140 = arith.constant 0 : i32
      %dma_start3A_141 = tpu.memref_slice %arg9[%dma_start3A_139, %dma_start3A_140] : memref<10240x128xf32, #tpu.memory_space<vmem_shared>> -> memref<10240x128xf32, #tpu.memory_space<vmem_shared>>
      tpu.enqueue_indirect_dma source(%dma_start3A_135 : memref<128x128xf32, #tpu.memory_space<vmem>>) target(%dma_start3A_141 : memref<10240x128xf32, #tpu.memory_space<vmem_shared>>) offsets(%dma_start3A_138 : memref<128xi32, #tpu.memory_space<vmem>>) semaphore(%arg15 : memref<!tpu.dma_semaphore, #tpu.memory_space<semaphore_mem>>) {add = true}
      %parallel_loop3A_142 = arith.constant 0 : i32
      %parallel_loop3A_143 = arith.constant 128 : i32
      %parallel_loop3A_144 = arith.constant 1 : i32
      scf.for %parallel_loop3A_181 = %parallel_loop3A_142 to %parallel_loop3A_143 step %parallel_loop3A_144  : i32 {
        %parallel_loop3A_182 = arith.constant 1 : i32
        %parallel_loop3A_183 = arith.index_cast %parallel_loop3A_182 : i32 to index
        %parallel_loop3A_184 = arith.index_cast %parallel_loop3A_181 : i32 to index
        %parallel_loop3A_185 = arith.constant 0 : index
        %parallel_loop3A_186 = tpu.vector_load %arg12[%parallel_loop3A_183, %parallel_loop3A_184, %parallel_loop3A_185] {strides = array<i32>} : memref<2x128x16xf32, #tpu.memory_space<vmem>>, vector<1x1x16xf32>,
        %parallel_loop3A_187 = vector.shape_cast %parallel_loop3A_186 : vector<1x1x16xf32> to vector<16xf32>
        %parallel_loop3A_188 = arith.constant 1 : i32
        %parallel_loop3A_189 = arith.index_cast %parallel_loop3A_188 : i32 to index
        %parallel_loop3A_190 = arith.index_cast %parallel_loop3A_181 : i32 to index
        %parallel_loop3A_191 = arith.constant 0 : index
        %parallel_loop3A_192 = tpu.vector_load %arg13[%parallel_loop3A_189, %parallel_loop3A_190, %parallel_loop3A_191] {strides = array<i32>} : memref<2x128x16xf32, #tpu.memory_space<vmem>>, vector<1x1x16xf32>,
        %parallel_loop3A_193 = vector.shape_cast %parallel_loop3A_192 : vector<1x1x16xf32> to vector<16xf32>
        %parallel_loop3A_194 = arith.mulf %parallel_loop3A_187, %parallel_loop3A_193 : vector<16xf32>
        %parallel_loop3A_195 = arith.constant 1 : i32
        %parallel_loop3A_196 = arith.index_cast %parallel_loop3A_195 : i32 to index
        %parallel_loop3A_197 = arith.index_cast %parallel_loop3A_181 : i32 to index
        %parallel_loop3A_198 = arith.constant 0 : index
        %parallel_loop3A_199 = tpu.vector_load %arg14[%parallel_loop3A_196, %parallel_loop3A_197, %parallel_loop3A_198] {strides = array<i32>} : memref<2x128x128xf32, #tpu.memory_space<vmem>>, vector<1x1x16xf32>,
        %parallel_loop3A_200 = vector.shape_cast %parallel_loop3A_199 : vector<1x1x16xf32> to vector<16xf32>
        %parallel_loop3A_201 = arith.mulf %parallel_loop3A_200, %parallel_loop3A_194 : vector<16xf32>
        %parallel_loop3A_202 = arith.constant 1 : i32
        %parallel_loop3A_203 = arith.index_cast %parallel_loop3A_202 : i32 to index
        %parallel_loop3A_204 = arith.index_cast %parallel_loop3A_181 : i32 to index
        %parallel_loop3A_205 = arith.constant 0 : index
        %parallel_loop3A_206 = tpu.vector_load %arg14[%parallel_loop3A_203, %parallel_loop3A_204, %parallel_loop3A_205] {strides = array<i32>} : memref<2x128x128xf32, #tpu.memory_space<vmem>>, vector<1x1x16xf32>,
        %parallel_loop3A_207 = vector.shape_cast %parallel_loop3A_206 : vector<1x1x16xf32> to vector<16xf32>
        %parallel_loop3A_208 = vector.shape_cast %parallel_loop3A_201 : vector<16xf32> to vector<1x1x16xf32>
        tpu.vector_store %arg14[%parallel_loop3A_203, %parallel_loop3A_204, %parallel_loop3A_205], %parallel_loop3A_208 {strides = array<i32>} : memref<2x128x128xf32, #tpu.memory_space<vmem>>, vector<1x1x16xf32>,
        %parallel_loop3A_209 = arith.constant 1 : i32
        %parallel_loop3A_210 = arith.index_cast %parallel_loop3A_209 : i32 to index
        %parallel_loop3A_211 = arith.index_cast %parallel_loop3A_181 : i32 to index
        %parallel_loop3A_212 = arith.constant 16 : index
        %parallel_loop3A_213 = tpu.vector_load %arg14[%parallel_loop3A_210, %parallel_loop3A_211, %parallel_loop3A_212] {strides = array<i32>} : memref<2x128x128xf32, #tpu.memory_space<vmem>>, vector<1x1x16xf32>,
        %parallel_loop3A_214 = vector.shape_cast %parallel_loop3A_213 : vector<1x1x16xf32> to vector<16xf32>
        %parallel_loop3A_215 = arith.mulf %parallel_loop3A_214, %parallel_loop3A_194 : vector<16xf32>
        %parallel_loop3A_216 = arith.constant 1 : i32
        %parallel_loop3A_217 = arith.index_cast %parallel_loop3A_216 : i32 to index
        %parallel_loop3A_218 = arith.index_cast %parallel_loop3A_181 : i32 to index
        %parallel_loop3A_219 = arith.constant 16 : index
        %parallel_loop3A_220 = tpu.vector_load %arg14[%parallel_loop3A_217, %parallel_loop3A_218, %parallel_loop3A_219] {strides = array<i32>} : memref<2x128x128xf32, #tpu.memory_space<vmem>>, vector<1x1x16xf32>,
        %parallel_loop3A_221 = vector.shape_cast %parallel_loop3A_220 : vector<1x1x16xf32> to vector<16xf32>
        %parallel_loop3A_222 = vector.shape_cast %parallel_loop3A_215 : vector<16xf32> to vector<1x1x16xf32>
        tpu.vector_store %arg14[%parallel_loop3A_217, %parallel_loop3A_218, %parallel_loop3A_219], %parallel_loop3A_222 {strides = array<i32>} : memref<2x128x128xf32, #tpu.memory_space<vmem>>, vector<1x1x16xf32>,
        %parallel_loop3A_223 = arith.constant 1 : i32
        %parallel_loop3A_224 = arith.index_cast %parallel_loop3A_223 : i32 to index
        %parallel_loop3A_225 = arith.index_cast %parallel_loop3A_181 : i32 to index
        %parallel_loop3A_226 = arith.constant 32 : index
        %parallel_loop3A_227 = tpu.vector_load %arg14[%parallel_loop3A_224, %parallel_loop3A_225, %parallel_loop3A_226] {strides = array<i32>} : memref<2x128x128xf32, #tpu.memory_space<vmem>>, vector<1x1x16xf32>,
        %parallel_loop3A_228 = vector.shape_cast %parallel_loop3A_227 : vector<1x1x16xf32> to vector<16xf32>
        %parallel_loop3A_229 = arith.mulf %parallel_loop3A_228, %parallel_loop3A_194 : vector<16xf32>
        %parallel_loop3A_230 = arith.constant 1 : i32
        %parallel_loop3A_231 = arith.index_cast %parallel_loop3A_230 : i32 to index
        %parallel_loop3A_232 = arith.index_cast %parallel_loop3A_181 : i32 to index
        %parallel_loop3A_233 = arith.constant 32 : index
        %parallel_loop3A_234 = tpu.vector_load %arg14[%parallel_loop3A_231, %parallel_loop3A_232, %parallel_loop3A_233] {strides = array<i32>} : memref<2x128x128xf32, #tpu.memory_space<vmem>>, vector<1x1x16xf32>,
        %parallel_loop3A_235 = vector.shape_cast %parallel_loop3A_234 : vector<1x1x16xf32> to vector<16xf32>
        %parallel_loop3A_236 = vector.shape_cast %parallel_loop3A_229 : vector<16xf32> to vector<1x1x16xf32>
        tpu.vector_store %arg14[%parallel_loop3A_231, %parallel_loop3A_232, %parallel_loop3A_233], %parallel_loop3A_236 {strides = array<i32>} : memref<2x128x128xf32, #tpu.memory_space<vmem>>, vector<1x1x16xf32>,
        %parallel_loop3A_237 = arith.constant 1 : i32
        %parallel_loop3A_238 = arith.index_cast %parallel_loop3A_237 : i32 to index
        %parallel_loop3A_239 = arith.index_cast %parallel_loop3A_181 : i32 to index
        %parallel_loop3A_240 = arith.constant 48 : index
        %parallel_loop3A_241 = tpu.vector_load %arg14[%parallel_loop3A_238, %parallel_loop3A_239, %parallel_loop3A_240] {strides = array<i32>} : memref<2x128x128xf32, #tpu.memory_space<vmem>>, vector<1x1x16xf32>,
        %parallel_loop3A_242 = vector.shape_cast %parallel_loop3A_241 : vector<1x1x16xf32> to vector<16xf32>
        %parallel_loop3A_243 = arith.mulf %parallel_loop3A_242, %parallel_loop3A_194 : vector<16xf32>
        %parallel_loop3A_244 = arith.constant 1 : i32
        %parallel_loop3A_245 = arith.index_cast %parallel_loop3A_244 : i32 to index
        %parallel_loop3A_246 = arith.index_cast %parallel_loop3A_181 : i32 to index
        %parallel_loop3A_247 = arith.constant 48 : index
        %parallel_loop3A_248 = tpu.vector_load %arg14[%parallel_loop3A_245, %parallel_loop3A_246, %parallel_loop3A_247] {strides = array<i32>} : memref<2x128x128xf32, #tpu.memory_space<vmem>>, vector<1x1x16xf32>,
        %parallel_loop3A_249 = vector.shape_cast %parallel_loop3A_248 : vector<1x1x16xf32> to vector<16xf32>
        %parallel_loop3A_250 = vector.shape_cast %parallel_loop3A_243 : vector<16xf32> to vector<1x1x16xf32>
        tpu.vector_store %arg14[%parallel_loop3A_245, %parallel_loop3A_246, %parallel_loop3A_247], %parallel_loop3A_250 {strides = array<i32>} : memref<2x128x128xf32, #tpu.memory_space<vmem>>, vector<1x1x16xf32>,
        %parallel_loop3A_251 = arith.constant 1 : i32
        %parallel_loop3A_252 = arith.index_cast %parallel_loop3A_251 : i32 to index
        %parallel_loop3A_253 = arith.index_cast %parallel_loop3A_181 : i32 to index
        %parallel_loop3A_254 = arith.constant 64 : index
        %parallel_loop3A_255 = tpu.vector_load %arg14[%parallel_loop3A_252, %parallel_loop3A_253, %parallel_loop3A_254] {strides = array<i32>} : memref<2x128x128xf32, #tpu.memory_space<vmem>>, vector<1x1x16xf32>,
        %parallel_loop3A_256 = vector.shape_cast %parallel_loop3A_255 : vector<1x1x16xf32> to vector<16xf32>
        %parallel_loop3A_257 = arith.mulf %parallel_loop3A_256, %parallel_loop3A_194 : vector<16xf32>
        %parallel_loop3A_258 = arith.constant 1 : i32
        %parallel_loop3A_259 = arith.index_cast %parallel_loop3A_258 : i32 to index
        %parallel_loop3A_260 = arith.index_cast %parallel_loop3A_181 : i32 to index
        %parallel_loop3A_261 = arith.constant 64 : index
        %parallel_loop3A_262 = tpu.vector_load %arg14[%parallel_loop3A_259, %parallel_loop3A_260, %parallel_loop3A_261] {strides = array<i32>} : memref<2x128x128xf32, #tpu.memory_space<vmem>>, vector<1x1x16xf32>,
        %parallel_loop3A_263 = vector.shape_cast %parallel_loop3A_262 : vector<1x1x16xf32> to vector<16xf32>
        %parallel_loop3A_264 = vector.shape_cast %parallel_loop3A_257 : vector<16xf32> to vector<1x1x16xf32>
        tpu.vector_store %arg14[%parallel_loop3A_259, %parallel_loop3A_260, %parallel_loop3A_261], %parallel_loop3A_264 {strides = array<i32>} : memref<2x128x128xf32, #tpu.memory_space<vmem>>, vector<1x1x16xf32>,
        %parallel_loop3A_265 = arith.constant 1 : i32
        %parallel_loop3A_266 = arith.index_cast %parallel_loop3A_265 : i32 to index
        %parallel_loop3A_267 = arith.index_cast %parallel_loop3A_181 : i32 to index
        %parallel_loop3A_268 = arith.constant 80 : index
        %parallel_loop3A_269 = tpu.vector_load %arg14[%parallel_loop3A_266, %parallel_loop3A_267, %parallel_loop3A_268] {strides = array<i32>} : memref<2x128x128xf32, #tpu.memory_space<vmem>>, vector<1x1x16xf32>,
        %parallel_loop3A_270 = vector.shape_cast %parallel_loop3A_269 : vector<1x1x16xf32> to vector<16xf32>
        %parallel_loop3A_271 = arith.mulf %parallel_loop3A_270, %parallel_loop3A_194 : vector<16xf32>
        %parallel_loop3A_272 = arith.constant 1 : i32
        %parallel_loop3A_273 = arith.index_cast %parallel_loop3A_272 : i32 to index
        %parallel_loop3A_274 = arith.index_cast %parallel_loop3A_181 : i32 to index
        %parallel_loop3A_275 = arith.constant 80 : index
        %parallel_loop3A_276 = tpu.vector_load %arg14[%parallel_loop3A_273, %parallel_loop3A_274, %parallel_loop3A_275] {strides = array<i32>} : memref<2x128x128xf32, #tpu.memory_space<vmem>>, vector<1x1x16xf32>,
        %parallel_loop3A_277 = vector.shape_cast %parallel_loop3A_276 : vector<1x1x16xf32> to vector<16xf32>
        %parallel_loop3A_278 = vector.shape_cast %parallel_loop3A_271 : vector<16xf32> to vector<1x1x16xf32>
        tpu.vector_store %arg14[%parallel_loop3A_273, %parallel_loop3A_274, %parallel_loop3A_275], %parallel_loop3A_278 {strides = array<i32>} : memref<2x128x128xf32, #tpu.memory_space<vmem>>, vector<1x1x16xf32>,
        %parallel_loop3A_279 = arith.constant 1 : i32
        %parallel_loop3A_280 = arith.index_cast %parallel_loop3A_279 : i32 to index
        %parallel_loop3A_281 = arith.index_cast %parallel_loop3A_181 : i32 to index
        %parallel_loop3A_282 = arith.constant 96 : index
        %parallel_loop3A_283 = tpu.vector_load %arg14[%parallel_loop3A_280, %parallel_loop3A_281, %parallel_loop3A_282] {strides = array<i32>} : memref<2x128x128xf32, #tpu.memory_space<vmem>>, vector<1x1x16xf32>,
        %parallel_loop3A_284 = vector.shape_cast %parallel_loop3A_283 : vector<1x1x16xf32> to vector<16xf32>
        %parallel_loop3A_285 = arith.mulf %parallel_loop3A_284, %parallel_loop3A_194 : vector<16xf32>
        %parallel_loop3A_286 = arith.constant 1 : i32
        %parallel_loop3A_287 = arith.index_cast %parallel_loop3A_286 : i32 to index
        %parallel_loop3A_288 = arith.index_cast %parallel_loop3A_181 : i32 to index
        %parallel_loop3A_289 = arith.constant 96 : index
        %parallel_loop3A_290 = tpu.vector_load %arg14[%parallel_loop3A_287, %parallel_loop3A_288, %parallel_loop3A_289] {strides = array<i32>} : memref<2x128x128xf32, #tpu.memory_space<vmem>>, vector<1x1x16xf32>,
        %parallel_loop3A_291 = vector.shape_cast %parallel_loop3A_290 : vector<1x1x16xf32> to vector<16xf32>
        %parallel_loop3A_292 = vector.shape_cast %parallel_loop3A_285 : vector<16xf32> to vector<1x1x16xf32>
        tpu.vector_store %arg14[%parallel_loop3A_287, %parallel_loop3A_288, %parallel_loop3A_289], %parallel_loop3A_292 {strides = array<i32>} : memref<2x128x128xf32, #tpu.memory_space<vmem>>, vector<1x1x16xf32>,
        %parallel_loop3A_293 = arith.constant 1 : i32
        %parallel_loop3A_294 = arith.index_cast %parallel_loop3A_293 : i32 to index
        %parallel_loop3A_295 = arith.index_cast %parallel_loop3A_181 : i32 to index
        %parallel_loop3A_296 = arith.constant 112 : index
        %parallel_loop3A_297 = tpu.vector_load %arg14[%parallel_loop3A_294, %parallel_loop3A_295, %parallel_loop3A_296] {strides = array<i32>} : memref<2x128x128xf32, #tpu.memory_space<vmem>>, vector<1x1x16xf32>,
        %parallel_loop3A_298 = vector.shape_cast %parallel_loop3A_297 : vector<1x1x16xf32> to vector<16xf32>
        %parallel_loop3A_299 = arith.mulf %parallel_loop3A_298, %parallel_loop3A_194 : vector<16xf32>
        %parallel_loop3A_300 = arith.constant 1 : i32
        %parallel_loop3A_301 = arith.index_cast %parallel_loop3A_300 : i32 to index
        %parallel_loop3A_302 = arith.index_cast %parallel_loop3A_181 : i32 to index
        %parallel_loop3A_303 = arith.constant 112 : index
        %parallel_loop3A_304 = tpu.vector_load %arg14[%parallel_loop3A_301, %parallel_loop3A_302, %parallel_loop3A_303] {strides = array<i32>} : memref<2x128x128xf32, #tpu.memory_space<vmem>>, vector<1x1x16xf32>,
        %parallel_loop3A_305 = vector.shape_cast %parallel_loop3A_304 : vector<1x1x16xf32> to vector<16xf32>
        %parallel_loop3A_306 = vector.shape_cast %parallel_loop3A_299 : vector<16xf32> to vector<1x1x16xf32>
        tpu.vector_store %arg14[%parallel_loop3A_301, %parallel_loop3A_302, %parallel_loop3A_303], %parallel_loop3A_306 {strides = array<i32>} : memref<2x128x128xf32, #tpu.memory_space<vmem>>, vector<1x1x16xf32>,
      } {sc.loop_unroll_factor = 2 : i64, sc.parallel_access}
      %dma_wait3A_145 = arith.constant 0 : i32
      %dma_wait3A_146 = arith.constant 0 : i32
      %dma_wait3A_147 = arith.constant 0 : i32
      %dma_wait3A_148 = arith.constant 0 : i32
      %dma_wait3A_149 = tpu.memref_slice %arg14[%dma_wait3A_145, %dma_wait3A_147, %dma_wait3A_148] : memref<2x128x128xf32, #tpu.memory_space<vmem>> -> memref<1x128x128xf32, #tpu.memory_space<vmem>>
      %dma_wait3A_150 = tpu.memref_squeeze %dma_wait3A_149 : memref<1x128x128xf32, #tpu.memory_space<vmem>> -> memref<128x128xf32, #tpu.memory_space<vmem>>
      %dma_wait3A_151 = arith.constant 0 : i32
      %dma_wait3A_152 = tpu.memref_slice %arg11[%dma_wait3A_146, %dma_wait3A_151] : memref<2x128xi32, #tpu.memory_space<vmem>> -> memref<1x128xi32, #tpu.memory_space<vmem>>
      %dma_wait3A_153 = tpu.memref_squeeze %dma_wait3A_152 : memref<1x128xi32, #tpu.memory_space<vmem>> -> memref<128xi32, #tpu.memory_space<vmem>>
      %dma_wait3A_154 = arith.constant 0 : i32
      %dma_wait3A_155 = arith.constant 0 : i32
      %dma_wait3A_156 = tpu.memref_slice %arg9[%dma_wait3A_154, %dma_wait3A_155] : memref<10240x128xf32, #tpu.memory_space<vmem_shared>> -> memref<10240x128xf32, #tpu.memory_space<vmem_shared>>
      tpu.wait_indirect_dma semaphore(%arg15 : memref<!tpu.dma_semaphore, #tpu.memory_space<semaphore_mem>>) src(%dma_wait3A_150 : memref<128x128xf32, #tpu.memory_space<vmem>>) dst(%dma_wait3A_156 : memref<10240x128xf32, #tpu.memory_space<vmem_shared>>)
      %dma_start3A_157 = arith.constant 1 : i32
      %dma_start3A_158 = arith.constant 1 : i32
      %dma_start3A_159 = arith.constant 0 : i32
      %dma_start3A_160 = arith.constant 0 : i32
      %dma_start3A_161 = tpu.memref_slice %arg14[%dma_start3A_157, %dma_start3A_159, %dma_start3A_160] : memref<2x128x128xf32, #tpu.memory_space<vmem>> -> memref<1x128x128xf32, #tpu.memory_space<vmem>>
      %dma_start3A_162 = tpu.memref_squeeze %dma_start3A_161 : memref<1x128x128xf32, #tpu.memory_space<vmem>> -> memref<128x128xf32, #tpu.memory_space<vmem>>
      %dma_start3A_163 = arith.constant 0 : i32
      %dma_start3A_164 = tpu.memref_slice %arg11[%dma_start3A_158, %dma_start3A_163] : memref<2x128xi32, #tpu.memory_space<vmem>> -> memref<1x128xi32, #tpu.memory_space<vmem>>
      %dma_start3A_165 = tpu.memref_squeeze %dma_start3A_164 : memref<1x128xi32, #tpu.memory_space<vmem>> -> memref<128xi32, #tpu.memory_space<vmem>>
      %dma_start3A_166 = arith.constant 0 : i32
      %dma_start3A_167 = arith.constant 0 : i32
      %dma_start3A_168 = tpu.memref_slice %arg9[%dma_start3A_166, %dma_start3A_167] : memref<10240x128xf32, #tpu.memory_space<vmem_shared>> -> memref<10240x128xf32, #tpu.memory_space<vmem_shared>>
      tpu.enqueue_indirect_dma source(%dma_start3A_162 : memref<128x128xf32, #tpu.memory_space<vmem>>) target(%dma_start3A_168 : memref<10240x128xf32, #tpu.memory_space<vmem_shared>>) offsets(%dma_start3A_165 : memref<128xi32, #tpu.memory_space<vmem>>) semaphore(%arg16 : memref<!tpu.dma_semaphore, #tpu.memory_space<semaphore_mem>>) {add = true}
      %dma_wait3A_169 = arith.constant 1 : i32
      %dma_wait3A_170 = arith.constant 1 : i32
      %dma_wait3A_171 = arith.constant 0 : i32
      %dma_wait3A_172 = arith.constant 0 : i32
      %dma_wait3A_173 = tpu.memref_slice %arg14[%dma_wait3A_169, %dma_wait3A_171, %dma_wait3A_172] : memref<2x128x128xf32, #tpu.memory_space<vmem>> -> memref<1x128x128xf32, #tpu.memory_space<vmem>>
      %dma_wait3A_174 = tpu.memref_squeeze %dma_wait3A_173 : memref<1x128x128xf32, #tpu.memory_space<vmem>> -> memref<128x128xf32, #tpu.memory_space<vmem>>
      %dma_wait3A_175 = arith.constant 0 : i32
      %dma_wait3A_176 = tpu.memref_slice %arg11[%dma_wait3A_170, %dma_wait3A_175] : memref<2x128xi32, #tpu.memory_space<vmem>> -> memref<1x128xi32, #tpu.memory_space<vmem>>
      %dma_wait3A_177 = tpu.memref_squeeze %dma_wait3A_176 : memref<1x128xi32, #tpu.memory_space<vmem>> -> memref<128xi32, #tpu.memory_space<vmem>>
      %dma_wait3A_178 = arith.constant 0 : i32
      %dma_wait3A_179 = arith.constant 0 : i32
      %dma_wait3A_180 = tpu.memref_slice %arg9[%dma_wait3A_178, %dma_wait3A_179] : memref<10240x128xf32, #tpu.memory_space<vmem_shared>> -> memref<10240x128xf32, #tpu.memory_space<vmem_shared>>
      tpu.wait_indirect_dma semaphore(%arg16 : memref<!tpu.dma_semaphore, #tpu.memory_space<semaphore_mem>>) src(%dma_wait3A_174 : memref<128x128xf32, #tpu.memory_space<vmem>>) dst(%dma_wait3A_180 : memref<10240x128xf32, #tpu.memory_space<vmem_shared>>)
    }
    %scan3A_7 = arith.constant 40 : i32
    %barrier3A_8 = arith.constant 0 : index
    tpu.barrier barrier_id(%barrier3A_8)
    %mul3A_9 = arith.constant 640 : i32
    %mul3A_10 = arith.muli %arg1, %mul3A_9 : i32
    %mul3A_11 = arith.constant 10240 : i32
    %mul3A_12 = arith.muli %arg0, %mul3A_11 : i32
    %mul3A_13 = arith.constant 640 : i32
    %mul3A_14 = arith.muli %arg1, %mul3A_13 : i32
    %add3A_15 = arith.addi %mul3A_12, %mul3A_14 : i32
    "tpu.region"() ({
      %run_scoped3A = tpu.sem_alloc : memref<!tpu.dma_semaphore, #tpu.memory_space<semaphore_mem>>
      %dma_start3A = arith.constant 0 : i32
      %dma_start3A_16 = tpu.memref_slice %arg8[%add3A_15, %dma_start3A] : memref<20480x128xf32, #tpu.memory_space<hbm>> -> memref<640x128xf32, #tpu.memory_space<hbm>>
      %dma_start3A_17 = arith.constant 0 : i32
      %dma_start3A_18 = tpu.memref_slice %arg9[%mul3A_10, %dma_start3A_17] : memref<10240x128xf32, #tpu.memory_space<vmem_shared>> -> memref<640x128xf32, #tpu.memory_space<vmem_shared>>
      tpu.enqueue_dma source(%dma_start3A_18 : memref<640x128xf32, #tpu.memory_space<vmem_shared>>) target(%dma_start3A_16 : memref<640x128xf32, #tpu.memory_space<hbm>>) target_semaphore(%run_scoped3A : memref<!tpu.dma_semaphore, #tpu.memory_space<semaphore_mem>>)
      %dma_wait3A = arith.constant 0 : i32
      %dma_wait3A_19 = tpu.memref_slice %arg8[%add3A_15, %dma_wait3A] : memref<20480x128xf32, #tpu.memory_space<hbm>> -> memref<640x128xf32, #tpu.memory_space<hbm>>
      %dma_wait3A_20 = arith.constant 0 : i32
      %dma_wait3A_21 = tpu.memref_slice %arg9[%mul3A_10, %dma_wait3A_20] : memref<10240x128xf32, #tpu.memory_space<vmem_shared>> -> memref<640x128xf32, #tpu.memory_space<vmem_shared>>
      tpu.wait_dma2 semaphore(%run_scoped3A : memref<!tpu.dma_semaphore, #tpu.memory_space<semaphore_mem>>) src(%dma_wait3A_21 : memref<640x128xf32, #tpu.memory_space<vmem_shared>>) dst(%dma_wait3A_19 : memref<640x128xf32, #tpu.memory_space<hbm>>)
      tpu.yield
    }) : () -> ()
    return
  }
}

#map = affine_map<(d0, d1) -> (0, 0)>
#map1 = affine_map<(d0, d1) -> (0, 0, 0)>
module attributes {stable_mosaic.version = 14 : i64} {
  func.func @_pass1_body(%arg0: i32, %arg1: i32, %arg2: memref<10240x16xf32, #tpu.memory_space<hbm>>, %arg3: memref<10240x16xf32, #tpu.memory_space<hbm>>, %arg4: memref<2560x128xi32, #tpu.memory_space<hbm>>, %arg5: memref<2560x128xi32, #tpu.memory_space<hbm>>, %arg6: memref<640x16xf32, #tpu.memory_space<hbm>>, %arg7: memref<20480x16xf32, #tpu.memory_space<hbm>>, %arg8: memref<2560x128x16xf32, #tpu.memory_space<hbm>>, %arg9: memref<10240x16xf32, #tpu.memory_space<vmem_shared>>, %arg10: memref<4x128xi32, #tpu.memory_space<vmem>>, %arg11: memref<4x128xi32, #tpu.memory_space<vmem>>, %arg12: memref<4x128x16xf32, #tpu.memory_space<vmem>>, %arg13: memref<4x128x16xf32, #tpu.memory_space<vmem>>, %arg14: memref<!tpu.dma_semaphore, #tpu.memory_space<semaphore_mem>>, %arg15: memref<!tpu.dma_semaphore, #tpu.memory_space<semaphore_mem>>) attributes {dimension_semantics = [#tpu.dimension_semantics<core_parallel>, #tpu.dimension_semantics<subcore_parallel>], iteration_bounds = array<i64: 2, 16>, scalar_prefetch = 0 : i64, scratch_operands = 7 : i64, tpu.core_type = #tpu.core_type<sc_vector_subcore>, window_params = [{transform_indices = #map}, {transform_indices = #map}, {transform_indices = #map}, {transform_indices = #map}, {transform_indices = #map}, {transform_indices = #map}, {transform_indices = #map1}]} {
    %mul3A = arith.constant 2 : i32
    %mul3A_0 = arith.muli %arg1, %mul3A : i32
    %add3A = arith.addi %mul3A_0, %arg0 : i32
    %mul3A_1 = arith.constant 640 : i32
    %mul3A_2 = arith.muli %arg1, %mul3A_1 : i32
    "tpu.region"() ({
      %run_scoped3A = tpu.sem_alloc : memref<!tpu.dma_semaphore, #tpu.memory_space<semaphore_mem>>
      %dma_start3A = arith.constant 0 : i32
      %dma_start3A_16 = tpu.memref_slice %arg9[%mul3A_2, %dma_start3A] : memref<10240x16xf32, #tpu.memory_space<vmem_shared>> -> memref<640x16xf32, #tpu.memory_space<vmem_shared>>
      tpu.enqueue_dma source(%arg6 : memref<640x16xf32, #tpu.memory_space<hbm>>) target(%dma_start3A_16 : memref<640x16xf32, #tpu.memory_space<vmem_shared>>) target_semaphore(%run_scoped3A : memref<!tpu.dma_semaphore, #tpu.memory_space<semaphore_mem>>)
      %dma_wait3A = arith.constant 0 : i32
      %dma_wait3A_17 = tpu.memref_slice %arg9[%mul3A_2, %dma_wait3A] : memref<10240x16xf32, #tpu.memory_space<vmem_shared>> -> memref<640x16xf32, #tpu.memory_space<vmem_shared>>
      tpu.wait_dma2 semaphore(%run_scoped3A : memref<!tpu.dma_semaphore, #tpu.memory_space<semaphore_mem>>) src(%arg6 : memref<640x16xf32, #tpu.memory_space<hbm>>) dst(%dma_wait3A_17 : memref<640x16xf32, #tpu.memory_space<vmem_shared>>)
      tpu.yield
    }) : () -> ()
    %barrier3A = arith.constant 0 : index
    tpu.barrier barrier_id(%barrier3A)
    %scan3A = arith.constant 0 : i32
    %scan3A_3 = arith.constant 0 : i32
    %scan3A_4 = arith.constant 20 : i32
    %scan3A_5 = arith.addi %scan3A_3, %scan3A_4 : i32
    %scan3A_6 = arith.constant 1 : i32
    scf.for %scan3A_16 = %scan3A_3 to %scan3A_5 step %scan3A_6  : i32 {
      %mul3A_17 = arith.constant 80 : i32
      %mul3A_18 = arith.muli %add3A, %mul3A_17 : i32
      %mul3A_19 = arith.constant 4 : i32
      %mul3A_20 = arith.muli %scan3A_16, %mul3A_19 : i32
      %add3A_21 = arith.addi %mul3A_18, %mul3A_20 : i32
      "tpu.region"() ({
        %run_scoped3A = tpu.sem_alloc : memref<!tpu.dma_semaphore, #tpu.memory_space<semaphore_mem>>
        %dma_start3A_331 = arith.constant 0 : i32
        %dma_start3A_332 = tpu.memref_slice %arg4[%add3A_21, %dma_start3A_331] : memref<2560x128xi32, #tpu.memory_space<hbm>> -> memref<4x128xi32, #tpu.memory_space<hbm>>
        %dma_start3A_333 = arith.constant 0 : i32
        %dma_start3A_334 = tpu.memref_slice %arg4[%add3A_21, %dma_start3A_333] : memref<2560x128xi32, #tpu.memory_space<hbm>> -> memref<4x128xi32, #tpu.memory_space<hbm>>
        tpu.enqueue_dma source(%dma_start3A_334 : memref<4x128xi32, #tpu.memory_space<hbm>>) target(%arg10 : memref<4x128xi32, #tpu.memory_space<vmem>>) target_semaphore(%run_scoped3A : memref<!tpu.dma_semaphore, #tpu.memory_space<semaphore_mem>>)
        %dma_wait3A_335 = arith.constant 0 : i32
        %dma_wait3A_336 = tpu.memref_slice %arg4[%add3A_21, %dma_wait3A_335] : memref<2560x128xi32, #tpu.memory_space<hbm>> -> memref<4x128xi32, #tpu.memory_space<hbm>>
        %dma_wait3A_337 = arith.constant 0 : i32
        %dma_wait3A_338 = tpu.memref_slice %arg4[%add3A_21, %dma_wait3A_337] : memref<2560x128xi32, #tpu.memory_space<hbm>> -> memref<4x128xi32, #tpu.memory_space<hbm>>
        tpu.wait_dma2 semaphore(%run_scoped3A : memref<!tpu.dma_semaphore, #tpu.memory_space<semaphore_mem>>) src(%dma_wait3A_338 : memref<4x128xi32, #tpu.memory_space<hbm>>) dst(%arg10 : memref<4x128xi32, #tpu.memory_space<vmem>>)
        tpu.yield
      }) : () -> ()
      "tpu.region"() ({
        %run_scoped3A = tpu.sem_alloc : memref<!tpu.dma_semaphore, #tpu.memory_space<semaphore_mem>>
        %dma_start3A_331 = arith.constant 0 : i32
        %dma_start3A_332 = tpu.memref_slice %arg5[%add3A_21, %dma_start3A_331] : memref<2560x128xi32, #tpu.memory_space<hbm>> -> memref<4x128xi32, #tpu.memory_space<hbm>>
        %dma_start3A_333 = arith.constant 0 : i32
        %dma_start3A_334 = tpu.memref_slice %arg5[%add3A_21, %dma_start3A_333] : memref<2560x128xi32, #tpu.memory_space<hbm>> -> memref<4x128xi32, #tpu.memory_space<hbm>>
        tpu.enqueue_dma source(%dma_start3A_334 : memref<4x128xi32, #tpu.memory_space<hbm>>) target(%arg11 : memref<4x128xi32, #tpu.memory_space<vmem>>) target_semaphore(%run_scoped3A : memref<!tpu.dma_semaphore, #tpu.memory_space<semaphore_mem>>)
        %dma_wait3A_335 = arith.constant 0 : i32
        %dma_wait3A_336 = tpu.memref_slice %arg5[%add3A_21, %dma_wait3A_335] : memref<2560x128xi32, #tpu.memory_space<hbm>> -> memref<4x128xi32, #tpu.memory_space<hbm>>
        %dma_wait3A_337 = arith.constant 0 : i32
        %dma_wait3A_338 = tpu.memref_slice %arg5[%add3A_21, %dma_wait3A_337] : memref<2560x128xi32, #tpu.memory_space<hbm>> -> memref<4x128xi32, #tpu.memory_space<hbm>>
        tpu.wait_dma2 semaphore(%run_scoped3A : memref<!tpu.dma_semaphore, #tpu.memory_space<semaphore_mem>>) src(%dma_wait3A_338 : memref<4x128xi32, #tpu.memory_space<hbm>>) dst(%arg11 : memref<4x128xi32, #tpu.memory_space<vmem>>)
        tpu.yield
      }) : () -> ()
      %dma_start3A = arith.constant 0 : i32
      %dma_start3A_22 = arith.constant 0 : i32
      %dma_start3A_23 = arith.constant 0 : i32
      %dma_start3A_24 = arith.constant 0 : i32
      %dma_start3A_25 = tpu.memref_slice %arg12[%dma_start3A_22, %dma_start3A_23, %dma_start3A_24] : memref<4x128x16xf32, #tpu.memory_space<vmem>> -> memref<1x128x16xf32, #tpu.memory_space<vmem>>
      %dma_start3A_26 = tpu.memref_squeeze %dma_start3A_25 : memref<1x128x16xf32, #tpu.memory_space<vmem>> -> memref<128x16xf32, #tpu.memory_space<vmem>>
      %dma_start3A_27 = arith.constant 0 : i32
      %dma_start3A_28 = tpu.memref_slice %arg10[%dma_start3A, %dma_start3A_27] : memref<4x128xi32, #tpu.memory_space<vmem>> -> memref<1x128xi32, #tpu.memory_space<vmem>>
      %dma_start3A_29 = tpu.memref_squeeze %dma_start3A_28 : memref<1x128xi32, #tpu.memory_space<vmem>> -> memref<128xi32, #tpu.memory_space<vmem>>
      %dma_start3A_30 = arith.constant 0 : i32
      %dma_start3A_31 = arith.constant 0 : i32
      %dma_start3A_32 = tpu.memref_slice %arg2[%dma_start3A_30, %dma_start3A_31] : memref<10240x16xf32, #tpu.memory_space<hbm>> -> memref<10240x16xf32, #tpu.memory_space<hbm>>
      tpu.enqueue_indirect_dma source(%dma_start3A_32 : memref<10240x16xf32, #tpu.memory_space<hbm>>) target(%dma_start3A_26 : memref<128x16xf32, #tpu.memory_space<vmem>>) offsets(%dma_start3A_29 : memref<128xi32, #tpu.memory_space<vmem>>) semaphore(%arg14 : memref<!tpu.dma_semaphore, #tpu.memory_space<semaphore_mem>>)
      %dma_start3A_33 = arith.constant 1 : i32
      %dma_start3A_34 = arith.constant 1 : i32
      %dma_start3A_35 = arith.constant 0 : i32
      %dma_start3A_36 = arith.constant 0 : i32
      %dma_start3A_37 = tpu.memref_slice %arg12[%dma_start3A_34, %dma_start3A_35, %dma_start3A_36] : memref<4x128x16xf32, #tpu.memory_space<vmem>> -> memref<1x128x16xf32, #tpu.memory_space<vmem>>
      %dma_start3A_38 = tpu.memref_squeeze %dma_start3A_37 : memref<1x128x16xf32, #tpu.memory_space<vmem>> -> memref<128x16xf32, #tpu.memory_space<vmem>>
      %dma_start3A_39 = arith.constant 0 : i32
      %dma_start3A_40 = tpu.memref_slice %arg10[%dma_start3A_33, %dma_start3A_39] : memref<4x128xi32, #tpu.memory_space<vmem>> -> memref<1x128xi32, #tpu.memory_space<vmem>>
      %dma_start3A_41 = tpu.memref_squeeze %dma_start3A_40 : memref<1x128xi32, #tpu.memory_space<vmem>> -> memref<128xi32, #tpu.memory_space<vmem>>
      %dma_start3A_42 = arith.constant 0 : i32
      %dma_start3A_43 = arith.constant 0 : i32
      %dma_start3A_44 = tpu.memref_slice %arg2[%dma_start3A_42, %dma_start3A_43] : memref<10240x16xf32, #tpu.memory_space<hbm>> -> memref<10240x16xf32, #tpu.memory_space<hbm>>
      tpu.enqueue_indirect_dma source(%dma_start3A_44 : memref<10240x16xf32, #tpu.memory_space<hbm>>) target(%dma_start3A_38 : memref<128x16xf32, #tpu.memory_space<vmem>>) offsets(%dma_start3A_41 : memref<128xi32, #tpu.memory_space<vmem>>) semaphore(%arg14 : memref<!tpu.dma_semaphore, #tpu.memory_space<semaphore_mem>>)
      %dma_start3A_45 = arith.constant 2 : i32
      %dma_start3A_46 = arith.constant 2 : i32
      %dma_start3A_47 = arith.constant 0 : i32
      %dma_start3A_48 = arith.constant 0 : i32
      %dma_start3A_49 = tpu.memref_slice %arg12[%dma_start3A_46, %dma_start3A_47, %dma_start3A_48] : memref<4x128x16xf32, #tpu.memory_space<vmem>> -> memref<1x128x16xf32, #tpu.memory_space<vmem>>
      %dma_start3A_50 = tpu.memref_squeeze %dma_start3A_49 : memref<1x128x16xf32, #tpu.memory_space<vmem>> -> memref<128x16xf32, #tpu.memory_space<vmem>>
      %dma_start3A_51 = arith.constant 0 : i32
      %dma_start3A_52 = tpu.memref_slice %arg10[%dma_start3A_45, %dma_start3A_51] : memref<4x128xi32, #tpu.memory_space<vmem>> -> memref<1x128xi32, #tpu.memory_space<vmem>>
      %dma_start3A_53 = tpu.memref_squeeze %dma_start3A_52 : memref<1x128xi32, #tpu.memory_space<vmem>> -> memref<128xi32, #tpu.memory_space<vmem>>
      %dma_start3A_54 = arith.constant 0 : i32
      %dma_start3A_55 = arith.constant 0 : i32
      %dma_start3A_56 = tpu.memref_slice %arg2[%dma_start3A_54, %dma_start3A_55] : memref<10240x16xf32, #tpu.memory_space<hbm>> -> memref<10240x16xf32, #tpu.memory_space<hbm>>
      tpu.enqueue_indirect_dma source(%dma_start3A_56 : memref<10240x16xf32, #tpu.memory_space<hbm>>) target(%dma_start3A_50 : memref<128x16xf32, #tpu.memory_space<vmem>>) offsets(%dma_start3A_53 : memref<128xi32, #tpu.memory_space<vmem>>) semaphore(%arg14 : memref<!tpu.dma_semaphore, #tpu.memory_space<semaphore_mem>>)
      %dma_start3A_57 = arith.constant 3 : i32
      %dma_start3A_58 = arith.constant 3 : i32
      %dma_start3A_59 = arith.constant 0 : i32
      %dma_start3A_60 = arith.constant 0 : i32
      %dma_start3A_61 = tpu.memref_slice %arg12[%dma_start3A_58, %dma_start3A_59, %dma_start3A_60] : memref<4x128x16xf32, #tpu.memory_space<vmem>> -> memref<1x128x16xf32, #tpu.memory_space<vmem>>
      %dma_start3A_62 = tpu.memref_squeeze %dma_start3A_61 : memref<1x128x16xf32, #tpu.memory_space<vmem>> -> memref<128x16xf32, #tpu.memory_space<vmem>>
      %dma_start3A_63 = arith.constant 0 : i32
      %dma_start3A_64 = tpu.memref_slice %arg10[%dma_start3A_57, %dma_start3A_63] : memref<4x128xi32, #tpu.memory_space<vmem>> -> memref<1x128xi32, #tpu.memory_space<vmem>>
      %dma_start3A_65 = tpu.memref_squeeze %dma_start3A_64 : memref<1x128xi32, #tpu.memory_space<vmem>> -> memref<128xi32, #tpu.memory_space<vmem>>
      %dma_start3A_66 = arith.constant 0 : i32
      %dma_start3A_67 = arith.constant 0 : i32
      %dma_start3A_68 = tpu.memref_slice %arg2[%dma_start3A_66, %dma_start3A_67] : memref<10240x16xf32, #tpu.memory_space<hbm>> -> memref<10240x16xf32, #tpu.memory_space<hbm>>
      tpu.enqueue_indirect_dma source(%dma_start3A_68 : memref<10240x16xf32, #tpu.memory_space<hbm>>) target(%dma_start3A_62 : memref<128x16xf32, #tpu.memory_space<vmem>>) offsets(%dma_start3A_65 : memref<128xi32, #tpu.memory_space<vmem>>) semaphore(%arg14 : memref<!tpu.dma_semaphore, #tpu.memory_space<semaphore_mem>>)
      %dma_start3A_69 = arith.constant 0 : i32
      %dma_start3A_70 = arith.constant 0 : i32
      %dma_start3A_71 = arith.constant 0 : i32
      %dma_start3A_72 = arith.constant 0 : i32
      %dma_start3A_73 = tpu.memref_slice %arg13[%dma_start3A_70, %dma_start3A_71, %dma_start3A_72] : memref<4x128x16xf32, #tpu.memory_space<vmem>> -> memref<1x128x16xf32, #tpu.memory_space<vmem>>
      %dma_start3A_74 = tpu.memref_squeeze %dma_start3A_73 : memref<1x128x16xf32, #tpu.memory_space<vmem>> -> memref<128x16xf32, #tpu.memory_space<vmem>>
      %dma_start3A_75 = arith.constant 0 : i32
      %dma_start3A_76 = tpu.memref_slice %arg11[%dma_start3A_69, %dma_start3A_75] : memref<4x128xi32, #tpu.memory_space<vmem>> -> memref<1x128xi32, #tpu.memory_space<vmem>>
      %dma_start3A_77 = tpu.memref_squeeze %dma_start3A_76 : memref<1x128xi32, #tpu.memory_space<vmem>> -> memref<128xi32, #tpu.memory_space<vmem>>
      %dma_start3A_78 = arith.constant 0 : i32
      %dma_start3A_79 = arith.constant 0 : i32
      %dma_start3A_80 = tpu.memref_slice %arg3[%dma_start3A_78, %dma_start3A_79] : memref<10240x16xf32, #tpu.memory_space<hbm>> -> memref<10240x16xf32, #tpu.memory_space<hbm>>
      tpu.enqueue_indirect_dma source(%dma_start3A_80 : memref<10240x16xf32, #tpu.memory_space<hbm>>) target(%dma_start3A_74 : memref<128x16xf32, #tpu.memory_space<vmem>>) offsets(%dma_start3A_77 : memref<128xi32, #tpu.memory_space<vmem>>) semaphore(%arg15 : memref<!tpu.dma_semaphore, #tpu.memory_space<semaphore_mem>>)
      %dma_start3A_81 = arith.constant 1 : i32
      %dma_start3A_82 = arith.constant 1 : i32
      %dma_start3A_83 = arith.constant 0 : i32
      %dma_start3A_84 = arith.constant 0 : i32
      %dma_start3A_85 = tpu.memref_slice %arg13[%dma_start3A_82, %dma_start3A_83, %dma_start3A_84] : memref<4x128x16xf32, #tpu.memory_space<vmem>> -> memref<1x128x16xf32, #tpu.memory_space<vmem>>
      %dma_start3A_86 = tpu.memref_squeeze %dma_start3A_85 : memref<1x128x16xf32, #tpu.memory_space<vmem>> -> memref<128x16xf32, #tpu.memory_space<vmem>>
      %dma_start3A_87 = arith.constant 0 : i32
      %dma_start3A_88 = tpu.memref_slice %arg11[%dma_start3A_81, %dma_start3A_87] : memref<4x128xi32, #tpu.memory_space<vmem>> -> memref<1x128xi32, #tpu.memory_space<vmem>>
      %dma_start3A_89 = tpu.memref_squeeze %dma_start3A_88 : memref<1x128xi32, #tpu.memory_space<vmem>> -> memref<128xi32, #tpu.memory_space<vmem>>
      %dma_start3A_90 = arith.constant 0 : i32
      %dma_start3A_91 = arith.constant 0 : i32
      %dma_start3A_92 = tpu.memref_slice %arg3[%dma_start3A_90, %dma_start3A_91] : memref<10240x16xf32, #tpu.memory_space<hbm>> -> memref<10240x16xf32, #tpu.memory_space<hbm>>
      tpu.enqueue_indirect_dma source(%dma_start3A_92 : memref<10240x16xf32, #tpu.memory_space<hbm>>) target(%dma_start3A_86 : memref<128x16xf32, #tpu.memory_space<vmem>>) offsets(%dma_start3A_89 : memref<128xi32, #tpu.memory_space<vmem>>) semaphore(%arg15 : memref<!tpu.dma_semaphore, #tpu.memory_space<semaphore_mem>>)
      %dma_start3A_93 = arith.constant 2 : i32
      %dma_start3A_94 = arith.constant 2 : i32
      %dma_start3A_95 = arith.constant 0 : i32
      %dma_start3A_96 = arith.constant 0 : i32
      %dma_start3A_97 = tpu.memref_slice %arg13[%dma_start3A_94, %dma_start3A_95, %dma_start3A_96] : memref<4x128x16xf32, #tpu.memory_space<vmem>> -> memref<1x128x16xf32, #tpu.memory_space<vmem>>
      %dma_start3A_98 = tpu.memref_squeeze %dma_start3A_97 : memref<1x128x16xf32, #tpu.memory_space<vmem>> -> memref<128x16xf32, #tpu.memory_space<vmem>>
      %dma_start3A_99 = arith.constant 0 : i32
      %dma_start3A_100 = tpu.memref_slice %arg11[%dma_start3A_93, %dma_start3A_99] : memref<4x128xi32, #tpu.memory_space<vmem>> -> memref<1x128xi32, #tpu.memory_space<vmem>>
      %dma_start3A_101 = tpu.memref_squeeze %dma_start3A_100 : memref<1x128xi32, #tpu.memory_space<vmem>> -> memref<128xi32, #tpu.memory_space<vmem>>
      %dma_start3A_102 = arith.constant 0 : i32
      %dma_start3A_103 = arith.constant 0 : i32
      %dma_start3A_104 = tpu.memref_slice %arg3[%dma_start3A_102, %dma_start3A_103] : memref<10240x16xf32, #tpu.memory_space<hbm>> -> memref<10240x16xf32, #tpu.memory_space<hbm>>
      tpu.enqueue_indirect_dma source(%dma_start3A_104 : memref<10240x16xf32, #tpu.memory_space<hbm>>) target(%dma_start3A_98 : memref<128x16xf32, #tpu.memory_space<vmem>>) offsets(%dma_start3A_101 : memref<128xi32, #tpu.memory_space<vmem>>) semaphore(%arg15 : memref<!tpu.dma_semaphore, #tpu.memory_space<semaphore_mem>>)
      %dma_start3A_105 = arith.constant 3 : i32
      %dma_start3A_106 = arith.constant 3 : i32
      %dma_start3A_107 = arith.constant 0 : i32
      %dma_start3A_108 = arith.constant 0 : i32
      %dma_start3A_109 = tpu.memref_slice %arg13[%dma_start3A_106, %dma_start3A_107, %dma_start3A_108] : memref<4x128x16xf32, #tpu.memory_space<vmem>> -> memref<1x128x16xf32, #tpu.memory_space<vmem>>
      %dma_start3A_110 = tpu.memref_squeeze %dma_start3A_109 : memref<1x128x16xf32, #tpu.memory_space<vmem>> -> memref<128x16xf32, #tpu.memory_space<vmem>>
      %dma_start3A_111 = arith.constant 0 : i32
      %dma_start3A_112 = tpu.memref_slice %arg11[%dma_start3A_105, %dma_start3A_111] : memref<4x128xi32, #tpu.memory_space<vmem>> -> memref<1x128xi32, #tpu.memory_space<vmem>>
      %dma_start3A_113 = tpu.memref_squeeze %dma_start3A_112 : memref<1x128xi32, #tpu.memory_space<vmem>> -> memref<128xi32, #tpu.memory_space<vmem>>
      %dma_start3A_114 = arith.constant 0 : i32
      %dma_start3A_115 = arith.constant 0 : i32
      %dma_start3A_116 = tpu.memref_slice %arg3[%dma_start3A_114, %dma_start3A_115] : memref<10240x16xf32, #tpu.memory_space<hbm>> -> memref<10240x16xf32, #tpu.memory_space<hbm>>
      tpu.enqueue_indirect_dma source(%dma_start3A_116 : memref<10240x16xf32, #tpu.memory_space<hbm>>) target(%dma_start3A_110 : memref<128x16xf32, #tpu.memory_space<vmem>>) offsets(%dma_start3A_113 : memref<128xi32, #tpu.memory_space<vmem>>) semaphore(%arg15 : memref<!tpu.dma_semaphore, #tpu.memory_space<semaphore_mem>>)
      %dma_wait3A = arith.constant 0 : i32
      %dma_wait3A_117 = arith.constant 0 : i32
      %dma_wait3A_118 = arith.constant 0 : i32
      %dma_wait3A_119 = arith.constant 0 : i32
      %dma_wait3A_120 = tpu.memref_slice %arg12[%dma_wait3A_117, %dma_wait3A_118, %dma_wait3A_119] : memref<4x128x16xf32, #tpu.memory_space<vmem>> -> memref<1x128x16xf32, #tpu.memory_space<vmem>>
      %dma_wait3A_121 = tpu.memref_squeeze %dma_wait3A_120 : memref<1x128x16xf32, #tpu.memory_space<vmem>> -> memref<128x16xf32, #tpu.memory_space<vmem>>
      %dma_wait3A_122 = arith.constant 0 : i32
      %dma_wait3A_123 = tpu.memref_slice %arg10[%dma_wait3A, %dma_wait3A_122] : memref<4x128xi32, #tpu.memory_space<vmem>> -> memref<1x128xi32, #tpu.memory_space<vmem>>
      %dma_wait3A_124 = tpu.memref_squeeze %dma_wait3A_123 : memref<1x128xi32, #tpu.memory_space<vmem>> -> memref<128xi32, #tpu.memory_space<vmem>>
      %dma_wait3A_125 = arith.constant 0 : i32
      %dma_wait3A_126 = arith.constant 0 : i32
      %dma_wait3A_127 = tpu.memref_slice %arg2[%dma_wait3A_125, %dma_wait3A_126] : memref<10240x16xf32, #tpu.memory_space<hbm>> -> memref<10240x16xf32, #tpu.memory_space<hbm>>
      tpu.wait_indirect_dma semaphore(%arg14 : memref<!tpu.dma_semaphore, #tpu.memory_space<semaphore_mem>>) src(%dma_wait3A_127 : memref<10240x16xf32, #tpu.memory_space<hbm>>) dst(%dma_wait3A_121 : memref<128x16xf32, #tpu.memory_space<vmem>>)
      %dma_wait3A_128 = arith.constant 1 : i32
      %dma_wait3A_129 = arith.constant 1 : i32
      %dma_wait3A_130 = arith.constant 0 : i32
      %dma_wait3A_131 = arith.constant 0 : i32
      %dma_wait3A_132 = tpu.memref_slice %arg12[%dma_wait3A_129, %dma_wait3A_130, %dma_wait3A_131] : memref<4x128x16xf32, #tpu.memory_space<vmem>> -> memref<1x128x16xf32, #tpu.memory_space<vmem>>
      %dma_wait3A_133 = tpu.memref_squeeze %dma_wait3A_132 : memref<1x128x16xf32, #tpu.memory_space<vmem>> -> memref<128x16xf32, #tpu.memory_space<vmem>>
      %dma_wait3A_134 = arith.constant 0 : i32
      %dma_wait3A_135 = tpu.memref_slice %arg10[%dma_wait3A_128, %dma_wait3A_134] : memref<4x128xi32, #tpu.memory_space<vmem>> -> memref<1x128xi32, #tpu.memory_space<vmem>>
      %dma_wait3A_136 = tpu.memref_squeeze %dma_wait3A_135 : memref<1x128xi32, #tpu.memory_space<vmem>> -> memref<128xi32, #tpu.memory_space<vmem>>
      %dma_wait3A_137 = arith.constant 0 : i32
      %dma_wait3A_138 = arith.constant 0 : i32
      %dma_wait3A_139 = tpu.memref_slice %arg2[%dma_wait3A_137, %dma_wait3A_138] : memref<10240x16xf32, #tpu.memory_space<hbm>> -> memref<10240x16xf32, #tpu.memory_space<hbm>>
      tpu.wait_indirect_dma semaphore(%arg14 : memref<!tpu.dma_semaphore, #tpu.memory_space<semaphore_mem>>) src(%dma_wait3A_139 : memref<10240x16xf32, #tpu.memory_space<hbm>>) dst(%dma_wait3A_133 : memref<128x16xf32, #tpu.memory_space<vmem>>)
      %dma_wait3A_140 = arith.constant 2 : i32
      %dma_wait3A_141 = arith.constant 2 : i32
      %dma_wait3A_142 = arith.constant 0 : i32
      %dma_wait3A_143 = arith.constant 0 : i32
      %dma_wait3A_144 = tpu.memref_slice %arg12[%dma_wait3A_141, %dma_wait3A_142, %dma_wait3A_143] : memref<4x128x16xf32, #tpu.memory_space<vmem>> -> memref<1x128x16xf32, #tpu.memory_space<vmem>>
      %dma_wait3A_145 = tpu.memref_squeeze %dma_wait3A_144 : memref<1x128x16xf32, #tpu.memory_space<vmem>> -> memref<128x16xf32, #tpu.memory_space<vmem>>
      %dma_wait3A_146 = arith.constant 0 : i32
      %dma_wait3A_147 = tpu.memref_slice %arg10[%dma_wait3A_140, %dma_wait3A_146] : memref<4x128xi32, #tpu.memory_space<vmem>> -> memref<1x128xi32, #tpu.memory_space<vmem>>
      %dma_wait3A_148 = tpu.memref_squeeze %dma_wait3A_147 : memref<1x128xi32, #tpu.memory_space<vmem>> -> memref<128xi32, #tpu.memory_space<vmem>>
      %dma_wait3A_149 = arith.constant 0 : i32
      %dma_wait3A_150 = arith.constant 0 : i32
      %dma_wait3A_151 = tpu.memref_slice %arg2[%dma_wait3A_149, %dma_wait3A_150] : memref<10240x16xf32, #tpu.memory_space<hbm>> -> memref<10240x16xf32, #tpu.memory_space<hbm>>
      tpu.wait_indirect_dma semaphore(%arg14 : memref<!tpu.dma_semaphore, #tpu.memory_space<semaphore_mem>>) src(%dma_wait3A_151 : memref<10240x16xf32, #tpu.memory_space<hbm>>) dst(%dma_wait3A_145 : memref<128x16xf32, #tpu.memory_space<vmem>>)
      %dma_wait3A_152 = arith.constant 3 : i32
      %dma_wait3A_153 = arith.constant 3 : i32
      %dma_wait3A_154 = arith.constant 0 : i32
      %dma_wait3A_155 = arith.constant 0 : i32
      %dma_wait3A_156 = tpu.memref_slice %arg12[%dma_wait3A_153, %dma_wait3A_154, %dma_wait3A_155] : memref<4x128x16xf32, #tpu.memory_space<vmem>> -> memref<1x128x16xf32, #tpu.memory_space<vmem>>
      %dma_wait3A_157 = tpu.memref_squeeze %dma_wait3A_156 : memref<1x128x16xf32, #tpu.memory_space<vmem>> -> memref<128x16xf32, #tpu.memory_space<vmem>>
      %dma_wait3A_158 = arith.constant 0 : i32
      %dma_wait3A_159 = tpu.memref_slice %arg10[%dma_wait3A_152, %dma_wait3A_158] : memref<4x128xi32, #tpu.memory_space<vmem>> -> memref<1x128xi32, #tpu.memory_space<vmem>>
      %dma_wait3A_160 = tpu.memref_squeeze %dma_wait3A_159 : memref<1x128xi32, #tpu.memory_space<vmem>> -> memref<128xi32, #tpu.memory_space<vmem>>
      %dma_wait3A_161 = arith.constant 0 : i32
      %dma_wait3A_162 = arith.constant 0 : i32
      %dma_wait3A_163 = tpu.memref_slice %arg2[%dma_wait3A_161, %dma_wait3A_162] : memref<10240x16xf32, #tpu.memory_space<hbm>> -> memref<10240x16xf32, #tpu.memory_space<hbm>>
      tpu.wait_indirect_dma semaphore(%arg14 : memref<!tpu.dma_semaphore, #tpu.memory_space<semaphore_mem>>) src(%dma_wait3A_163 : memref<10240x16xf32, #tpu.memory_space<hbm>>) dst(%dma_wait3A_157 : memref<128x16xf32, #tpu.memory_space<vmem>>)
      %dma_wait3A_164 = arith.constant 0 : i32
      %dma_wait3A_165 = arith.constant 0 : i32
      %dma_wait3A_166 = arith.constant 0 : i32
      %dma_wait3A_167 = arith.constant 0 : i32
      %dma_wait3A_168 = tpu.memref_slice %arg13[%dma_wait3A_165, %dma_wait3A_166, %dma_wait3A_167] : memref<4x128x16xf32, #tpu.memory_space<vmem>> -> memref<1x128x16xf32, #tpu.memory_space<vmem>>
      %dma_wait3A_169 = tpu.memref_squeeze %dma_wait3A_168 : memref<1x128x16xf32, #tpu.memory_space<vmem>> -> memref<128x16xf32, #tpu.memory_space<vmem>>
      %dma_wait3A_170 = arith.constant 0 : i32
      %dma_wait3A_171 = tpu.memref_slice %arg11[%dma_wait3A_164, %dma_wait3A_170] : memref<4x128xi32, #tpu.memory_space<vmem>> -> memref<1x128xi32, #tpu.memory_space<vmem>>
      %dma_wait3A_172 = tpu.memref_squeeze %dma_wait3A_171 : memref<1x128xi32, #tpu.memory_space<vmem>> -> memref<128xi32, #tpu.memory_space<vmem>>
      %dma_wait3A_173 = arith.constant 0 : i32
      %dma_wait3A_174 = arith.constant 0 : i32
      %dma_wait3A_175 = tpu.memref_slice %arg3[%dma_wait3A_173, %dma_wait3A_174] : memref<10240x16xf32, #tpu.memory_space<hbm>> -> memref<10240x16xf32, #tpu.memory_space<hbm>>
      tpu.wait_indirect_dma semaphore(%arg15 : memref<!tpu.dma_semaphore, #tpu.memory_space<semaphore_mem>>) src(%dma_wait3A_175 : memref<10240x16xf32, #tpu.memory_space<hbm>>) dst(%dma_wait3A_169 : memref<128x16xf32, #tpu.memory_space<vmem>>)
      %dma_wait3A_176 = arith.constant 1 : i32
      %dma_wait3A_177 = arith.constant 1 : i32
      %dma_wait3A_178 = arith.constant 0 : i32
      %dma_wait3A_179 = arith.constant 0 : i32
      %dma_wait3A_180 = tpu.memref_slice %arg13[%dma_wait3A_177, %dma_wait3A_178, %dma_wait3A_179] : memref<4x128x16xf32, #tpu.memory_space<vmem>> -> memref<1x128x16xf32, #tpu.memory_space<vmem>>
      %dma_wait3A_181 = tpu.memref_squeeze %dma_wait3A_180 : memref<1x128x16xf32, #tpu.memory_space<vmem>> -> memref<128x16xf32, #tpu.memory_space<vmem>>
      %dma_wait3A_182 = arith.constant 0 : i32
      %dma_wait3A_183 = tpu.memref_slice %arg11[%dma_wait3A_176, %dma_wait3A_182] : memref<4x128xi32, #tpu.memory_space<vmem>> -> memref<1x128xi32, #tpu.memory_space<vmem>>
      %dma_wait3A_184 = tpu.memref_squeeze %dma_wait3A_183 : memref<1x128xi32, #tpu.memory_space<vmem>> -> memref<128xi32, #tpu.memory_space<vmem>>
      %dma_wait3A_185 = arith.constant 0 : i32
      %dma_wait3A_186 = arith.constant 0 : i32
      %dma_wait3A_187 = tpu.memref_slice %arg3[%dma_wait3A_185, %dma_wait3A_186] : memref<10240x16xf32, #tpu.memory_space<hbm>> -> memref<10240x16xf32, #tpu.memory_space<hbm>>
      tpu.wait_indirect_dma semaphore(%arg15 : memref<!tpu.dma_semaphore, #tpu.memory_space<semaphore_mem>>) src(%dma_wait3A_187 : memref<10240x16xf32, #tpu.memory_space<hbm>>) dst(%dma_wait3A_181 : memref<128x16xf32, #tpu.memory_space<vmem>>)
      %dma_wait3A_188 = arith.constant 2 : i32
      %dma_wait3A_189 = arith.constant 2 : i32
      %dma_wait3A_190 = arith.constant 0 : i32
      %dma_wait3A_191 = arith.constant 0 : i32
      %dma_wait3A_192 = tpu.memref_slice %arg13[%dma_wait3A_189, %dma_wait3A_190, %dma_wait3A_191] : memref<4x128x16xf32, #tpu.memory_space<vmem>> -> memref<1x128x16xf32, #tpu.memory_space<vmem>>
      %dma_wait3A_193 = tpu.memref_squeeze %dma_wait3A_192 : memref<1x128x16xf32, #tpu.memory_space<vmem>> -> memref<128x16xf32, #tpu.memory_space<vmem>>
      %dma_wait3A_194 = arith.constant 0 : i32
      %dma_wait3A_195 = tpu.memref_slice %arg11[%dma_wait3A_188, %dma_wait3A_194] : memref<4x128xi32, #tpu.memory_space<vmem>> -> memref<1x128xi32, #tpu.memory_space<vmem>>
      %dma_wait3A_196 = tpu.memref_squeeze %dma_wait3A_195 : memref<1x128xi32, #tpu.memory_space<vmem>> -> memref<128xi32, #tpu.memory_space<vmem>>
      %dma_wait3A_197 = arith.constant 0 : i32
      %dma_wait3A_198 = arith.constant 0 : i32
      %dma_wait3A_199 = tpu.memref_slice %arg3[%dma_wait3A_197, %dma_wait3A_198] : memref<10240x16xf32, #tpu.memory_space<hbm>> -> memref<10240x16xf32, #tpu.memory_space<hbm>>
      tpu.wait_indirect_dma semaphore(%arg15 : memref<!tpu.dma_semaphore, #tpu.memory_space<semaphore_mem>>) src(%dma_wait3A_199 : memref<10240x16xf32, #tpu.memory_space<hbm>>) dst(%dma_wait3A_193 : memref<128x16xf32, #tpu.memory_space<vmem>>)
      %dma_wait3A_200 = arith.constant 3 : i32
      %dma_wait3A_201 = arith.constant 3 : i32
      %dma_wait3A_202 = arith.constant 0 : i32
      %dma_wait3A_203 = arith.constant 0 : i32
      %dma_wait3A_204 = tpu.memref_slice %arg13[%dma_wait3A_201, %dma_wait3A_202, %dma_wait3A_203] : memref<4x128x16xf32, #tpu.memory_space<vmem>> -> memref<1x128x16xf32, #tpu.memory_space<vmem>>
      %dma_wait3A_205 = tpu.memref_squeeze %dma_wait3A_204 : memref<1x128x16xf32, #tpu.memory_space<vmem>> -> memref<128x16xf32, #tpu.memory_space<vmem>>
      %dma_wait3A_206 = arith.constant 0 : i32
      %dma_wait3A_207 = tpu.memref_slice %arg11[%dma_wait3A_200, %dma_wait3A_206] : memref<4x128xi32, #tpu.memory_space<vmem>> -> memref<1x128xi32, #tpu.memory_space<vmem>>
      %dma_wait3A_208 = tpu.memref_squeeze %dma_wait3A_207 : memref<1x128xi32, #tpu.memory_space<vmem>> -> memref<128xi32, #tpu.memory_space<vmem>>
      %dma_wait3A_209 = arith.constant 0 : i32
      %dma_wait3A_210 = arith.constant 0 : i32
      %dma_wait3A_211 = tpu.memref_slice %arg3[%dma_wait3A_209, %dma_wait3A_210] : memref<10240x16xf32, #tpu.memory_space<hbm>> -> memref<10240x16xf32, #tpu.memory_space<hbm>>
      tpu.wait_indirect_dma semaphore(%arg15 : memref<!tpu.dma_semaphore, #tpu.memory_space<semaphore_mem>>) src(%dma_wait3A_211 : memref<10240x16xf32, #tpu.memory_space<hbm>>) dst(%dma_wait3A_205 : memref<128x16xf32, #tpu.memory_space<vmem>>)
      %parallel_loop3A = arith.constant 0 : i32
      %parallel_loop3A_212 = arith.constant 128 : i32
      %parallel_loop3A_213 = arith.constant 1 : i32
      scf.for %parallel_loop3A_331 = %parallel_loop3A to %parallel_loop3A_212 step %parallel_loop3A_213  : i32 {
        %parallel_loop3A_332 = arith.constant 0 : i32
        %parallel_loop3A_333 = arith.index_cast %parallel_loop3A_332 : i32 to index
        %parallel_loop3A_334 = arith.index_cast %parallel_loop3A_331 : i32 to index
        %parallel_loop3A_335 = arith.constant 0 : index
        %parallel_loop3A_336 = tpu.vector_load %arg12[%parallel_loop3A_333, %parallel_loop3A_334, %parallel_loop3A_335] {strides = array<i32>} : memref<4x128x16xf32, #tpu.memory_space<vmem>>, vector<1x1x16xf32>,
        %parallel_loop3A_337 = vector.shape_cast %parallel_loop3A_336 : vector<1x1x16xf32> to vector<16xf32>
        %parallel_loop3A_338 = arith.constant 0 : i32
        %parallel_loop3A_339 = arith.index_cast %parallel_loop3A_338 : i32 to index
        %parallel_loop3A_340 = arith.index_cast %parallel_loop3A_331 : i32 to index
        %parallel_loop3A_341 = arith.constant 0 : index
        %parallel_loop3A_342 = tpu.vector_load %arg13[%parallel_loop3A_339, %parallel_loop3A_340, %parallel_loop3A_341] {strides = array<i32>} : memref<4x128x16xf32, #tpu.memory_space<vmem>>, vector<1x1x16xf32>,
        %parallel_loop3A_343 = vector.shape_cast %parallel_loop3A_342 : vector<1x1x16xf32> to vector<16xf32>
        %parallel_loop3A_344 = arith.addf %parallel_loop3A_337, %parallel_loop3A_343 : vector<16xf32>
        %parallel_loop3A_345 = arith.constant 0.000000e+00 : f32
        %parallel_loop3A_346 = vector.broadcast %parallel_loop3A_345 : f32 to vector<16xf32>
        %parallel_loop3A_347 = arith.cmpf oge, %parallel_loop3A_344, %parallel_loop3A_346 : vector<16xf32>
        %parallel_loop3A_348 = arith.constant 2.000000e-01 : f32
        %parallel_loop3A_349 = vector.broadcast %parallel_loop3A_348 : f32 to vector<16xf32>
        %parallel_loop3A_350 = arith.mulf %parallel_loop3A_344, %parallel_loop3A_349 : vector<16xf32>
        %parallel_loop3A_351 = arith.select %parallel_loop3A_347, %parallel_loop3A_344, %parallel_loop3A_350 : vector<16xi1>, vector<16xf32>
        %parallel_loop3A_352 = math.exp %parallel_loop3A_351 : vector<16xf32>
        %parallel_loop3A_353 = arith.constant 0 : i32
        %parallel_loop3A_354 = arith.index_cast %parallel_loop3A_353 : i32 to index
        %parallel_loop3A_355 = arith.index_cast %parallel_loop3A_331 : i32 to index
        %parallel_loop3A_356 = arith.constant 0 : index
        %parallel_loop3A_357 = tpu.vector_load %arg12[%parallel_loop3A_354, %parallel_loop3A_355, %parallel_loop3A_356] {strides = array<i32>} : memref<4x128x16xf32, #tpu.memory_space<vmem>>, vector<1x1x16xf32>,
        %parallel_loop3A_358 = vector.shape_cast %parallel_loop3A_357 : vector<1x1x16xf32> to vector<16xf32>
        %parallel_loop3A_359 = vector.shape_cast %parallel_loop3A_352 : vector<16xf32> to vector<1x1x16xf32>
        tpu.vector_store %arg12[%parallel_loop3A_354, %parallel_loop3A_355, %parallel_loop3A_356], %parallel_loop3A_359 {strides = array<i32>} : memref<4x128x16xf32, #tpu.memory_space<vmem>>, vector<1x1x16xf32>,
      } {sc.loop_unroll_factor = 2 : i64, sc.parallel_access}
      %parallel_loop3A_214 = arith.constant 0 : i32
      %parallel_loop3A_215 = arith.constant 128 : i32
      %parallel_loop3A_216 = arith.constant 1 : i32
      scf.for %parallel_loop3A_331 = %parallel_loop3A_214 to %parallel_loop3A_215 step %parallel_loop3A_216  : i32 {
        %parallel_loop3A_332 = arith.constant 1 : i32
        %parallel_loop3A_333 = arith.index_cast %parallel_loop3A_332 : i32 to index
        %parallel_loop3A_334 = arith.index_cast %parallel_loop3A_331 : i32 to index
        %parallel_loop3A_335 = arith.constant 0 : index
        %parallel_loop3A_336 = tpu.vector_load %arg12[%parallel_loop3A_333, %parallel_loop3A_334, %parallel_loop3A_335] {strides = array<i32>} : memref<4x128x16xf32, #tpu.memory_space<vmem>>, vector<1x1x16xf32>,
        %parallel_loop3A_337 = vector.shape_cast %parallel_loop3A_336 : vector<1x1x16xf32> to vector<16xf32>
        %parallel_loop3A_338 = arith.constant 1 : i32
        %parallel_loop3A_339 = arith.index_cast %parallel_loop3A_338 : i32 to index
        %parallel_loop3A_340 = arith.index_cast %parallel_loop3A_331 : i32 to index
        %parallel_loop3A_341 = arith.constant 0 : index
        %parallel_loop3A_342 = tpu.vector_load %arg13[%parallel_loop3A_339, %parallel_loop3A_340, %parallel_loop3A_341] {strides = array<i32>} : memref<4x128x16xf32, #tpu.memory_space<vmem>>, vector<1x1x16xf32>,
        %parallel_loop3A_343 = vector.shape_cast %parallel_loop3A_342 : vector<1x1x16xf32> to vector<16xf32>
        %parallel_loop3A_344 = arith.addf %parallel_loop3A_337, %parallel_loop3A_343 : vector<16xf32>
        %parallel_loop3A_345 = arith.constant 0.000000e+00 : f32
        %parallel_loop3A_346 = vector.broadcast %parallel_loop3A_345 : f32 to vector<16xf32>
        %parallel_loop3A_347 = arith.cmpf oge, %parallel_loop3A_344, %parallel_loop3A_346 : vector<16xf32>
        %parallel_loop3A_348 = arith.constant 2.000000e-01 : f32
        %parallel_loop3A_349 = vector.broadcast %parallel_loop3A_348 : f32 to vector<16xf32>
        %parallel_loop3A_350 = arith.mulf %parallel_loop3A_344, %parallel_loop3A_349 : vector<16xf32>
        %parallel_loop3A_351 = arith.select %parallel_loop3A_347, %parallel_loop3A_344, %parallel_loop3A_350 : vector<16xi1>, vector<16xf32>
        %parallel_loop3A_352 = math.exp %parallel_loop3A_351 : vector<16xf32>
        %parallel_loop3A_353 = arith.constant 1 : i32
        %parallel_loop3A_354 = arith.index_cast %parallel_loop3A_353 : i32 to index
        %parallel_loop3A_355 = arith.index_cast %parallel_loop3A_331 : i32 to index
        %parallel_loop3A_356 = arith.constant 0 : index
        %parallel_loop3A_357 = tpu.vector_load %arg12[%parallel_loop3A_354, %parallel_loop3A_355, %parallel_loop3A_356] {strides = array<i32>} : memref<4x128x16xf32, #tpu.memory_space<vmem>>, vector<1x1x16xf32>,
        %parallel_loop3A_358 = vector.shape_cast %parallel_loop3A_357 : vector<1x1x16xf32> to vector<16xf32>
        %parallel_loop3A_359 = vector.shape_cast %parallel_loop3A_352 : vector<16xf32> to vector<1x1x16xf32>
        tpu.vector_store %arg12[%parallel_loop3A_354, %parallel_loop3A_355, %parallel_loop3A_356], %parallel_loop3A_359 {strides = array<i32>} : memref<4x128x16xf32, #tpu.memory_space<vmem>>, vector<1x1x16xf32>,
      } {sc.loop_unroll_factor = 2 : i64, sc.parallel_access}
      %parallel_loop3A_217 = arith.constant 0 : i32
      %parallel_loop3A_218 = arith.constant 128 : i32
      %parallel_loop3A_219 = arith.constant 1 : i32
      scf.for %parallel_loop3A_331 = %parallel_loop3A_217 to %parallel_loop3A_218 step %parallel_loop3A_219  : i32 {
        %parallel_loop3A_332 = arith.constant 2 : i32
        %parallel_loop3A_333 = arith.index_cast %parallel_loop3A_332 : i32 to index
        %parallel_loop3A_334 = arith.index_cast %parallel_loop3A_331 : i32 to index
        %parallel_loop3A_335 = arith.constant 0 : index
        %parallel_loop3A_336 = tpu.vector_load %arg12[%parallel_loop3A_333, %parallel_loop3A_334, %parallel_loop3A_335] {strides = array<i32>} : memref<4x128x16xf32, #tpu.memory_space<vmem>>, vector<1x1x16xf32>,
        %parallel_loop3A_337 = vector.shape_cast %parallel_loop3A_336 : vector<1x1x16xf32> to vector<16xf32>
        %parallel_loop3A_338 = arith.constant 2 : i32
        %parallel_loop3A_339 = arith.index_cast %parallel_loop3A_338 : i32 to index
        %parallel_loop3A_340 = arith.index_cast %parallel_loop3A_331 : i32 to index
        %parallel_loop3A_341 = arith.constant 0 : index
        %parallel_loop3A_342 = tpu.vector_load %arg13[%parallel_loop3A_339, %parallel_loop3A_340, %parallel_loop3A_341] {strides = array<i32>} : memref<4x128x16xf32, #tpu.memory_space<vmem>>, vector<1x1x16xf32>,
        %parallel_loop3A_343 = vector.shape_cast %parallel_loop3A_342 : vector<1x1x16xf32> to vector<16xf32>
        %parallel_loop3A_344 = arith.addf %parallel_loop3A_337, %parallel_loop3A_343 : vector<16xf32>
        %parallel_loop3A_345 = arith.constant 0.000000e+00 : f32
        %parallel_loop3A_346 = vector.broadcast %parallel_loop3A_345 : f32 to vector<16xf32>
        %parallel_loop3A_347 = arith.cmpf oge, %parallel_loop3A_344, %parallel_loop3A_346 : vector<16xf32>
        %parallel_loop3A_348 = arith.constant 2.000000e-01 : f32
        %parallel_loop3A_349 = vector.broadcast %parallel_loop3A_348 : f32 to vector<16xf32>
        %parallel_loop3A_350 = arith.mulf %parallel_loop3A_344, %parallel_loop3A_349 : vector<16xf32>
        %parallel_loop3A_351 = arith.select %parallel_loop3A_347, %parallel_loop3A_344, %parallel_loop3A_350 : vector<16xi1>, vector<16xf32>
        %parallel_loop3A_352 = math.exp %parallel_loop3A_351 : vector<16xf32>
        %parallel_loop3A_353 = arith.constant 2 : i32
        %parallel_loop3A_354 = arith.index_cast %parallel_loop3A_353 : i32 to index
        %parallel_loop3A_355 = arith.index_cast %parallel_loop3A_331 : i32 to index
        %parallel_loop3A_356 = arith.constant 0 : index
        %parallel_loop3A_357 = tpu.vector_load %arg12[%parallel_loop3A_354, %parallel_loop3A_355, %parallel_loop3A_356] {strides = array<i32>} : memref<4x128x16xf32, #tpu.memory_space<vmem>>, vector<1x1x16xf32>,
        %parallel_loop3A_358 = vector.shape_cast %parallel_loop3A_357 : vector<1x1x16xf32> to vector<16xf32>
        %parallel_loop3A_359 = vector.shape_cast %parallel_loop3A_352 : vector<16xf32> to vector<1x1x16xf32>
        tpu.vector_store %arg12[%parallel_loop3A_354, %parallel_loop3A_355, %parallel_loop3A_356], %parallel_loop3A_359 {strides = array<i32>} : memref<4x128x16xf32, #tpu.memory_space<vmem>>, vector<1x1x16xf32>,
      } {sc.loop_unroll_factor = 2 : i64, sc.parallel_access}
      %parallel_loop3A_220 = arith.constant 0 : i32
      %parallel_loop3A_221 = arith.constant 128 : i32
      %parallel_loop3A_222 = arith.constant 1 : i32
      scf.for %parallel_loop3A_331 = %parallel_loop3A_220 to %parallel_loop3A_221 step %parallel_loop3A_222  : i32 {
        %parallel_loop3A_332 = arith.constant 3 : i32
        %parallel_loop3A_333 = arith.index_cast %parallel_loop3A_332 : i32 to index
        %parallel_loop3A_334 = arith.index_cast %parallel_loop3A_331 : i32 to index
        %parallel_loop3A_335 = arith.constant 0 : index
        %parallel_loop3A_336 = tpu.vector_load %arg12[%parallel_loop3A_333, %parallel_loop3A_334, %parallel_loop3A_335] {strides = array<i32>} : memref<4x128x16xf32, #tpu.memory_space<vmem>>, vector<1x1x16xf32>,
        %parallel_loop3A_337 = vector.shape_cast %parallel_loop3A_336 : vector<1x1x16xf32> to vector<16xf32>
        %parallel_loop3A_338 = arith.constant 3 : i32
        %parallel_loop3A_339 = arith.index_cast %parallel_loop3A_338 : i32 to index
        %parallel_loop3A_340 = arith.index_cast %parallel_loop3A_331 : i32 to index
        %parallel_loop3A_341 = arith.constant 0 : index
        %parallel_loop3A_342 = tpu.vector_load %arg13[%parallel_loop3A_339, %parallel_loop3A_340, %parallel_loop3A_341] {strides = array<i32>} : memref<4x128x16xf32, #tpu.memory_space<vmem>>, vector<1x1x16xf32>,
        %parallel_loop3A_343 = vector.shape_cast %parallel_loop3A_342 : vector<1x1x16xf32> to vector<16xf32>
        %parallel_loop3A_344 = arith.addf %parallel_loop3A_337, %parallel_loop3A_343 : vector<16xf32>
        %parallel_loop3A_345 = arith.constant 0.000000e+00 : f32
        %parallel_loop3A_346 = vector.broadcast %parallel_loop3A_345 : f32 to vector<16xf32>
        %parallel_loop3A_347 = arith.cmpf oge, %parallel_loop3A_344, %parallel_loop3A_346 : vector<16xf32>
        %parallel_loop3A_348 = arith.constant 2.000000e-01 : f32
        %parallel_loop3A_349 = vector.broadcast %parallel_loop3A_348 : f32 to vector<16xf32>
        %parallel_loop3A_350 = arith.mulf %parallel_loop3A_344, %parallel_loop3A_349 : vector<16xf32>
        %parallel_loop3A_351 = arith.select %parallel_loop3A_347, %parallel_loop3A_344, %parallel_loop3A_350 : vector<16xi1>, vector<16xf32>
        %parallel_loop3A_352 = math.exp %parallel_loop3A_351 : vector<16xf32>
        %parallel_loop3A_353 = arith.constant 3 : i32
        %parallel_loop3A_354 = arith.index_cast %parallel_loop3A_353 : i32 to index
        %parallel_loop3A_355 = arith.index_cast %parallel_loop3A_331 : i32 to index
        %parallel_loop3A_356 = arith.constant 0 : index
        %parallel_loop3A_357 = tpu.vector_load %arg12[%parallel_loop3A_354, %parallel_loop3A_355, %parallel_loop3A_356] {strides = array<i32>} : memref<4x128x16xf32, #tpu.memory_space<vmem>>, vector<1x1x16xf32>,
        %parallel_loop3A_358 = vector.shape_cast %parallel_loop3A_357 : vector<1x1x16xf32> to vector<16xf32>
        %parallel_loop3A_359 = vector.shape_cast %parallel_loop3A_352 : vector<16xf32> to vector<1x1x16xf32>
        tpu.vector_store %arg12[%parallel_loop3A_354, %parallel_loop3A_355, %parallel_loop3A_356], %parallel_loop3A_359 {strides = array<i32>} : memref<4x128x16xf32, #tpu.memory_space<vmem>>, vector<1x1x16xf32>,
      } {sc.loop_unroll_factor = 2 : i64, sc.parallel_access}
      %dma_start3A_223 = arith.constant 0 : i32
      %dma_start3A_224 = arith.constant 0 : i32
      %dma_start3A_225 = arith.constant 0 : i32
      %dma_start3A_226 = arith.constant 0 : i32
      %dma_start3A_227 = tpu.memref_slice %arg12[%dma_start3A_223, %dma_start3A_225, %dma_start3A_226] : memref<4x128x16xf32, #tpu.memory_space<vmem>> -> memref<1x128x16xf32, #tpu.memory_space<vmem>>
      %dma_start3A_228 = tpu.memref_squeeze %dma_start3A_227 : memref<1x128x16xf32, #tpu.memory_space<vmem>> -> memref<128x16xf32, #tpu.memory_space<vmem>>
      %dma_start3A_229 = arith.constant 0 : i32
      %dma_start3A_230 = tpu.memref_slice %arg11[%dma_start3A_224, %dma_start3A_229] : memref<4x128xi32, #tpu.memory_space<vmem>> -> memref<1x128xi32, #tpu.memory_space<vmem>>
      %dma_start3A_231 = tpu.memref_squeeze %dma_start3A_230 : memref<1x128xi32, #tpu.memory_space<vmem>> -> memref<128xi32, #tpu.memory_space<vmem>>
      %dma_start3A_232 = arith.constant 0 : i32
      %dma_start3A_233 = arith.constant 0 : i32
      %dma_start3A_234 = tpu.memref_slice %arg9[%dma_start3A_232, %dma_start3A_233] : memref<10240x16xf32, #tpu.memory_space<vmem_shared>> -> memref<10240x16xf32, #tpu.memory_space<vmem_shared>>
      tpu.enqueue_indirect_dma source(%dma_start3A_228 : memref<128x16xf32, #tpu.memory_space<vmem>>) target(%dma_start3A_234 : memref<10240x16xf32, #tpu.memory_space<vmem_shared>>) offsets(%dma_start3A_231 : memref<128xi32, #tpu.memory_space<vmem>>) semaphore(%arg14 : memref<!tpu.dma_semaphore, #tpu.memory_space<semaphore_mem>>) {add = true}
      %dma_start3A_235 = arith.constant 1 : i32
      %dma_start3A_236 = arith.constant 1 : i32
      %dma_start3A_237 = arith.constant 0 : i32
      %dma_start3A_238 = arith.constant 0 : i32
      %dma_start3A_239 = tpu.memref_slice %arg12[%dma_start3A_235, %dma_start3A_237, %dma_start3A_238] : memref<4x128x16xf32, #tpu.memory_space<vmem>> -> memref<1x128x16xf32, #tpu.memory_space<vmem>>
      %dma_start3A_240 = tpu.memref_squeeze %dma_start3A_239 : memref<1x128x16xf32, #tpu.memory_space<vmem>> -> memref<128x16xf32, #tpu.memory_space<vmem>>
      %dma_start3A_241 = arith.constant 0 : i32
      %dma_start3A_242 = tpu.memref_slice %arg11[%dma_start3A_236, %dma_start3A_241] : memref<4x128xi32, #tpu.memory_space<vmem>> -> memref<1x128xi32, #tpu.memory_space<vmem>>
      %dma_start3A_243 = tpu.memref_squeeze %dma_start3A_242 : memref<1x128xi32, #tpu.memory_space<vmem>> -> memref<128xi32, #tpu.memory_space<vmem>>
      %dma_start3A_244 = arith.constant 0 : i32
      %dma_start3A_245 = arith.constant 0 : i32
      %dma_start3A_246 = tpu.memref_slice %arg9[%dma_start3A_244, %dma_start3A_245] : memref<10240x16xf32, #tpu.memory_space<vmem_shared>> -> memref<10240x16xf32, #tpu.memory_space<vmem_shared>>
      tpu.enqueue_indirect_dma source(%dma_start3A_240 : memref<128x16xf32, #tpu.memory_space<vmem>>) target(%dma_start3A_246 : memref<10240x16xf32, #tpu.memory_space<vmem_shared>>) offsets(%dma_start3A_243 : memref<128xi32, #tpu.memory_space<vmem>>) semaphore(%arg14 : memref<!tpu.dma_semaphore, #tpu.memory_space<semaphore_mem>>) {add = true}
      %dma_start3A_247 = arith.constant 2 : i32
      %dma_start3A_248 = arith.constant 2 : i32
      %dma_start3A_249 = arith.constant 0 : i32
      %dma_start3A_250 = arith.constant 0 : i32
      %dma_start3A_251 = tpu.memref_slice %arg12[%dma_start3A_247, %dma_start3A_249, %dma_start3A_250] : memref<4x128x16xf32, #tpu.memory_space<vmem>> -> memref<1x128x16xf32, #tpu.memory_space<vmem>>
      %dma_start3A_252 = tpu.memref_squeeze %dma_start3A_251 : memref<1x128x16xf32, #tpu.memory_space<vmem>> -> memref<128x16xf32, #tpu.memory_space<vmem>>
      %dma_start3A_253 = arith.constant 0 : i32
      %dma_start3A_254 = tpu.memref_slice %arg11[%dma_start3A_248, %dma_start3A_253] : memref<4x128xi32, #tpu.memory_space<vmem>> -> memref<1x128xi32, #tpu.memory_space<vmem>>
      %dma_start3A_255 = tpu.memref_squeeze %dma_start3A_254 : memref<1x128xi32, #tpu.memory_space<vmem>> -> memref<128xi32, #tpu.memory_space<vmem>>
      %dma_start3A_256 = arith.constant 0 : i32
      %dma_start3A_257 = arith.constant 0 : i32
      %dma_start3A_258 = tpu.memref_slice %arg9[%dma_start3A_256, %dma_start3A_257] : memref<10240x16xf32, #tpu.memory_space<vmem_shared>> -> memref<10240x16xf32, #tpu.memory_space<vmem_shared>>
      tpu.enqueue_indirect_dma source(%dma_start3A_252 : memref<128x16xf32, #tpu.memory_space<vmem>>) target(%dma_start3A_258 : memref<10240x16xf32, #tpu.memory_space<vmem_shared>>) offsets(%dma_start3A_255 : memref<128xi32, #tpu.memory_space<vmem>>) semaphore(%arg14 : memref<!tpu.dma_semaphore, #tpu.memory_space<semaphore_mem>>) {add = true}
      %dma_start3A_259 = arith.constant 3 : i32
      %dma_start3A_260 = arith.constant 3 : i32
      %dma_start3A_261 = arith.constant 0 : i32
      %dma_start3A_262 = arith.constant 0 : i32
      %dma_start3A_263 = tpu.memref_slice %arg12[%dma_start3A_259, %dma_start3A_261, %dma_start3A_262] : memref<4x128x16xf32, #tpu.memory_space<vmem>> -> memref<1x128x16xf32, #tpu.memory_space<vmem>>
      %dma_start3A_264 = tpu.memref_squeeze %dma_start3A_263 : memref<1x128x16xf32, #tpu.memory_space<vmem>> -> memref<128x16xf32, #tpu.memory_space<vmem>>
      %dma_start3A_265 = arith.constant 0 : i32
      %dma_start3A_266 = tpu.memref_slice %arg11[%dma_start3A_260, %dma_start3A_265] : memref<4x128xi32, #tpu.memory_space<vmem>> -> memref<1x128xi32, #tpu.memory_space<vmem>>
      %dma_start3A_267 = tpu.memref_squeeze %dma_start3A_266 : memref<1x128xi32, #tpu.memory_space<vmem>> -> memref<128xi32, #tpu.memory_space<vmem>>
      %dma_start3A_268 = arith.constant 0 : i32
      %dma_start3A_269 = arith.constant 0 : i32
      %dma_start3A_270 = tpu.memref_slice %arg9[%dma_start3A_268, %dma_start3A_269] : memref<10240x16xf32, #tpu.memory_space<vmem_shared>> -> memref<10240x16xf32, #tpu.memory_space<vmem_shared>>
      tpu.enqueue_indirect_dma source(%dma_start3A_264 : memref<128x16xf32, #tpu.memory_space<vmem>>) target(%dma_start3A_270 : memref<10240x16xf32, #tpu.memory_space<vmem_shared>>) offsets(%dma_start3A_267 : memref<128xi32, #tpu.memory_space<vmem>>) semaphore(%arg14 : memref<!tpu.dma_semaphore, #tpu.memory_space<semaphore_mem>>) {add = true}
      %dma_start3A_271 = arith.constant 0 : i32
      %dma_start3A_272 = arith.constant 0 : i32
      %dma_start3A_273 = tpu.memref_slice %arg8[%add3A_21, %dma_start3A_271, %dma_start3A_272] : memref<2560x128x16xf32, #tpu.memory_space<hbm>> -> memref<4x128x16xf32, #tpu.memory_space<hbm>>
      %dma_start3A_274 = arith.constant 0 : i32
      %dma_start3A_275 = arith.constant 0 : i32
      %dma_start3A_276 = tpu.memref_slice %arg8[%add3A_21, %dma_start3A_274, %dma_start3A_275] : memref<2560x128x16xf32, #tpu.memory_space<hbm>> -> memref<4x128x16xf32, #tpu.memory_space<hbm>>
      tpu.enqueue_dma source(%arg12 : memref<4x128x16xf32, #tpu.memory_space<vmem>>) target(%dma_start3A_276 : memref<4x128x16xf32, #tpu.memory_space<hbm>>) target_semaphore(%arg15 : memref<!tpu.dma_semaphore, #tpu.memory_space<semaphore_mem>>)
      %dma_wait3A_277 = arith.constant 0 : i32
      %dma_wait3A_278 = arith.constant 0 : i32
      %dma_wait3A_279 = arith.constant 0 : i32
      %dma_wait3A_280 = arith.constant 0 : i32
      %dma_wait3A_281 = tpu.memref_slice %arg12[%dma_wait3A_277, %dma_wait3A_279, %dma_wait3A_280] : memref<4x128x16xf32, #tpu.memory_space<vmem>> -> memref<1x128x16xf32, #tpu.memory_space<vmem>>
      %dma_wait3A_282 = tpu.memref_squeeze %dma_wait3A_281 : memref<1x128x16xf32, #tpu.memory_space<vmem>> -> memref<128x16xf32, #tpu.memory_space<vmem>>
      %dma_wait3A_283 = arith.constant 0 : i32
      %dma_wait3A_284 = tpu.memref_slice %arg11[%dma_wait3A_278, %dma_wait3A_283] : memref<4x128xi32, #tpu.memory_space<vmem>> -> memref<1x128xi32, #tpu.memory_space<vmem>>
      %dma_wait3A_285 = tpu.memref_squeeze %dma_wait3A_284 : memref<1x128xi32, #tpu.memory_space<vmem>> -> memref<128xi32, #tpu.memory_space<vmem>>
      %dma_wait3A_286 = arith.constant 0 : i32
      %dma_wait3A_287 = arith.constant 0 : i32
      %dma_wait3A_288 = tpu.memref_slice %arg9[%dma_wait3A_286, %dma_wait3A_287] : memref<10240x16xf32, #tpu.memory_space<vmem_shared>> -> memref<10240x16xf32, #tpu.memory_space<vmem_shared>>
      tpu.wait_indirect_dma semaphore(%arg14 : memref<!tpu.dma_semaphore, #tpu.memory_space<semaphore_mem>>) src(%dma_wait3A_282 : memref<128x16xf32, #tpu.memory_space<vmem>>) dst(%dma_wait3A_288 : memref<10240x16xf32, #tpu.memory_space<vmem_shared>>)
      %dma_wait3A_289 = arith.constant 1 : i32
      %dma_wait3A_290 = arith.constant 1 : i32
      %dma_wait3A_291 = arith.constant 0 : i32
      %dma_wait3A_292 = arith.constant 0 : i32
      %dma_wait3A_293 = tpu.memref_slice %arg12[%dma_wait3A_289, %dma_wait3A_291, %dma_wait3A_292] : memref<4x128x16xf32, #tpu.memory_space<vmem>> -> memref<1x128x16xf32, #tpu.memory_space<vmem>>
      %dma_wait3A_294 = tpu.memref_squeeze %dma_wait3A_293 : memref<1x128x16xf32, #tpu.memory_space<vmem>> -> memref<128x16xf32, #tpu.memory_space<vmem>>
      %dma_wait3A_295 = arith.constant 0 : i32
      %dma_wait3A_296 = tpu.memref_slice %arg11[%dma_wait3A_290, %dma_wait3A_295] : memref<4x128xi32, #tpu.memory_space<vmem>> -> memref<1x128xi32, #tpu.memory_space<vmem>>
      %dma_wait3A_297 = tpu.memref_squeeze %dma_wait3A_296 : memref<1x128xi32, #tpu.memory_space<vmem>> -> memref<128xi32, #tpu.memory_space<vmem>>
      %dma_wait3A_298 = arith.constant 0 : i32
      %dma_wait3A_299 = arith.constant 0 : i32
      %dma_wait3A_300 = tpu.memref_slice %arg9[%dma_wait3A_298, %dma_wait3A_299] : memref<10240x16xf32, #tpu.memory_space<vmem_shared>> -> memref<10240x16xf32, #tpu.memory_space<vmem_shared>>
      tpu.wait_indirect_dma semaphore(%arg14 : memref<!tpu.dma_semaphore, #tpu.memory_space<semaphore_mem>>) src(%dma_wait3A_294 : memref<128x16xf32, #tpu.memory_space<vmem>>) dst(%dma_wait3A_300 : memref<10240x16xf32, #tpu.memory_space<vmem_shared>>)
      %dma_wait3A_301 = arith.constant 2 : i32
      %dma_wait3A_302 = arith.constant 2 : i32
      %dma_wait3A_303 = arith.constant 0 : i32
      %dma_wait3A_304 = arith.constant 0 : i32
      %dma_wait3A_305 = tpu.memref_slice %arg12[%dma_wait3A_301, %dma_wait3A_303, %dma_wait3A_304] : memref<4x128x16xf32, #tpu.memory_space<vmem>> -> memref<1x128x16xf32, #tpu.memory_space<vmem>>
      %dma_wait3A_306 = tpu.memref_squeeze %dma_wait3A_305 : memref<1x128x16xf32, #tpu.memory_space<vmem>> -> memref<128x16xf32, #tpu.memory_space<vmem>>
      %dma_wait3A_307 = arith.constant 0 : i32
      %dma_wait3A_308 = tpu.memref_slice %arg11[%dma_wait3A_302, %dma_wait3A_307] : memref<4x128xi32, #tpu.memory_space<vmem>> -> memref<1x128xi32, #tpu.memory_space<vmem>>
      %dma_wait3A_309 = tpu.memref_squeeze %dma_wait3A_308 : memref<1x128xi32, #tpu.memory_space<vmem>> -> memref<128xi32, #tpu.memory_space<vmem>>
      %dma_wait3A_310 = arith.constant 0 : i32
      %dma_wait3A_311 = arith.constant 0 : i32
      %dma_wait3A_312 = tpu.memref_slice %arg9[%dma_wait3A_310, %dma_wait3A_311] : memref<10240x16xf32, #tpu.memory_space<vmem_shared>> -> memref<10240x16xf32, #tpu.memory_space<vmem_shared>>
      tpu.wait_indirect_dma semaphore(%arg14 : memref<!tpu.dma_semaphore, #tpu.memory_space<semaphore_mem>>) src(%dma_wait3A_306 : memref<128x16xf32, #tpu.memory_space<vmem>>) dst(%dma_wait3A_312 : memref<10240x16xf32, #tpu.memory_space<vmem_shared>>)
      %dma_wait3A_313 = arith.constant 3 : i32
      %dma_wait3A_314 = arith.constant 3 : i32
      %dma_wait3A_315 = arith.constant 0 : i32
      %dma_wait3A_316 = arith.constant 0 : i32
      %dma_wait3A_317 = tpu.memref_slice %arg12[%dma_wait3A_313, %dma_wait3A_315, %dma_wait3A_316] : memref<4x128x16xf32, #tpu.memory_space<vmem>> -> memref<1x128x16xf32, #tpu.memory_space<vmem>>
      %dma_wait3A_318 = tpu.memref_squeeze %dma_wait3A_317 : memref<1x128x16xf32, #tpu.memory_space<vmem>> -> memref<128x16xf32, #tpu.memory_space<vmem>>
      %dma_wait3A_319 = arith.constant 0 : i32
      %dma_wait3A_320 = tpu.memref_slice %arg11[%dma_wait3A_314, %dma_wait3A_319] : memref<4x128xi32, #tpu.memory_space<vmem>> -> memref<1x128xi32, #tpu.memory_space<vmem>>
      %dma_wait3A_321 = tpu.memref_squeeze %dma_wait3A_320 : memref<1x128xi32, #tpu.memory_space<vmem>> -> memref<128xi32, #tpu.memory_space<vmem>>
      %dma_wait3A_322 = arith.constant 0 : i32
      %dma_wait3A_323 = arith.constant 0 : i32
      %dma_wait3A_324 = tpu.memref_slice %arg9[%dma_wait3A_322, %dma_wait3A_323] : memref<10240x16xf32, #tpu.memory_space<vmem_shared>> -> memref<10240x16xf32, #tpu.memory_space<vmem_shared>>
      tpu.wait_indirect_dma semaphore(%arg14 : memref<!tpu.dma_semaphore, #tpu.memory_space<semaphore_mem>>) src(%dma_wait3A_318 : memref<128x16xf32, #tpu.memory_space<vmem>>) dst(%dma_wait3A_324 : memref<10240x16xf32, #tpu.memory_space<vmem_shared>>)
      %dma_wait3A_325 = arith.constant 0 : i32
      %dma_wait3A_326 = arith.constant 0 : i32
      %dma_wait3A_327 = tpu.memref_slice %arg8[%add3A_21, %dma_wait3A_325, %dma_wait3A_326] : memref<2560x128x16xf32, #tpu.memory_space<hbm>> -> memref<4x128x16xf32, #tpu.memory_space<hbm>>
      %dma_wait3A_328 = arith.constant 0 : i32
      %dma_wait3A_329 = arith.constant 0 : i32
      %dma_wait3A_330 = tpu.memref_slice %arg8[%add3A_21, %dma_wait3A_328, %dma_wait3A_329] : memref<2560x128x16xf32, #tpu.memory_space<hbm>> -> memref<4x128x16xf32, #tpu.memory_space<hbm>>
      tpu.wait_dma2 semaphore(%arg15 : memref<!tpu.dma_semaphore, #tpu.memory_space<semaphore_mem>>) src(%arg12 : memref<4x128x16xf32, #tpu.memory_space<vmem>>) dst(%dma_wait3A_330 : memref<4x128x16xf32, #tpu.memory_space<hbm>>)
    }
    %scan3A_7 = arith.constant 20 : i32
    %barrier3A_8 = arith.constant 0 : index
    tpu.barrier barrier_id(%barrier3A_8)
    %mul3A_9 = arith.constant 640 : i32
    %mul3A_10 = arith.muli %arg1, %mul3A_9 : i32
    %mul3A_11 = arith.constant 10240 : i32
    %mul3A_12 = arith.muli %arg0, %mul3A_11 : i32
    %mul3A_13 = arith.constant 640 : i32
    %mul3A_14 = arith.muli %arg1, %mul3A_13 : i32
    %add3A_15 = arith.addi %mul3A_12, %mul3A_14 : i32
    "tpu.region"() ({
      %run_scoped3A = tpu.sem_alloc : memref<!tpu.dma_semaphore, #tpu.memory_space<semaphore_mem>>
      %dma_start3A = arith.constant 0 : i32
      %dma_start3A_16 = tpu.memref_slice %arg7[%add3A_15, %dma_start3A] : memref<20480x16xf32, #tpu.memory_space<hbm>> -> memref<640x16xf32, #tpu.memory_space<hbm>>
      %dma_start3A_17 = arith.constant 0 : i32
      %dma_start3A_18 = tpu.memref_slice %arg9[%mul3A_10, %dma_start3A_17] : memref<10240x16xf32, #tpu.memory_space<vmem_shared>> -> memref<640x16xf32, #tpu.memory_space<vmem_shared>>
      tpu.enqueue_dma source(%dma_start3A_18 : memref<640x16xf32, #tpu.memory_space<vmem_shared>>) target(%dma_start3A_16 : memref<640x16xf32, #tpu.memory_space<hbm>>) target_semaphore(%run_scoped3A : memref<!tpu.dma_semaphore, #tpu.memory_space<semaphore_mem>>)
      %dma_wait3A = arith.constant 0 : i32
      %dma_wait3A_19 = tpu.memref_slice %arg7[%add3A_15, %dma_wait3A] : memref<20480x16xf32, #tpu.memory_space<hbm>> -> memref<640x16xf32, #tpu.memory_space<hbm>>
      %dma_wait3A_20 = arith.constant 0 : i32
      %dma_wait3A_21 = tpu.memref_slice %arg9[%mul3A_10, %dma_wait3A_20] : memref<10240x16xf32, #tpu.memory_space<vmem_shared>> -> memref<640x16xf32, #tpu.memory_space<vmem_shared>>
      tpu.wait_dma2 semaphore(%run_scoped3A : memref<!tpu.dma_semaphore, #tpu.memory_space<semaphore_mem>>) src(%dma_wait3A_21 : memref<640x16xf32, #tpu.memory_space<vmem_shared>>) dst(%dma_wait3A_19 : memref<640x16xf32, #tpu.memory_space<hbm>>)
      tpu.yield
    }) : () -> ()
    return
  }
}

module attributes {stable_mosaic.version = 14 : i64} {
  func.func @_prolog_body(%arg0: i32, %arg1: memref<512x128xf32, #tpu.memory_space<vmem>>, %arg2: memref<128x16xf32, #tpu.memory_space<vmem>>, %arg3: memref<1x16xf32, #tpu.memory_space<vmem>>, %arg4: memref<128x16xf32, #tpu.memory_space<vmem>>, %arg5: memref<512x16xf32, #tpu.memory_space<vmem>>, %arg6: memref<512x16xf32, #tpu.memory_space<vmem>>) attributes {dimension_semantics = [#tpu.dimension_semantics<arbitrary>], iteration_bounds = array<i64: 20>, scalar_prefetch = 0 : i64, scratch_operands = 0 : i64, tpu.core_type = #tpu.core_type<tc>, window_params = [{transform_indices = @transform_0, window_bounds = array<i64: 512, 128>}, {pipeline_mode = #tpu.pipeline_mode<synchronous>, transform_indices = @transform_1, window_bounds = array<i64: 128, 16>}, {pipeline_mode = #tpu.pipeline_mode<synchronous>, transform_indices = @transform_2, window_bounds = array<i64: 1, 16>}, {pipeline_mode = #tpu.pipeline_mode<synchronous>, transform_indices = @transform_3, window_bounds = array<i64: 128, 16>}, {transform_indices = @transform_4, window_bounds = array<i64: 512, 16>}, {transform_indices = @transform_5, window_bounds = array<i64: 512, 16>}]} {
    %get3A = arith.constant 0 : index
    %get3A_0 = arith.constant 0 : index
    %get3A_1 = vector.load %arg1[%get3A, %get3A_0] : memref<512x128xf32, #tpu.memory_space<vmem>>, vector<512x128xf32>
    %get3A_2 = arith.constant 0 : index
    %get3A_3 = arith.constant 0 : index
    %get3A_4 = vector.load %arg2[%get3A_2, %get3A_3] : memref<128x16xf32, #tpu.memory_space<vmem>>, vector<128x16xf32>
    %dot_general3A = arith.constant dense<0.000000e+00> : vector<512x16xf32>
    %dot_general3A_5 = tpu.matmul %get3A_1, %get3A_4, %dot_general3A {dimension_numbers = #tpu.dot_dimension_numbers<[1], [0], [0], [1], [0, 0, 1, 1], [], []>, transpose_lhs_hint = false} : vector<512x128xf32>, vector<128x16xf32>, vector<512x16xf32> -> vector<512x16xf32>
    %get3A_6 = arith.constant 0 : index
    %get3A_7 = arith.constant 0 : index
    %get3A_8 = vector.load %arg3[%get3A_6, %get3A_7] : memref<1x16xf32, #tpu.memory_space<vmem>>, vector<1x16xf32>
    %add3A = vector.broadcast %get3A_8 : vector<1x16xf32> to vector<512x16xf32>
    %add3A_9 = arith.addf %dot_general3A_5, %add3A : vector<512x16xf32>
    %swap3A = arith.constant 0 : index
    %swap3A_10 = arith.constant 0 : index
    %swap3A_11 = vector.load %arg5[%swap3A, %swap3A_10] : memref<512x16xf32, #tpu.memory_space<vmem>>, vector<512x16xf32>
    tpu.vector_store %arg5[%swap3A, %swap3A_10], %add3A_9 {strides = array<i32>} : memref<512x16xf32, #tpu.memory_space<vmem>>, vector<512x16xf32>,
    %get3A_12 = arith.constant 0 : index
    %get3A_13 = arith.constant 0 : index
    %get3A_14 = vector.load %arg4[%get3A_12, %get3A_13] : memref<128x16xf32, #tpu.memory_space<vmem>>, vector<128x16xf32>
    %dot_general3A_15 = arith.constant dense<0.000000e+00> : vector<512x16xf32>
    %dot_general3A_16 = tpu.matmul %get3A_1, %get3A_14, %dot_general3A_15 {dimension_numbers = #tpu.dot_dimension_numbers<[1], [0], [0], [1], [0, 0, 1, 1], [], []>, transpose_lhs_hint = false} : vector<512x128xf32>, vector<128x16xf32>, vector<512x16xf32> -> vector<512x16xf32>
    %swap3A_17 = arith.constant 0 : index
    %swap3A_18 = arith.constant 0 : index
    %swap3A_19 = vector.load %arg6[%swap3A_17, %swap3A_18] : memref<512x16xf32, #tpu.memory_space<vmem>>, vector<512x16xf32>
    tpu.vector_store %arg6[%swap3A_17, %swap3A_18], %dot_general3A_16 {strides = array<i32>} : memref<512x16xf32, #tpu.memory_space<vmem>>, vector<512x16xf32>,
    return
  }
  func.func @transform_0(%arg0: i32) -> (i32, i32) {
    %c0_i32 = arith.constant 0 : i32
    %c0_i32_0 = arith.constant 0 : i32
    return %arg0, %c0_i32 : i32, i32
  }
  func.func @transform_1(%arg0: i32) -> (i32, i32) {
    %c0_i32 = arith.constant 0 : i32
    %c0_i32_0 = arith.constant 0 : i32
    %c0_i32_1 = arith.constant 0 : i32
    return %c0_i32, %c0_i32_0 : i32, i32
  }
  func.func @transform_2(%arg0: i32) -> (i32, i32) {
    %c0_i32 = arith.constant 0 : i32
    %c0_i32_0 = arith.constant 0 : i32
    %c0_i32_1 = arith.constant 0 : i32
    return %c0_i32, %c0_i32_0 : i32, i32
  }
  func.func @transform_3(%arg0: i32) -> (i32, i32) {
    %c0_i32 = arith.constant 0 : i32
    %c0_i32_0 = arith.constant 0 : i32
    %c0_i32_1 = arith.constant 0 : i32
    return %c0_i32, %c0_i32_0 : i32, i32
  }
  func.func @transform_4(%arg0: i32) -> (i32, i32) {
    %c0_i32 = arith.constant 0 : i32
    %c0_i32_0 = arith.constant 0 : i32
    return %arg0, %c0_i32 : i32, i32
  }
  func.func @transform_5(%arg0: i32) -> (i32, i32) {
    %c0_i32 = arith.constant 0 : i32
    %c0_i32_0 = arith.constant 0 : i32
    return %arg0, %c0_i32 : i32, i32
  }
}

module attributes {stable_mosaic.version = 14 : i64} {
  func.func @_epilog_body(%arg0: i32, %arg1: memref<400x128xf32, #tpu.memory_space<vmem>>, %arg2: memref<1x400x128xf32, #tpu.memory_space<vmem>>, %arg3: memref<1x400x128xf32, #tpu.memory_space<vmem>>, %arg4: memref<400x256xf32, #tpu.memory_space<vmem>>) attributes {dimension_semantics = [#tpu.dimension_semantics<arbitrary>], iteration_bounds = array<i64: 25>, scalar_prefetch = 0 : i64, scratch_operands = 0 : i64, tpu.core_type = #tpu.core_type<tc>, window_params = [{transform_indices = @transform_0, window_bounds = array<i64: 400, 128>}, {transform_indices = @transform_1, window_bounds = array<i64: 1, 400, 128>}, {transform_indices = @transform_2, window_bounds = array<i64: 1, 400, 128>}, {transform_indices = @transform_3, window_bounds = array<i64: 400, 256>}]} {
    %get3A = arith.constant 0 : index
    %get3A_0 = arith.constant 0 : index
    %get3A_1 = vector.load %arg1[%get3A, %get3A_0] : memref<400x128xf32, #tpu.memory_space<vmem>>, vector<400x128xf32>
    %swap3A = arith.constant 0 : index
    %swap3A_2 = arith.constant 0 : index
    %swap3A_3 = vector.load %arg4[%swap3A, %swap3A_2] : memref<400x256xf32, #tpu.memory_space<vmem>>, vector<400x128xf32>
    tpu.vector_store %arg4[%swap3A, %swap3A_2], %get3A_1 {strides = array<i32>} : memref<400x256xf32, #tpu.memory_space<vmem>>, vector<400x128xf32>,
    %get3A_4 = arith.constant 0 : index
    %get3A_5 = arith.constant 0 : index
    %get3A_6 = arith.constant 0 : index
    %get3A_7 = vector.load %arg2[%get3A_4, %get3A_5, %get3A_6] : memref<1x400x128xf32, #tpu.memory_space<vmem>>, vector<1x400x128xf32>
    %get3A_8 = vector.shape_cast %get3A_7 : vector<1x400x128xf32> to vector<400x128xf32>
    %get3A_9 = arith.constant 0 : index
    %get3A_10 = arith.constant 0 : index
    %get3A_11 = arith.constant 0 : index
    %get3A_12 = vector.load %arg3[%get3A_9, %get3A_10, %get3A_11] : memref<1x400x128xf32, #tpu.memory_space<vmem>>, vector<1x400x128xf32>
    %get3A_13 = vector.shape_cast %get3A_12 : vector<1x400x128xf32> to vector<400x128xf32>
    %add3A = arith.addf %get3A_8, %get3A_13 : vector<400x128xf32>
    %swap3A_14 = arith.constant 0 : index
    %swap3A_15 = arith.constant 128 : index
    %swap3A_16 = vector.load %arg4[%swap3A_14, %swap3A_15] : memref<400x256xf32, #tpu.memory_space<vmem>>, vector<400x128xf32>
    tpu.vector_store %arg4[%swap3A_14, %swap3A_15], %add3A {strides = array<i32>} : memref<400x256xf32, #tpu.memory_space<vmem>>, vector<400x128xf32>,
    return
  }
  func.func @transform_0(%arg0: i32) -> (i32, i32) {
    %c0_i32 = arith.constant 0 : i32
    %c0_i32_0 = arith.constant 0 : i32
    return %arg0, %c0_i32 : i32, i32
  }
  func.func @transform_1(%arg0: i32) -> (i32, i32, i32) {
    %c0_i32 = arith.constant 0 : i32
    %c0_i32_0 = arith.constant 0 : i32
    %c0_i32_1 = arith.constant 0 : i32
    return %c0_i32, %arg0, %c0_i32_0 : i32, i32, i32
  }
  func.func @transform_2(%arg0: i32) -> (i32, i32, i32) {
    %c1_i32 = arith.constant 1 : i32
    %c0_i32 = arith.constant 0 : i32
    %c0_i32_0 = arith.constant 0 : i32
    return %c1_i32, %arg0, %c0_i32 : i32, i32, i32
  }
  func.func @transform_3(%arg0: i32) -> (i32, i32) {
    %c0_i32 = arith.constant 0 : i32
    %c0_i32_0 = arith.constant 0 : i32
    return %arg0, %c0_i32 : i32, i32
  }
}

</mosaic_0001>

<sc_bundles>
// kernel: kernel.10.cloned.1.call-start
scs
__scs_entry_jumppad:
0x0: {  	(pc) =	sbr.rel $0x88, $3  }
0x1: {  	(tag) =	ssettag $0x0;
	lr =	simm.s32 $0x1  }
0x2: {  	[smem:$0x3F9C] =	sst lr;
	_ =	strace $0xD0000000  }
0x3: {  	_ = 	snop  }
0x4: {  	_ = 	snop  }
0x5: {  	_ = 	snop  }
0x6: {  	_ = 	snop  }
0x7: {  	_ = 	snop  }
__scs_overlays_trampoline_lowered:
0x8: {  	[smem:$0x3FAB] =	sst s0  }
0x9: {  	[smem:$0x3FAC] =	sst s1  }
0xa: {  	[smem:$0x3FAD] =	sst s2  }
0xb: {  	[smem:$0x3FAE] =	sst s3  }
0xc: {  	[smem:$0x3FAF] =	sst s4  }
0xd: {  	[smem:$0x3FB0] =	sst s5  }
0xe: {  	[smem:$0x3FB1] =	sst s6  }
0xf: {  	[smem:$0x3FB2] =	sst s7  }
0x10: {  	[smem:$0x3FB3] =	sst s8  }
0x11: {  	[smem:$0x3FB4] =	sst s9;
	s0 =	simm.s32 @!p0 $0x0  }
0x12: {  	s1 =	sld [smem:$0x3F9A];
	s0 =	simm.s32 @p0 $0x1  }
0x13: {  	[smem:$0x3FB5] =	sst s0;
	s0 =	simm.s32 @!p1 $0x0  }
0x14: {  	s2 =	sld [smem:$0x3F99];
	s0 =	simm.s32 @p1 $0x1  }
0x15: {  	[smem:$0x3FB6] =	sst s0;
	s0 =	simm.s32 @!p2 $0x0  }
0x16: {  	s3 =	sld [smem:$0x3FDB];
	s0 =	simm.s32 @p2 $0x1  }
0x17: {  	s4 =	simm.s32 $0x1BF5;
	[smem:$0x3FB8] =	sst s0  }
0x18: {  	s0 =	sld [smem:$0x3F9B];
	_ =	swait.ge [sflag:s4], $0x0  }
0x19: {  	s7 =	sld [smem:$0x3F9C]  }
0x1a: {  	s8 =	sadd.s32 $0xFFFFE003, lr  }
0x1b: {  	s9 =	sadd.s32 $0xFFFFFEF7, lr;
	s5 =	simm.s32 $0xFFFFFFFF;
	p2 =	slt.u32 s8, $0xFFFFF086  }
0x1c: {  	p1 =	slt.u32 s9, $0xF7A;
	s5 =	simm.s32 @!p2 $0x0  }
0x1d: {  	s5 =	simm.s32 @p1 $0x1;
	p0 =	seq.s32 s7, s2  }
0x1e: {  	s7 =	smul.u32 @!p0 $0xF7A, s2;
	p2 =	seq.s32 @!p0 s5, $0x0  }
0x1f: {  	s9 =	smul.u32 $0xF7A, s1;
	s8 =	simm.s32 @!p0 $0x1BF5;
	p2 =	por !p2, p0  }
0x20: {  	[sflag:s8] =	ssyncset.s32 @!p0 $0xFFFFF086;
	s6 =	sadd.s32 @!p0 s3, s7;
	s7 =	simm.s32 @!p0 $0x108  }
0x21: {  	s3 =	sadd.s32 s3, s9;
	s6 =	sadd.s32 @!p0 $0x88, s6;
	s7 =	simm.s32 @p2 $0x1082  }
0x22: {  	[simem:s7], [sflag:s8] =	dma.local @!p0 [hbm:s6], $0xF7A  }
0x23: {  	s9 =	sor.u32 $0xD0000000, s2;
	s6 =	simm.s32 $0x108;
	_ =	swait.ge @!p0 [sflag:s8], $0x0  }
0x24: {  	s3 =	sadd.s32 $0x88, s3;
	s6 =	simm.s32 @!p1 $0x1082;
	[sflag:s4] =	ssyncset.s32 $0xFFFFF086  }
0x25: {  	[simem:s6], [sflag:s4] =	dma.local [hbm:s3], $0xF7A  }
0x26: {  	[smem:$0x3F9C] =	sst s1;
	(tag) =	ssettag s2;
	_ =	strace s9  }
0x27: {  	s1 =	sld [smem:$0x3FAC]  }
0x28: {  	s2 =	sld [smem:$0x3FAD]  }
0x29: {  	s4 =	sld [smem:$0x3FAF]  }
0x2a: {  	p0 =	seq.s32 s5, $0x0;
	s5 =	sld [smem:$0x3FB0]  }
0x2b: {  	s6 =	sld [smem:$0x3FB1]  }
0x2c: {  	s7 =	sld [smem:$0x3FB2]  }
0x2d: {  	s3 =	simm.s32 $0x108;
	s8 =	sld [smem:$0x3FB3]  }
0x2e: {  	s3 =	simm.s32 @!p0 $0x1082;
	s9 =	sld [smem:$0x3FB4]  }
0x2f: {  	lr =	sadd.s32 s0, s3;
	s0 =	sld [smem:$0x3FAB]  }
0x30: {  	s3 =	sld [smem:$0x3FAE]  }
0x31: {  	[smem:$0x3FB7] =	sst s10  }
0x32: {  	s10 =	sld [smem:$0x3FB5];
	_ =	sdelay $0x3  }
0x33: {  	p0 =	seq.s32 s10, $0x1;
	s10 =	sld [smem:$0x3FB7];
	_ =	sdelay $0x3  }
0x34: {  	[smem:$0x3FB7] =	sst s10  }
0x35: {  	s10 =	sld [smem:$0x3FB6];
	_ =	sdelay $0x3  }
0x36: {  	p1 =	seq.s32 s10, $0x1;
	s10 =	sld [smem:$0x3FB7];
	_ =	sdelay $0x3  }
0x37: {  	[smem:$0x3FB7] =	sst s10  }
0x38: {  	s10 =	sld [smem:$0x3FB8]  }
0x39: {  	_ = 	snop;
	(pc) =	sbr.ind lr, $3  }
0x3a: {  	_ = 	snop  }
0x3b: {  	_ = 	snop  }
0x3c: {  	p2 =	seq.s32 s10, $0x1;
	s10 =	sld [smem:$0x3FB7]  }
0x3d: {  	_ =	shalt  }
0x3e: {  	_ =	shalt  }
0x3f: {  	_ =	shalt  }
0x40: {  	_ =	shalt  }
0x41: {  	_ =	shalt  }
0x42: {  	_ =	shalt  }
0x43: {  	_ =	shalt  }
0x44: {  	_ =	shalt  }
0x45: {  	_ =	shalt  }
0x46: {  	_ =	shalt  }
0x47: {  	_ =	shalt  }
0x48: {  	_ =	shalt  }
0x49: {  	_ =	shalt  }
0x4a: {  	_ =	shalt  }
0x4b: {  	_ =	shalt  }
0x4c: {  	_ =	shalt  }
0x4d: {  	_ =	shalt  }
0x4e: {  	_ =	shalt  }
0x4f: {  	_ =	shalt  }
0x50: {  	_ =	shalt  }
0x51: {  	_ =	shalt  }
0x52: {  	_ =	shalt  }
0x53: {  	_ =	shalt  }
0x54: {  	_ =	shalt  }
0x55: {  	_ =	shalt  }
0x56: {  	_ =	shalt  }
0x57: {  	_ =	shalt  }
0x58: {  	_ =	shalt  }
0x59: {  	_ =	shalt  }
0x5a: {  	_ =	shalt  }
0x5b: {  	_ =	shalt  }
0x5c: {  	_ =	shalt  }
0x5d: {  	_ =	shalt  }
0x5e: {  	_ =	shalt  }
0x5f: {  	_ =	shalt  }
0x60: {  	_ =	shalt  }
0x61: {  	_ =	shalt  }
0x62: {  	_ =	shalt  }
0x63: {  	_ =	shalt  }
0x64: {  	_ =	shalt  }
0x65: {  	_ =	shalt  }
0x66: {  	_ =	shalt  }
0x67: {  	_ =	shalt  }
0x68: {  	_ =	shalt  }
0x69: {  	_ =	shalt  }
0x6a: {  	_ =	shalt  }
0x6b: {  	_ =	shalt  }
0x6c: {  	_ =	shalt  }
0x6d: {  	_ =	shalt  }
0x6e: {  	_ =	shalt  }
0x6f: {  	_ =	shalt  }
0x70: {  	_ =	shalt  }
0x71: {  	_ =	shalt  }
0x72: {  	_ =	shalt  }
0x73: {  	_ =	shalt  }
0x74: {  	_ =	shalt  }
0x75: {  	_ =	shalt  }
0x76: {  	_ =	shalt  }
0x77: {  	_ =	shalt  }
0x78: {  	_ =	shalt  }
0x79: {  	_ =	shalt  }
0x7a: {  	_ =	shalt  }
0x7b: {  	_ =	shalt  }
0x7c: {  	_ =	shalt  }
0x7d: {  	_ =	shalt  }
0x7e: {  	_ =	shalt  }
0x7f: {  	_ =	shalt  }
0x80: {  	_ =	shalt  }
0x81: {  	_ =	shalt  }
0x82: {  	_ =	shalt  }
0x83: {  	_ =	shalt  }
0x84: {  	_ =	shalt  }
0x85: {  	_ =	shalt  }
0x86: {  	_ =	shalt  }
0x87: {  	_ =	shalt  }
.Lfunc_end0:
.L_simem_size_0:
called_computation.1_lowered:
.L_overlay_start_0:
0x88: {  	s2 =	sld [smem:$0x3FD9]  }
0x89: {  	s3 =	sld [smem:$0x3FFE];
	_ =	sdelay $0x1  }
0x8a: {  	s1 =	srdreg.scid  }
0x8b: {  	s0 =	sand.u32 $0x1, s1  }
0x8c: {  	s16 =	sshll.u32 s0, $0xA;
	s2 =	sadd.s32 s3, s2  }
0x8d: {  	s2 =	sadd.s32 s2, s16  }
0x8e: {  	[smem:$0x3FC3] =	sst s2  }
0x8f: {  	_ = 	snop  }
0x90: {  	(tm) =	ssettm $0x1  }
0x91: {  	s17 =	sld [smem:$0x3FFB];
	_ =	sdelay $0x3  }
0x92: {  	_ =	strace s17  }
0x93: {  	s2 =	sld [smem:$0x3FFC];
	_ =	sdelay $0x3  }
0x94: {  	_ =	strace s2  }
0x95: {  	s2 =	sld [smem:$0x3FFD];
	_ =	sdelay $0x3  }
0x96: {  	_ =	strace s2  }
0x97: {  	_ =	strace $0x8FFFFFFF  }
0x98: {  	s18 =	sld [smem:$0x3FDB];
	_ =	sdelay $0x1  }
0x99: {  	s19 =	simm.s32 $_scs_section_size  }
0x9a: {  	s4 =	simm.s32 $_size__tile_overlayer_lowered;
	s5 =	simm.s32 $_tile_overlayer_lowered  }
0x9b: {  	s22 =	simm.s32 $0x1BFF;
	s21 =	sshll.u32 s5, $0x1;
	s2 =	sadd.s32 s19, s18  }
0x9c: {  	s6 =	simm.s32 $0x0;
	s20 =	sshll.u32 s4, $0x1;
	s4 =	sadd.s32 s21, s2  }
0x9d: {  	[timem:s6], [sflag:s22] =	dma.local [hbm:s4], s20  }
0x9e: {  	_ =	swait.ge [sflag:s22], s20  }
0x9f: {  	s3 =	ssub.s32 $0x0, s20;
	[sflag:s22] =	ssyncset.done $0x0  }
0xa0: {  	[sflag:s22] =	ssyncadd.s32 s3;
	_ =	sdelay $0x1  }
0xa1: {  	s23 =	simm.s32 $0x1B8B  }
0xa2: {  	_ =	swait.ge [sflag:s23], $0x1  }
0xa3: {  	[sflag:s23] =	ssyncset.done $0x0  }
0xa4: {  	s25 =	simm.s32 $0x1B8E;
	s24 =	sld [smem:$0x3FFE];
	[sflag:s23] =	ssyncadd.s32 $0xFFFFFFFF  }
0xa5: {  	s26 =	simm.s32 $execute0_lowered;
	[smem:$0x3FD2] =	sst s25  }
0xa6: {  	s4 =	sshll.u32 s26, $0x1;
	_ =	strace $0x80000049;
	[dreg:$0x1] =	wrdreg $0xFFFFFFFF  }
0xa7: {  	s28 =	simm.s32 $_size_execute0_lowered;
	s2 =	sadd.s32 s2, s4;
	[dreg:$0x0] =	wrdreg $0x0  }
0xa8: {  	s4 =	sshll.u32 s28, $0x1;
	[dreg:$0x2] =	wrdreg s2  }
0xa9: {  	[dreg:$0x3] =	wrdreg s4  }
0xaa: {  	[dreg:$0x4] =	wrdreg $0xC0  }
0xab: {  	_ =	task [dreg:s6], $0x5FFFF  }
0xac: {  	[dreg:$0x1] =	wrdreg $0xFFFFFFFF  }
0xad: {  	[dreg:$0x0] =	wrdreg $0x60  }
0xae: {  	[dreg:$0x2] =	wrdreg s24  }
0xaf: {  	[dreg:$0x3] =	wrdreg $0x9  }
0xb0: {  	_ =	task.clear_ibuf [dreg:s6], $0x4FFFF;
	_ =	strace $0x90000049  }
0xb1: {  	s29 =	simm.s32 $0x9;
	_ =	strace $0x8000004B  }
0xb2: {  	_ =	swait.ge [sflag:s29], $0x1  }
0xb3: {  	[sflag:s29] =	ssyncadd.s32 $0xFFFFFFFF  }
0xb4: {  	_ =	strace $0x9000004B  }
0xb5: {  	_ =	sfence  }
0xb6: {  	s30 =	sld [smem:$0x0];
	_ =	sdelay $0x2  }
0xb7: {  	s31 =	sshll.u32 s1, $0xD;
	s1 =	sshrl.u32 s1, $0x2  }
0xb8: {  	s3 =	sand.u32 $0x4000, s31;
	s1 =	sadd.s32 s1, s30  }
0xb9: {  	s0 =	sor.u32 s3, s0;
	s1 =	sshll.u32 s1, $0x11  }
0xba: {  	s0 =	sor.u32 s1, s0  }
0xbb: {  	s0 =	sadd.s32 $0x8F2B, s0  }
0xbc: {  	[sflag:s0] =	ssyncadd.remote.s32 $0x1  }
0xbd: {  	_ =	sfence.sel $0xFFFF  }
0xbe: {  	[dreg:$0x0] =	wrdreg $0xFFFFFFFF;
	(pc) =	sbr.abs _section_cstart, $3  }
0xbf: {  	[dreg:$0x1] =	wrdreg $0xFFFFFFFF  }
0xc0: {  	_ =	task.clear_ibuf [dreg:s6], $0x2FFFF;
	_ =	strace $0x9FFFFFFF  }
0xc1: {  	(tm) =	ssettm $0x7FFFFFFF  }
tec
execute0_lowered:
.L_overlay_start_1:
0x0: {  	(tag) =	ssettag $0x1  }
0x1: {  	s1 =	srdreg.scid;
	s0 =	stileid.u32  }
0x2: {  	s4 =	rddreg [dreg:$0x0];
	s3 =	sand.u32 $0x1, s1;
	s29 =	sshll.u32 s0, $0x1  }
0x3: {  	s2 =	simm.s32 $0x0;
	s1 =	rddreg [dreg:$0x1];
	s5 =	sor.u32 s3, s29  }
0x4: {  	[smem:$0x7FF] =	sst s2;
	s3 =	ssub.s32 $0x2, s3;
	s6 =	smul.u32 $0x280, s5  }
0x5: {  	s7 =	sadd.s32 $0x1F600, s4;
	s5 =	smul.u32 $0x1400, s5;
	s30 =	sshrl.u32 s3, $0x1  }
0x6: {  	_ =	strace $0x8000004A;
	s9 =	ssub.s32 s3, s30;
	s8 =	sadd.s32 s6, s4  }
0x7: {  	s5 =	sshrl.u32 s5, $0x3;
	s3 =	sadd.s32 s7, s6;
	s6 =	smax.u32 s9, $0x1  }
0x8: {  	s9 =	simm.s32 $0x0;
	s31 =	sadd.s32 s7, s5;
	s5 =	sadd.s32 $0x1000, s8  }
0x9: {  	s7 =	simm.s32 $0x1;
	s8 =	simm.s32 $0x1400;
	s4 =	sadd.s32 $0x5000, s31  }
.LBB2_1:
0xa: {  	[tilespmem:s2], [sflag:$0x1] =	stream.linear.gather [hbm4b:s3+s2], $0x1400, $0x38;
	[tilespmem:$0x2800] =	vst v63  }
0xb: {  	_ =	swait.ge [sflag:s7], $0x1400  }
0xc: {  	[sflag:s7] =	ssyncset.done $0x0  }
0xd: {  	[sflag:s7] =	ssyncadd.s32 $0xFFFFEC00  }
0xe: {  	[tilespmem:s8], [sflag:$0x1] =	stream.linear.gather [hbm4b:s4+s2], $0x1400, $0x38;
	[tilespmem:$0x2800] =	vst v63  }
0xf: {  	_ =	swait.ge [sflag:s7], $0x1400  }
0x10: {  	[sflag:s7] =	ssyncset.done $0x0  }
0x11: {  	s11 =	simm.s32 $0x1410;
	[sflag:s7] =	ssyncadd.s32 $0xFFFFEC00  }
0x12: {  	s10 =	simm.s32 $0x10;
	v1 =	vld [tilespmem:s11+$0x0]  }
0x13: {  	v2 =	vld [tilespmem:s10+$0x0]  }
0x14: {  	v0 =	vld [tilespmem:s10+$0xFFFFFFF0]  }
0x15: {  	v3 =	vld [tilespmem:s11+$0xFFFFFFF0];
	_ =	sdelay $0x2  }
0x16: {  	s11 =	simm.s32 $0x30;
	v1 =	vadd.f32 v1, v2  }
0x17: {  	v4 =	vld [tilespmem:s11+$0x0]  }
0x18: {  	s12 =	simm.s32 $0x1430;
	v0 =	vadd.f32 v3, v0;
	v2 =	vld [tilespmem:s11+$0xFFFFFFF0];
	v1 =	vadd.f32 $9.999999710e-10, v1  }
0x19: {  	v3 =	vld [tilespmem:s12+$0x0]  }
0x1a: {  	s13 =	simm.s32 $0x1450;
	v0 =	vadd.f32 $9.999999710e-10, v0;
	(erf) = vrcp.f32 v1;
	v1 =	vld [tilespmem:s12+$0xFFFFFFF0]  }
0x1b: {  	v5 =	vld [tilespmem:s13+$0x0];
	s12 =	simm.s32 $0x50  }
0x1c: {  	(erf) = vrcp.f32 v0;
	v6 =	vld [tilespmem:s12+$0x0]  }
0x1d: {  	v7 =	vld [tilespmem:s12+$0xFFFFFFF0]  }
0x1e: {  	v0 =	vadd.f32 v3, v4;
	v3 =	vld [tilespmem:s13+$0xFFFFFFF0]  }
0x1f: {  	v1 =	vadd.f32 v1, v2  }
0x20: {  	v2 =	vadd.f32 $9.999999710e-10, v0  }
0x21: {  	s14 =	simm.s32 $0x70;
	v6 =	vadd.f32 v5, v6;
	v4 =	vadd.f32 $9.999999710e-10, v1  }
0x22: {  	s15 =	simm.s32 $0x1470;
	v0 =	vld [tilespmem:s14+$0xFFFFFFF0];
	(erf) = vrcp.f32 v2  }
0x23: {  	v5 =	vadd.f32 v3, v7;
	v3 =	vld [tilespmem:s15+$0xFFFFFFF0];
	v8 =	vpop (erf);
	(erf) = vrcp.f32 v4  }
0x24: {  	v1 =	vld [tilespmem:s15+$0x0]  }
0x25: {  	s16 =	simm.s32 $0x6;
	s13 =	simm.s32 $0x70;
	v2 =	vld [tilespmem:s14+$0x0];
	v4 =	vadd.f32 $9.999999710e-10, v6;
	[tilespmem:s10+$0x0] =	vst v8;
	v6 =	vpop (erf)  }
.LBB2_2:
0x26: {  	s16 =	sadd.s32 $0x2, s16  }
0x27: {  	v5 =	vadd.f32 $9.999999710e-10, v5;
	[tilespmem:s10+$0xFFFFFFF0] =	vst v6;
	s10 =	smov.u32 s11;
	s11 =	smov.u32 s12;
	p0 =	slt.u32 s16, $0x13E  }
.Ltmp0:
0x28: {  	s14 =	sadd.s32 $0x20, s14;
	(erf) = vrcp.f32 v4;
	v4 =	vmov v0;
	(pc) =	sbr.rel @p0 .LBB2_2-.Ltmp0, $4  }
0x29: {  	s15 =	sadd.s32 $0x20, s15;
	s12 =	smov.u32 s13;
	s13 =	smov.u32 s14;
	v0 =	vld [tilespmem:s14+$0xFFFFFFF0];
	(erf) = vrcp.f32 v5  }
0x2a: {  	v8 =	vadd.f32 v1, v2;
	v1 =	vld [tilespmem:s15+$0x0]  }
0x2b: {  	v2 =	vld [tilespmem:s14+$0x0];
	v5 =	vadd.f32 v3, v4;
	v7 =	vpop (erf)  }
0x2c: {  	v3 =	vld [tilespmem:s15+$0xFFFFFFF0];
	v4 =	vadd.f32 $9.999999710e-10, v8;
	[tilespmem:s10+$0x0] =	vst v7;
	v6 =	vpop (erf)  }
0x2d: {  	_ =	sdelay $0x2  }
0x2e: {  	v1 =	vadd.f32 v1, v2  }
0x2f: {  	v57 =	vadd.f32 $9.999999710e-10, v5;
	v0 =	vadd.f32 v3, v0  }
0x30: {  	(erf) = vrcp.f32 v4;
	v1 =	vadd.f32 $9.999999710e-10, v1  }
0x31: {  	(erf) = vrcp.f32 v57;
	v0 =	vadd.f32 $9.999999710e-10, v0  }
0x32: {  	(erf) = vrcp.f32 v1  }
0x33: {  	(erf) = vrcp.f32 v0;
	_ =	sdelay $0x3  }
0x34: {  	[tilespmem:s10+$0xFFFFFFF0] =	vst v6;
	v58 =	vpop (erf)  }
0x35: {  	v59 =	vpop (erf);
	[tilespmem:s11+$0x0] =	vst v58  }
0x36: {  	[tilespmem:s11+$0xFFFFFFF0] =	vst v59;
	v60 =	vpop (erf)  }
0x37: {  	[tilespmem:s12+$0x0] =	vst v60;
	v61 =	vpop (erf)  }
0x38: {  	s9 =	sadd.s32 $0x1, s9;
	[tilespmem:s12+$0xFFFFFFF0] =	vst v61;
	v62 =	vpop (erf)  }
0x39: {  	p0 =	sne.s32 s9, s6;
	[tilespmem:s13+$0x0] =	vst v62;
	v63 =	vpop (erf)  }
.Ltmp1:
0x3a: {  	[tilespmem:s13+$0xFFFFFFF0] =	vst v63;
	(pc) =	sbr.rel @p0 .LBB2_1-.Ltmp1, $4  }
0x3b: {  	[hbm4b:s5+s2] =	stream.linear.scatter [tilespmem:s2], [sflag:$0x1], $0x1400, $0x38;
	[tilespmem:$0x2800] =	vst v63  }
0x3c: {  	_ =	swait.ge [sflag:s7], $0x1400  }
0x3d: {  	[sflag:s7] =	ssyncset.done $0x0  }
0x3e: {  	[sflag:s7] =	ssyncadd.s32 $0xFFFFEC00  }
0x3f: {  	_ =	sfence.sel $0x180000  }
0x40: {  	[bflag:$0x0] =	sbarrier.arrive $0xFFFF  }
0x41: {  	p0 =	sne.s32 s0, $0x0;
	_ =	strace $0x9000004A  }
0x42: {  	s0 =	sadd.s32 @!p0 $0x100000, s1;
	[bflag:$0x2] =	sbarrier.arrive $0xFFFF  }
0x43: {  	[sflag:s0] =	ssyncadd.tile.s32 @!p0 $0x1;
	_ =	shalt  }
.Lfunc_end2:
_tile_overlayer_lowered:
.L_overlay_start_2:
0x44: {  	(tag) =	ssettag $0x2  }
0x45: {  	s0 =	rddreg [dreg:$0x0];
	s2 =	stileid.u32  }
0x46: {  	s1 =	rddreg [dreg:$0x1];
	p0 =	sne.s32 s2, $0x0  }
0x47: {  	s3 =	rddreg [dreg:$0x2];
	[bflag:$0x3] =	sbarrier.arrive $0xFFFF;
	s2 =	simm.s32 @!p0 $0x1C01  }
0x48: {  	[timem:s3], [sflag:s2] =	dma.local @!p0 [hbm:s0], s1  }
0x49: {  	s0 =	simm.s32 @!p0 $0x1  }
0x4a: {  	_ =	swait.ge @!p0 [sflag:s0], s1  }
0x4b: {  	s1 =	ssub.s32 @!p0 $0x0, s1;
	[sflag:s0] =	ssyncset.done @!p0 $0x0  }
0x4c: {  	[sflag:s0] =	ssyncadd.s32 @!p0 s1  }
0x4d: {  	[bflag:$0x3] =	sbarrier.arrive $0xFFFF  }
0x4e: {  	_ =	shalt  }

// kernel: kernel.13.cloned.1.call-start
scs
__scs_entry_jumppad:
0x0: {  	(pc) =	sbr.rel $0x88, $3  }
0x1: {  	(tag) =	ssettag $0x0;
	lr =	simm.s32 $0x1  }
0x2: {  	[smem:$0x3F9C] =	sst lr;
	_ =	strace $0xD0000000  }
0x3: {  	_ = 	snop  }
0x4: {  	_ = 	snop  }
0x5: {  	_ = 	snop  }
0x6: {  	_ = 	snop  }
0x7: {  	_ = 	snop  }
__scs_overlays_trampoline_lowered:
0x8: {  	[smem:$0x3FAB] =	sst s0  }
0x9: {  	[smem:$0x3FAC] =	sst s1  }
0xa: {  	[smem:$0x3FAD] =	sst s2  }
0xb: {  	[smem:$0x3FAE] =	sst s3  }
0xc: {  	[smem:$0x3FAF] =	sst s4  }
0xd: {  	[smem:$0x3FB0] =	sst s5  }
0xe: {  	[smem:$0x3FB1] =	sst s6  }
0xf: {  	[smem:$0x3FB2] =	sst s7  }
0x10: {  	[smem:$0x3FB3] =	sst s8  }
0x11: {  	[smem:$0x3FB4] =	sst s9;
	s0 =	simm.s32 @!p0 $0x0  }
0x12: {  	s1 =	sld [smem:$0x3F9A];
	s0 =	simm.s32 @p0 $0x1  }
0x13: {  	[smem:$0x3FB5] =	sst s0;
	s0 =	simm.s32 @!p1 $0x0  }
0x14: {  	s2 =	sld [smem:$0x3F99];
	s0 =	simm.s32 @p1 $0x1  }
0x15: {  	[smem:$0x3FB6] =	sst s0;
	s0 =	simm.s32 @!p2 $0x0  }
0x16: {  	s3 =	sld [smem:$0x3FDB];
	s0 =	simm.s32 @p2 $0x1  }
0x17: {  	s4 =	simm.s32 $0x1BF5;
	[smem:$0x3FB8] =	sst s0  }
0x18: {  	s0 =	sld [smem:$0x3F9B];
	_ =	swait.ge [sflag:s4], $0x0  }
0x19: {  	s7 =	sld [smem:$0x3F9C]  }
0x1a: {  	s8 =	sadd.s32 $0xFFFFE003, lr  }
0x1b: {  	s9 =	sadd.s32 $0xFFFFFEF7, lr;
	s5 =	simm.s32 $0xFFFFFFFF;
	p2 =	slt.u32 s8, $0xFFFFF086  }
0x1c: {  	p1 =	slt.u32 s9, $0xF7A;
	s5 =	simm.s32 @!p2 $0x0  }
0x1d: {  	s5 =	simm.s32 @p1 $0x1;
	p0 =	seq.s32 s7, s2  }
0x1e: {  	s7 =	smul.u32 @!p0 $0xF7A, s2;
	p2 =	seq.s32 @!p0 s5, $0x0  }
0x1f: {  	s9 =	smul.u32 $0xF7A, s1;
	s8 =	simm.s32 @!p0 $0x1BF5;
	p2 =	por !p2, p0  }
0x20: {  	[sflag:s8] =	ssyncset.s32 @!p0 $0xFFFFF086;
	s6 =	sadd.s32 @!p0 s3, s7;
	s7 =	simm.s32 @!p0 $0x108  }
0x21: {  	s3 =	sadd.s32 s3, s9;
	s6 =	sadd.s32 @!p0 $0x88, s6;
	s7 =	simm.s32 @p2 $0x1082  }
0x22: {  	[simem:s7], [sflag:s8] =	dma.local @!p0 [hbm:s6], $0xF7A  }
0x23: {  	s9 =	sor.u32 $0xD0000000, s2;
	s6 =	simm.s32 $0x108;
	_ =	swait.ge @!p0 [sflag:s8], $0x0  }
0x24: {  	s3 =	sadd.s32 $0x88, s3;
	s6 =	simm.s32 @!p1 $0x1082;
	[sflag:s4] =	ssyncset.s32 $0xFFFFF086  }
0x25: {  	[simem:s6], [sflag:s4] =	dma.local [hbm:s3], $0xF7A  }
0x26: {  	[smem:$0x3F9C] =	sst s1;
	(tag) =	ssettag s2;
	_ =	strace s9  }
0x27: {  	s1 =	sld [smem:$0x3FAC]  }
0x28: {  	s2 =	sld [smem:$0x3FAD]  }
0x29: {  	s4 =	sld [smem:$0x3FAF]  }
0x2a: {  	p0 =	seq.s32 s5, $0x0;
	s5 =	sld [smem:$0x3FB0]  }
0x2b: {  	s6 =	sld [smem:$0x3FB1]  }
0x2c: {  	s7 =	sld [smem:$0x3FB2]  }
0x2d: {  	s3 =	simm.s32 $0x108;
	s8 =	sld [smem:$0x3FB3]  }
0x2e: {  	s3 =	simm.s32 @!p0 $0x1082;
	s9 =	sld [smem:$0x3FB4]  }
0x2f: {  	lr =	sadd.s32 s0, s3;
	s0 =	sld [smem:$0x3FAB]  }
0x30: {  	s3 =	sld [smem:$0x3FAE]  }
0x31: {  	[smem:$0x3FB7] =	sst s10  }
0x32: {  	s10 =	sld [smem:$0x3FB5];
	_ =	sdelay $0x3  }
0x33: {  	p0 =	seq.s32 s10, $0x1;
	s10 =	sld [smem:$0x3FB7];
	_ =	sdelay $0x3  }
0x34: {  	[smem:$0x3FB7] =	sst s10  }
0x35: {  	s10 =	sld [smem:$0x3FB6];
	_ =	sdelay $0x3  }
0x36: {  	p1 =	seq.s32 s10, $0x1;
	s10 =	sld [smem:$0x3FB7];
	_ =	sdelay $0x3  }
0x37: {  	[smem:$0x3FB7] =	sst s10  }
0x38: {  	s10 =	sld [smem:$0x3FB8]  }
0x39: {  	_ = 	snop;
	(pc) =	sbr.ind lr, $3  }
0x3a: {  	_ = 	snop  }
0x3b: {  	_ = 	snop  }
0x3c: {  	p2 =	seq.s32 s10, $0x1;
	s10 =	sld [smem:$0x3FB7]  }
0x3d: {  	_ =	shalt  }
0x3e: {  	_ =	shalt  }
0x3f: {  	_ =	shalt  }
0x40: {  	_ =	shalt  }
0x41: {  	_ =	shalt  }
0x42: {  	_ =	shalt  }
0x43: {  	_ =	shalt  }
0x44: {  	_ =	shalt  }
0x45: {  	_ =	shalt  }
0x46: {  	_ =	shalt  }
0x47: {  	_ =	shalt  }
0x48: {  	_ =	shalt  }
0x49: {  	_ =	shalt  }
0x4a: {  	_ =	shalt  }
0x4b: {  	_ =	shalt  }
0x4c: {  	_ =	shalt  }
0x4d: {  	_ =	shalt  }
0x4e: {  	_ =	shalt  }
0x4f: {  	_ =	shalt  }
0x50: {  	_ =	shalt  }
0x51: {  	_ =	shalt  }
0x52: {  	_ =	shalt  }
0x53: {  	_ =	shalt  }
0x54: {  	_ =	shalt  }
0x55: {  	_ =	shalt  }
0x56: {  	_ =	shalt  }
0x57: {  	_ =	shalt  }
0x58: {  	_ =	shalt  }
0x59: {  	_ =	shalt  }
0x5a: {  	_ =	shalt  }
0x5b: {  	_ =	shalt  }
0x5c: {  	_ =	shalt  }
0x5d: {  	_ =	shalt  }
0x5e: {  	_ =	shalt  }
0x5f: {  	_ =	shalt  }
0x60: {  	_ =	shalt  }
0x61: {  	_ =	shalt  }
0x62: {  	_ =	shalt  }
0x63: {  	_ =	shalt  }
0x64: {  	_ =	shalt  }
0x65: {  	_ =	shalt  }
0x66: {  	_ =	shalt  }
0x67: {  	_ =	shalt  }
0x68: {  	_ =	shalt  }
0x69: {  	_ =	shalt  }
0x6a: {  	_ =	shalt  }
0x6b: {  	_ =	shalt  }
0x6c: {  	_ =	shalt  }
0x6d: {  	_ =	shalt  }
0x6e: {  	_ =	shalt  }
0x6f: {  	_ =	shalt  }
0x70: {  	_ =	shalt  }
0x71: {  	_ =	shalt  }
0x72: {  	_ =	shalt  }
0x73: {  	_ =	shalt  }
0x74: {  	_ =	shalt  }
0x75: {  	_ =	shalt  }
0x76: {  	_ =	shalt  }
0x77: {  	_ =	shalt  }
0x78: {  	_ =	shalt  }
0x79: {  	_ =	shalt  }
0x7a: {  	_ =	shalt  }
0x7b: {  	_ =	shalt  }
0x7c: {  	_ =	shalt  }
0x7d: {  	_ =	shalt  }
0x7e: {  	_ =	shalt  }
0x7f: {  	_ =	shalt  }
0x80: {  	_ =	shalt  }
0x81: {  	_ =	shalt  }
0x82: {  	_ =	shalt  }
0x83: {  	_ =	shalt  }
0x84: {  	_ =	shalt  }
0x85: {  	_ =	shalt  }
0x86: {  	_ =	shalt  }
0x87: {  	_ =	shalt  }
.Lfunc_end0:
.L_simem_size_0:
called_computation.2_lowered:
.L_overlay_start_0:
0x88: {  	s2 =	sld [smem:$0x3FD9]  }
0x89: {  	s3 =	sld [smem:$0x3FFE];
	_ =	sdelay $0x1  }
0x8a: {  	s1 =	srdreg.scid  }
0x8b: {  	s0 =	sand.u32 $0x1, s1  }
0x8c: {  	s17 =	sshll.u32 s0, $0xA;
	s2 =	sadd.s32 s3, s2  }
0x8d: {  	s2 =	sadd.s32 s2, s17  }
0x8e: {  	[smem:$0x3FC3] =	sst s2  }
0x8f: {  	_ = 	snop  }
0x90: {  	s2 =	sld [smem:$0x3FD0];
	(tm) =	ssettm $0x1  }
0x91: {  	s18 =	sld [smem:$0x3FFB];
	_ =	sdelay $0x3  }
0x92: {  	_ =	strace s18  }
0x93: {  	s3 =	sld [smem:$0x3FFC];
	_ =	sdelay $0x3  }
0x94: {  	_ =	strace s3  }
0x95: {  	s3 =	sld [smem:$0x3FFD];
	_ =	sdelay $0x3  }
0x96: {  	_ =	strace s3  }
0x97: {  	_ =	strace $0x8FFFFFFF  }
0x98: {  	s19 =	sld [smem:$0x3FDB];
	_ =	sdelay $0x1  }
0x99: {  	s4 =	simm.s32 $_scs_section_size  }
0x9a: {  	s5 =	simm.s32 $_size__tile_overlayer_lowered;
	s6 =	simm.s32 $_tile_overlayer_lowered  }
0x9b: {  	s22 =	simm.s32 $0x1BFF;
	s21 =	sshll.u32 s6, $0x1;
	s3 =	sadd.s32 s4, s19  }
0x9c: {  	s7 =	simm.s32 $0x0;
	s20 =	sshll.u32 s5, $0x1;
	s5 =	sadd.s32 s21, s3  }
0x9d: {  	[timem:s7], [sflag:s22] =	dma.local [hbm:s5], s20  }
0x9e: {  	_ =	swait.ge [sflag:s22], s20  }
0x9f: {  	s4 =	ssub.s32 $0x0, s20;
	[sflag:s22] =	ssyncset.done $0x0  }
0xa0: {  	[sflag:s22] =	ssyncadd.s32 s4;
	_ =	sdelay $0x1  }
0xa1: {  	s23 =	simm.s32 $0x1B8B  }
0xa2: {  	_ =	swait.ge [sflag:s23], $0x1  }
0xa3: {  	[sflag:s23] =	ssyncset.done $0x0  }
0xa4: {  	s25 =	simm.s32 $0x1B8E;
	s24 =	sld [smem:$0x3FFE];
	[sflag:s23] =	ssyncadd.s32 $0xFFFFFFFF  }
0xa5: {  	s26 =	simm.s32 $execute0_lowered;
	[smem:$0x3FD2] =	sst s25  }
0xa6: {  	s5 =	sshll.u32 s26, $0x1;
	_ =	strace $0x8000004C;
	[dreg:$0x1] =	wrdreg $0xFFFFFFFF  }
0xa7: {  	s28 =	simm.s32 $_size_execute0_lowered;
	s3 =	sadd.s32 s3, s5;
	[dreg:$0x0] =	wrdreg $0x0  }
0xa8: {  	s5 =	sshll.u32 s28, $0x1;
	[dreg:$0x2] =	wrdreg s3  }
0xa9: {  	[dreg:$0x3] =	wrdreg s5  }
0xaa: {  	[dreg:$0x4] =	wrdreg $0xC0  }
0xab: {  	_ =	task [dreg:s7], $0x5FFFF  }
0xac: {  	[dreg:$0x1] =	wrdreg $0xFFFFFFFF  }
0xad: {  	[dreg:$0x0] =	wrdreg $0x60  }
0xae: {  	[dreg:$0x2] =	wrdreg s24  }
0xaf: {  	[dreg:$0x3] =	wrdreg s2  }
0xb0: {  	[dreg:$0x4] =	wrdreg $0x0  }
0xb1: {  	[dreg:$0x5] =	wrdreg $0x9  }
0xb2: {  	_ =	task.clear_ibuf [dreg:s7], $0x6FFFF;
	_ =	strace $0x9000004C  }
0xb3: {  	s29 =	simm.s32 $0x9;
	_ =	strace $0x8000004E  }
0xb4: {  	_ =	swait.ge [sflag:s29], $0x1  }
0xb5: {  	[sflag:s29] =	ssyncadd.s32 $0xFFFFFFFF  }
0xb6: {  	_ =	strace $0x9000004E  }
0xb7: {  	_ =	sfence  }
0xb8: {  	s30 =	sld [smem:$0x0];
	_ =	sdelay $0x2  }
0xb9: {  	s31 =	sshll.u32 s1, $0xD;
	s1 =	sshrl.u32 s1, $0x2  }
0xba: {  	s3 =	sand.u32 $0x4000, s31;
	s1 =	sadd.s32 s1, s30  }
0xbb: {  	s0 =	sor.u32 s3, s0;
	s1 =	sshll.u32 s1, $0x11  }
0xbc: {  	s0 =	sor.u32 s1, s0  }
0xbd: {  	s0 =	sadd.s32 $0x8F2B, s0  }
0xbe: {  	[sflag:s0] =	ssyncadd.remote.s32 $0x1  }
0xbf: {  	_ =	sfence.sel $0xFFFF  }
0xc0: {  	[dreg:$0x0] =	wrdreg $0xFFFFFFFF;
	(pc) =	sbr.abs _section_cstart, $3  }
0xc1: {  	[dreg:$0x1] =	wrdreg $0xFFFFFFFF  }
0xc2: {  	_ =	task.clear_ibuf [dreg:s7], $0x2FFFF;
	_ =	strace $0x9FFFFFFF  }
0xc3: {  	(tm) =	ssettm $0x7FFFFFFF  }
tec
execute0_lowered:
.L_overlay_start_1:
0x0: {  	(tag) =	ssettag $0x1  }
0x1: {  	s0 =	rddreg [dreg:$0x0]  }
0x2: {  	s1 =	rddreg [dreg:$0x1]  }
0x3: {  	s2 =	rddreg [dreg:$0x2]  }
0x4: {  	s4 =	simm.s32 $0x0;
	s3 =	srdreg.scid;
	s13 =	stileid.u32  }
0x5: {  	s15 =	simm.s32 $0x3;
	s16 =	simm.s32 $0x14000;
	s17 =	simm.s32 $0x14100  }
0x6: {  	s18 =	simm.s32 $0x14200;
	s19 =	simm.s32 $0x80;
	s20 =	simm.s32 $0x15200  }
0x7: {  	s21 =	simm.s32 $0x16200;
	s22 =	simm.s32 $0x14180;
	s28 =	simm.s32 $0x2  }
0x8: {  	s29 =	simm.s32 $0x0;
	[smem:$0x7FF] =	sst s4;
	s3 =	sand.u32 $0x1, s3  }
0x9: {  	s9 =	smul.u32 $0x2800, s13;
	s5 =	sadd.s32 $0x1000, s0;
	s6 =	sadd.s32 $0x29600, s0  }
0xa: {  	s7 =	sadd.s32 $0x15000, s0;
	s8 =	sadd.s32 $0xB000, s0;
	s12 =	smul.u32 $0x50000, s13  }
0xb: {  	s14 =	sadd.s32 $0x6000, s0;
	s25 =	sshll.u32 s13, $0x1;
	s30 =	sshll.u32 s13, $0x6  }
0xc: {  	_ =	strace $0x8000004D;
	s10 =	smul.u32 $0x28000, s3;
	s11 =	ssub.s32 $0x2, s3  }
0xd: {  	[dreg:$0x4] =	wrdreg s14;
	s3 =	sor.u32 s3, s25;
	s25 =	simm.s32 $0x1A200  }
0xe: {  	s23 =	sshrl.u32 s11, $0x1;
	s26 =	sshrl.u32 s12, $0x2;
	s9 =	sadd.s32 s9, s10  }
0xf: {  	s24 =	ssub.s32 s11, s23;
	s31 =	sadd.s32 s26, s2;
	s10 =	sor.u32 $0x1C03, s30  }
0x10: {  	s11 =	smul.u32 $0x50, s3;
	s23 =	simm.s32 $0x15A00;
	s0 =	sadd.s32 s9, s0  }
0x11: {  	s26 =	simm.s32 $0x1;
	s13 =	smax.u32 s24, $0x1;
	s0 =	sadd.s32 $0xC9600, s0  }
0x12: {  	s14 =	sshrl.u32 s31, $0x3;
	s24 =	simm.s32 $0x14080;
	[dreg:$0x5] =	wrdreg s0  }
.LBB2_1:
0x13: {  	s0 =	rddreg [dreg:$0x4]  }
0x14: {  	[spmem:s14], [sflag:s10] =	dma.local [hbm:s0], $0x2800  }
0x15: {  	_ =	swait.ge [sflag:s15], $0x2800  }
0x16: {  	[sflag:s15] =	ssyncset.done $0x0  }
0x17: {  	[sflag:s15] =	ssyncadd.s32 $0xFFFFD800  }
0x18: {  	s30 =	simm.s32 $0x0;
	[bflag:$0x0] =	sbarrier.arrive $0xFFFF  }
.LBB2_2:
0x19: {  	s0 =	sshll.u32 s30, $0x1  }
0x1a: {  	s0 =	sadd.s32 s11, s0  }
0x1b: {  	s3 =	sshll.u32 s0, $0x4  }
0x1c: {  	s9 =	sadd.s32 s7, s3  }
0x1d: {  	[tilespmem:s16], [sflag:$0x3] =	stream.linear.gather [hbm4b:s9+s4], $0x100, $0x38;
	[tilespmem:$0x1E200] =	vst v63  }
0x1e: {  	_ =	swait.ge [sflag:s15], $0x100  }
0x1f: {  	[sflag:s15] =	ssyncset.done $0x0  }
0x20: {  	s3 =	sadd.s32 s8, s3;
	[sflag:s15] =	ssyncadd.s32 $0xFFFFFF00  }
0x21: {  	[tilespmem:s17], [sflag:$0x3] =	stream.linear.gather [hbm4b:s3+s4], $0x100, $0x38;
	[tilespmem:$0x1E200] =	vst v63  }
0x22: {  	_ =	swait.ge [sflag:s15], $0x100  }
0x23: {  	s0 =	sshll.u32 s0, $0x8;
	[sflag:s15] =	ssyncset.done $0x0  }
0x24: {  	s0 =	sadd.s32 s6, s0;
	[sflag:s15] =	ssyncadd.s32 $0xFFFFFF00  }
0x25: {  	[tilespmem:s18], [sflag:$0x1] =	stream.linear.gather [hbm4b:s0+s4], $0x1000, $0x38;
	[tilespmem:$0x1E200] =	vst v63  }
0x26: {  	_ = 	snop  }
0x27: {  	[tilespmem:s20], [sflag:$0x1] =	stream.indirect.gather [hbm4b:s5+s19], $0x10, s17, s19, $0xb8;
	[tilespmem:$0x1E200] =	vst v63  }
0x28: {  	_ = 	snop  }
0x29: {  	[tilespmem:s21], [sflag:$0x1] =	stream.indirect.gather [hbm4b:s1+s19], $0x80, s16, s19, $0xb8;
	[tilespmem:$0x1E200] =	vst v63  }
0x2a: {  	_ = 	snop  }
0x2b: {  	[tilespmem:s23], [sflag:$0x2] =	stream.indirect.gather [hbm4b:s5+s19], $0x10, s22, s19, $0xb8;
	[tilespmem:$0x1E200] =	vst v63  }
0x2c: {  	_ = 	snop  }
0x2d: {  	[tilespmem:s25], [sflag:$0x2] =	stream.indirect.gather [hbm4b:s1+s19], $0x80, s24, s19, $0xb8;
	[tilespmem:$0x1E200] =	vst v63  }
0x2e: {  	_ =	swait.ge [sflag:s26], $0x1000  }
0x2f: {  	[sflag:s26] =	ssyncset.done $0x0  }
0x30: {  	[sflag:s26] =	ssyncadd.s32 $0xFFFFF000  }
0x31: {  	_ =	swait.ge [sflag:s26], $0x800  }
0x32: {  	[sflag:s26] =	ssyncset.done $0x0  }
0x33: {  	[sflag:s26] =	ssyncadd.s32 $0xFFFFF800  }
0x34: {  	_ =	swait.ge [sflag:s26], $0x4000  }
0x35: {  	[sflag:s26] =	ssyncset.done $0x0  }
0x36: {  	s12 =	simm.s32 $0x14210;
	[sflag:s26] =	ssyncadd.s32 $0xFFFFC000  }
0x37: {  	s0 =	simm.s32 $0x15210;
	v0 =	vld [tilespmem:s12+$0x0]  }
0x38: {  	v1 =	vld [tilespmem:s0+$0x0]  }
0x39: {  	s31 =	simm.s32 $0x16280;
	v2 =	vld [tilespmem:s0+$0xFFFFFFF0]  }
0x3a: {  	v3 =	vld [tilespmem:s31+$0x70]  }
0x3b: {  	v4 =	vld [tilespmem:s12+$0xFFFFFFF0]  }
0x3c: {  	v5 =	vld [tilespmem:s31+$0xFFFFFF80]  }
0x3d: {  	v6 =	vld [tilespmem:s31+$0xFFFFFF90]  }
0x3e: {  	v7 =	vld [tilespmem:s31+$0xFFFFFFA0]  }
0x3f: {  	v9 =	vld [tilespmem:s31+$0xFFFFFFD0];
	v0 =	vmul.f32 v1, v0  }
0x40: {  	v1 =	vld [tilespmem:s31+$0xFFFFFFB0];
	v8 =	vmul.f32 v2, v4  }
0x41: {  	v2 =	vld [tilespmem:s31+$0xFFFFFFC0];
	v3 =	vmul.f32 v3, v0  }
0x42: {  	v10 =	vld [tilespmem:s31+$0x0];
	v4 =	vmul.f32 v8, v5  }
0x43: {  	v5 =	vld [tilespmem:s31+$0xFFFFFFE0];
	v7 =	vmul.f32 v7, v8;
	[tilespmem:s31+$0x70] =	vst v3  }
0x44: {  	v3 =	vmul.f32 v6, v8;
	v6 =	vld [tilespmem:s31+$0xFFFFFFF0];
	[tilespmem:s31+$0xFFFFFF80] =	vst v4  }
0x45: {  	v11 =	vld [tilespmem:s31+$0x10];
	[tilespmem:s31+$0xFFFFFFA0] =	vst v7;
	v1 =	vmul.f32 v1, v8  }
0x46: {  	v4 =	vld [tilespmem:s31+$0x20];
	v2 =	vmul.f32 v2, v8;
	[tilespmem:s31+$0xFFFFFF90] =	vst v3  }
0x47: {  	v3 =	vmul.f32 v9, v8;
	[tilespmem:s31+$0xFFFFFFB0] =	vst v1;
	v1 =	vld [tilespmem:s31+$0x30]  }
0x48: {  	v5 =	vmul.f32 v5, v8;
	[tilespmem:s31+$0xFFFFFFC0] =	vst v2;
	v2 =	vld [tilespmem:s31+$0x40]  }
0x49: {  	[tilespmem:s31+$0xFFFFFFD0] =	vst v3;
	v3 =	vld [tilespmem:s31+$0x50];
	v7 =	vmul.f32 v6, v8  }
0x4a: {  	s9 =	simm.s32 $0x0;
	s3 =	simm.s32 $0x16280;
	s12 =	simm.s32 $0x14230;
	v8 =	vmul.f32 v0, v10;
	[tilespmem:s31+$0xFFFFFFE0] =	vst v5;
	v6 =	vmul.f32 v11, v0;
	v5 =	vld [tilespmem:s31+$0x60]  }
.LBB2_3:
0x4b: {  	v9 =	vld [tilespmem:s12+$0x0];
	[tilespmem:s31+$0xFFFFFFF0] =	vst v7;
	v4 =	vmul.f32 v4, v0;
	s0 =	sadd.s32 $0x20, s0  }
0x4c: {  	s9 =	sadd.s32 $0x2, s9;
	v7 =	vld [tilespmem:s0+$0x0];
	[tilespmem:s31+$0x0] =	vst v8;
	v1 =	vmul.f32 v1, v0  }
0x4d: {  	p0 =	slt.u32 s9, $0x7E;
	s31 =	sadd.s32 $0x100, s31;
	v8 =	vld [tilespmem:s0+$0xFFFFFFF0];
	[tilespmem:s3+$0x10] =	vst v6;
	v2 =	vmul.f32 v2, v0  }
0x4e: {  	v6 =	vld [tilespmem:s31+$0x70];
	[tilespmem:s3+$0x20] =	vst v4;
	v3 =	vmul.f32 v3, v0  }
0x4f: {  	v4 =	vld [tilespmem:s12+$0xFFFFFFF0];
	[tilespmem:s3+$0x30] =	vst v1;
	v1 =	vmul.f32 v5, v0  }
0x50: {  	v5 =	vld [tilespmem:s31+$0xFFFFFF80];
	[tilespmem:s3+$0x40] =	vst v2  }
0x51: {  	v2 =	vld [tilespmem:s31+$0xFFFFFF90];
	v0 =	vmul.f32 v7, v9;
	[tilespmem:s3+$0x50] =	vst v3  }
0x52: {  	v3 =	vld [tilespmem:s31+$0xFFFFFFA0];
	[tilespmem:s3+$0x60] =	vst v1;
	s3 =	smov.u32 s31  }
0x53: {  	v1 =	vld [tilespmem:s31+$0xFFFFFFB0];
	v6 =	vmul.f32 v6, v0  }
0x54: {  	v7 =	vmul.f32 v8, v4;
	v4 =	vld [tilespmem:s31+$0xFFFFFFC0]  }
0x55: {  	v8 =	vld [tilespmem:s31+$0xFFFFFFD0];
	[tilespmem:s31+$0x70] =	vst v6  }
0x56: {  	v5 =	vmul.f32 v7, v5;
	v2 =	vmul.f32 v2, v7;
	v6 =	vld [tilespmem:s31+$0xFFFFFFE0]  }
0x57: {  	v3 =	vmul.f32 v3, v7;
	v9 =	vld [tilespmem:s31+$0xFFFFFFF0]  }
0x58: {  	[tilespmem:s31+$0xFFFFFF80] =	vst v5;
	v1 =	vmul.f32 v1, v7;
	v5 =	vld [tilespmem:s31+$0x0]  }
0x59: {  	[tilespmem:s31+$0xFFFFFF90] =	vst v2;
	v2 =	vmul.f32 v4, v7;
	v10 =	vld [tilespmem:s31+$0x10]  }
.Ltmp0:
0x5a: {  	[tilespmem:s31+$0xFFFFFFA0] =	vst v3;
	v3 =	vmul.f32 v8, v7;
	v4 =	vld [tilespmem:s31+$0x20];
	(pc) =	sbr.rel @p0 .LBB2_3-.Ltmp0, $4  }
0x5b: {  	[tilespmem:s31+$0xFFFFFFB0] =	vst v1;
	v6 =	vmul.f32 v6, v7;
	v1 =	vld [tilespmem:s31+$0x30]  }
0x5c: {  	[tilespmem:s31+$0xFFFFFFC0] =	vst v2;
	v7 =	vmul.f32 v9, v7;
	v2 =	vld [tilespmem:s31+$0x40]  }
0x5d: {  	[tilespmem:s31+$0xFFFFFFD0] =	vst v3;
	v8 =	vmul.f32 v0, v5;
	v3 =	vld [tilespmem:s31+$0x50]  }
0x5e: {  	s12 =	sadd.s32 $0x20, s12;
	[tilespmem:s31+$0xFFFFFFE0] =	vst v6;
	v6 =	vmul.f32 v10, v0;
	v5 =	vld [tilespmem:s31+$0x60]  }
0x5f: {  	[tilespmem:s31+$0xFFFFFFF0] =	vst v7  }
0x60: {  	v4 =	vmul.f32 v4, v0;
	[tilespmem:s31+$0x0] =	vst v8  }
0x61: {  	v1 =	vmul.f32 v1, v0;
	[tilespmem:s3+$0x10] =	vst v6  }
0x62: {  	v2 =	vmul.f32 v2, v0;
	[tilespmem:s3+$0x20] =	vst v4  }
0x63: {  	v3 =	vmul.f32 v3, v0;
	[tilespmem:s3+$0x30] =	vst v1  }
0x64: {  	v0 =	vmul.f32 v5, v0;
	[tilespmem:s3+$0x40] =	vst v2  }
0x65: {  	[tilespmem:s3+$0x50] =	vst v3  }
0x66: {  	[tilespmem:s3+$0x60] =	vst v0  }
0x67: {  	_ =	swait.ge [sflag:s28], $0x800  }
0x68: {  	[sflag:s28] =	ssyncset.done $0x0  }
0x69: {  	[sflag:s28] =	ssyncadd.s32 $0xFFFFF800  }
0x6a: {  	_ =	swait.ge [sflag:s28], $0x4000  }
0x6b: {  	[sflag:s28] =	ssyncset.done $0x0  }
0x6c: {  	s12 =	simm.s32 $0x14A10;
	[sflag:s28] =	ssyncadd.s32 $0xFFFFC000  }
0x6d: {  	[spmem:s2] =	stream.indirect.scatter.add.f32 [tilespmem:s21], [sflag:$0x1], $0x80, s17, s19, $0xb8;
	[tilespmem:$0x1E200] =	vst v63  }
0x6e: {  	s0 =	simm.s32 $0x15A10;
	v0 =	vld [tilespmem:s12+$0x0]  }
0x6f: {  	v1 =	vld [tilespmem:s0+$0x0]  }
0x70: {  	s31 =	simm.s32 $0x1A2F0;
	v2 =	vld [tilespmem:s0+$0xFFFFFFF0]  }
0x71: {  	v3 =	vld [tilespmem:s31+$0x0]  }
0x72: {  	v4 =	vld [tilespmem:s12+$0xFFFFFFF0]  }
0x73: {  	v5 =	vld [tilespmem:s31+$0xFFFFFF10]  }
0x74: {  	v6 =	vld [tilespmem:s31+$0xFFFFFF20]  }
0x75: {  	v7 =	vld [tilespmem:s31+$0xFFFFFF30]  }
0x76: {  	v9 =	vld [tilespmem:s31+$0xFFFFFF60];
	v0 =	vmul.f32 v1, v0  }
0x77: {  	v1 =	vld [tilespmem:s31+$0xFFFFFF40];
	v8 =	vmul.f32 v2, v4  }
0x78: {  	v2 =	vld [tilespmem:s31+$0xFFFFFF50];
	v3 =	vmul.f32 v3, v0  }
0x79: {  	v10 =	vld [tilespmem:s31+$0xFFFFFF90];
	v4 =	vmul.f32 v8, v5  }
0x7a: {  	v5 =	vld [tilespmem:s31+$0xFFFFFF70];
	v7 =	vmul.f32 v7, v8;
	[tilespmem:s31+$0x0] =	vst v3  }
0x7b: {  	v3 =	vmul.f32 v6, v8;
	v6 =	vld [tilespmem:s31+$0xFFFFFF80];
	[tilespmem:s31+$0xFFFFFF10] =	vst v4  }
0x7c: {  	v11 =	vld [tilespmem:s31+$0xFFFFFFA0];
	[tilespmem:s31+$0xFFFFFF30] =	vst v7;
	v1 =	vmul.f32 v1, v8  }
0x7d: {  	v4 =	vld [tilespmem:s31+$0xFFFFFFB0];
	v2 =	vmul.f32 v2, v8;
	[tilespmem:s31+$0xFFFFFF20] =	vst v3  }
0x7e: {  	v3 =	vmul.f32 v9, v8;
	[tilespmem:s31+$0xFFFFFF40] =	vst v1;
	v1 =	vld [tilespmem:s31+$0xFFFFFFC0]  }
0x7f: {  	v5 =	vmul.f32 v5, v8;
	[tilespmem:s31+$0xFFFFFF50] =	vst v2;
	v2 =	vld [tilespmem:s31+$0xFFFFFFD0]  }
0x80: {  	[tilespmem:s31+$0xFFFFFF60] =	vst v3;
	v3 =	vld [tilespmem:s31+$0xFFFFFFE0];
	v7 =	vmul.f32 v6, v8  }
0x81: {  	s9 =	simm.s32 $0x0;
	s3 =	simm.s32 $0x1A2F0;
	s12 =	simm.s32 $0x14A30;
	v8 =	vmul.f32 v0, v10;
	[tilespmem:s31+$0xFFFFFF70] =	vst v5;
	v6 =	vmul.f32 v11, v0;
	v5 =	vld [tilespmem:s31+$0xFFFFFFF0]  }
.LBB2_5:
0x82: {  	v9 =	vld [tilespmem:s12+$0x0];
	[tilespmem:s31+$0xFFFFFF80] =	vst v7;
	v4 =	vmul.f32 v4, v0;
	s0 =	sadd.s32 $0x20, s0  }
0x83: {  	s9 =	sadd.s32 $0x2, s9;
	v7 =	vld [tilespmem:s0+$0x0];
	[tilespmem:s31+$0xFFFFFF90] =	vst v8;
	v1 =	vmul.f32 v1, v0  }
0x84: {  	p0 =	slt.u32 s9, $0x7E;
	s31 =	sadd.s32 $0x100, s31;
	v8 =	vld [tilespmem:s0+$0xFFFFFFF0];
	[tilespmem:s3+$0xFFFFFFA0] =	vst v6;
	v2 =	vmul.f32 v2, v0  }
0x85: {  	v6 =	vld [tilespmem:s31+$0x0];
	[tilespmem:s3+$0xFFFFFFB0] =	vst v4;
	v3 =	vmul.f32 v3, v0  }
0x86: {  	v4 =	vld [tilespmem:s12+$0xFFFFFFF0];
	[tilespmem:s3+$0xFFFFFFC0] =	vst v1;
	v1 =	vmul.f32 v5, v0  }
0x87: {  	v5 =	vld [tilespmem:s31+$0xFFFFFF10];
	[tilespmem:s3+$0xFFFFFFD0] =	vst v2  }
0x88: {  	v2 =	vld [tilespmem:s31+$0xFFFFFF20];
	v0 =	vmul.f32 v7, v9;
	[tilespmem:s3+$0xFFFFFFE0] =	vst v3  }
0x89: {  	v3 =	vld [tilespmem:s31+$0xFFFFFF30];
	[tilespmem:s3+$0xFFFFFFF0] =	vst v1;
	s3 =	smov.u32 s31  }
0x8a: {  	v1 =	vld [tilespmem:s31+$0xFFFFFF40];
	v6 =	vmul.f32 v6, v0  }
0x8b: {  	v7 =	vmul.f32 v8, v4;
	v4 =	vld [tilespmem:s31+$0xFFFFFF50]  }
0x8c: {  	v8 =	vld [tilespmem:s31+$0xFFFFFF60];
	[tilespmem:s31+$0x0] =	vst v6  }
0x8d: {  	v5 =	vmul.f32 v7, v5;
	v2 =	vmul.f32 v2, v7;
	v6 =	vld [tilespmem:s31+$0xFFFFFF70]  }
0x8e: {  	v3 =	vmul.f32 v3, v7;
	v9 =	vld [tilespmem:s31+$0xFFFFFF80]  }
0x8f: {  	[tilespmem:s31+$0xFFFFFF10] =	vst v5;
	v1 =	vmul.f32 v1, v7;
	v5 =	vld [tilespmem:s31+$0xFFFFFF90]  }
0x90: {  	[tilespmem:s31+$0xFFFFFF20] =	vst v2;
	v2 =	vmul.f32 v4, v7;
	v10 =	vld [tilespmem:s31+$0xFFFFFFA0]  }
.Ltmp1:
0x91: {  	[tilespmem:s31+$0xFFFFFF30] =	vst v3;
	v3 =	vmul.f32 v8, v7;
	v4 =	vld [tilespmem:s31+$0xFFFFFFB0];
	(pc) =	sbr.rel @p0 .LBB2_5-.Ltmp1, $4  }
0x92: {  	[tilespmem:s31+$0xFFFFFF40] =	vst v1;
	v6 =	vmul.f32 v6, v7;
	v1 =	vld [tilespmem:s31+$0xFFFFFFC0]  }
0x93: {  	[tilespmem:s31+$0xFFFFFF50] =	vst v2;
	v7 =	vmul.f32 v9, v7;
	v2 =	vld [tilespmem:s31+$0xFFFFFFD0]  }
0x94: {  	[tilespmem:s31+$0xFFFFFF60] =	vst v3;
	v8 =	vmul.f32 v0, v5;
	v3 =	vld [tilespmem:s31+$0xFFFFFFE0]  }
0x95: {  	s12 =	sadd.s32 $0x20, s12;
	[tilespmem:s31+$0xFFFFFF70] =	vst v6;
	v6 =	vmul.f32 v10, v0;
	v5 =	vld [tilespmem:s31+$0xFFFFFFF0]  }
0x96: {  	[tilespmem:s31+$0xFFFFFF80] =	vst v7  }
0x97: {  	v4 =	vmul.f32 v4, v0;
	[tilespmem:s31+$0xFFFFFF90] =	vst v8  }
0x98: {  	v1 =	vmul.f32 v1, v0;
	[tilespmem:s3+$0xFFFFFFA0] =	vst v6  }
0x99: {  	v2 =	vmul.f32 v2, v0;
	[tilespmem:s3+$0xFFFFFFB0] =	vst v4  }
0x9a: {  	v3 =	vmul.f32 v3, v0;
	[tilespmem:s3+$0xFFFFFFC0] =	vst v1  }
0x9b: {  	v63 =	vmul.f32 v5, v0;
	[tilespmem:s3+$0xFFFFFFD0] =	vst v2  }
0x9c: {  	[tilespmem:s3+$0xFFFFFFE0] =	vst v3  }
0x9d: {  	[tilespmem:s3+$0xFFFFFFF0] =	vst v63  }
0x9e: {  	s30 =	sadd.s32 $0x1, s30;
	_ =	swait.ge [sflag:s26], $0x4000  }
0x9f: {  	p0 =	sne.s32 s30, $0x28;
	[sflag:s26] =	ssyncset.done $0x0  }
.Ltmp2:
0xa0: {  	[sflag:s26] =	ssyncadd.s32 $0xFFFFC000;
	(pc) =	sbr.rel @p0 .LBB2_2-.Ltmp2, $4  }
0xa1: {  	[spmem:s2] =	stream.indirect.scatter.add.f32 [tilespmem:s25], [sflag:$0x2], $0x80, s22, s19, $0xb8;
	[tilespmem:$0x1E200] =	vst v63  }
0xa2: {  	_ =	swait.ge [sflag:s28], $0x4000  }
0xa3: {  	[sflag:s28] =	ssyncset.done $0x0  }
0xa4: {  	[sflag:s28] =	ssyncadd.s32 $0xFFFFC000  }
0xa5: {  	s29 =	sadd.s32 $0x1, s29  }
0xa6: {  	[bflag:$0x0] =	sbarrier.arrive $0xFFFF;
	p0 =	sne.s32 s29, s13  }
.Ltmp3:
0xa7: {  	s0 =	rddreg [dreg:$0x5];
	(pc) =	sbr.rel @p0 .LBB2_1-.Ltmp3, $4  }
0xa8: {  	[hbm:s0], [sflag:s10] =	dma.local [spmem:s14], $0x2800  }
0xa9: {  	_ =	swait.ge [sflag:s15], $0x2800  }
0xaa: {  	[sflag:s15] =	ssyncset.done $0x0  }
0xab: {  	[sflag:s15] =	ssyncadd.s32 $0xFFFFD800  }
0xac: {  	_ =	sfence.sel $0x180000  }
0xad: {  	[bflag:$0x0] =	sbarrier.arrive $0xFFFF  }
0xae: {  	_ =	strace $0x9000004D  }
0xaf: {  	s0 =	stileid.u32;
	[bflag:$0x2] =	sbarrier.arrive $0xFFFF  }
0xb0: {  	p0 =	sne.s32 s0, $0x0;
	s0 =	rddreg [dreg:$0x3]  }
0xb1: {  	s0 =	sadd.s32 @!p0 $0x100000, s0  }
0xb2: {  	[sflag:s0] =	ssyncadd.tile.s32 @!p0 $0x1;
	_ =	shalt  }
.Lfunc_end2:
_tile_overlayer_lowered:
.L_overlay_start_2:
0xb3: {  	(tag) =	ssettag $0x2  }
0xb4: {  	s0 =	rddreg [dreg:$0x0];
	s2 =	stileid.u32  }
0xb5: {  	s1 =	rddreg [dreg:$0x1];
	p0 =	sne.s32 s2, $0x0  }
0xb6: {  	s3 =	rddreg [dreg:$0x2];
	[bflag:$0x3] =	sbarrier.arrive $0xFFFF;
	s2 =	simm.s32 @!p0 $0x1C03  }
0xb7: {  	[timem:s3], [sflag:s2] =	dma.local @!p0 [hbm:s0], s1  }
0xb8: {  	s0 =	simm.s32 @!p0 $0x3  }
0xb9: {  	_ =	swait.ge @!p0 [sflag:s0], s1  }
0xba: {  	s1 =	ssub.s32 @!p0 $0x0, s1;
	[sflag:s0] =	ssyncset.done @!p0 $0x0  }
0xbb: {  	[sflag:s0] =	ssyncadd.s32 @!p0 s1  }
0xbc: {  	[bflag:$0x3] =	sbarrier.arrive $0xFFFF  }
0xbd: {  	_ =	shalt  }

// kernel: kernel.7.cloned.1.call-start
scs
__scs_entry_jumppad:
0x0: {  	(pc) =	sbr.rel $0x88, $3  }
0x1: {  	(tag) =	ssettag $0x0;
	lr =	simm.s32 $0x1  }
0x2: {  	[smem:$0x3F9C] =	sst lr;
	_ =	strace $0xD0000000  }
0x3: {  	_ = 	snop  }
0x4: {  	_ = 	snop  }
0x5: {  	_ = 	snop  }
0x6: {  	_ = 	snop  }
0x7: {  	_ = 	snop  }
__scs_overlays_trampoline_lowered:
0x8: {  	[smem:$0x3FAB] =	sst s0  }
0x9: {  	[smem:$0x3FAC] =	sst s1  }
0xa: {  	[smem:$0x3FAD] =	sst s2  }
0xb: {  	[smem:$0x3FAE] =	sst s3  }
0xc: {  	[smem:$0x3FAF] =	sst s4  }
0xd: {  	[smem:$0x3FB0] =	sst s5  }
0xe: {  	[smem:$0x3FB1] =	sst s6  }
0xf: {  	[smem:$0x3FB2] =	sst s7  }
0x10: {  	[smem:$0x3FB3] =	sst s8  }
0x11: {  	[smem:$0x3FB4] =	sst s9;
	s0 =	simm.s32 @!p0 $0x0  }
0x12: {  	s1 =	sld [smem:$0x3F9A];
	s0 =	simm.s32 @p0 $0x1  }
0x13: {  	[smem:$0x3FB5] =	sst s0;
	s0 =	simm.s32 @!p1 $0x0  }
0x14: {  	s2 =	sld [smem:$0x3F99];
	s0 =	simm.s32 @p1 $0x1  }
0x15: {  	[smem:$0x3FB6] =	sst s0;
	s0 =	simm.s32 @!p2 $0x0  }
0x16: {  	s3 =	sld [smem:$0x3FDB];
	s0 =	simm.s32 @p2 $0x1  }
0x17: {  	s4 =	simm.s32 $0x1BF5;
	[smem:$0x3FB8] =	sst s0  }
0x18: {  	s0 =	sld [smem:$0x3F9B];
	_ =	swait.ge [sflag:s4], $0x0  }
0x19: {  	s7 =	sld [smem:$0x3F9C]  }
0x1a: {  	s8 =	sadd.s32 $0xFFFFE003, lr  }
0x1b: {  	s9 =	sadd.s32 $0xFFFFFEF7, lr;
	s5 =	simm.s32 $0xFFFFFFFF;
	p2 =	slt.u32 s8, $0xFFFFF086  }
0x1c: {  	p1 =	slt.u32 s9, $0xF7A;
	s5 =	simm.s32 @!p2 $0x0  }
0x1d: {  	s5 =	simm.s32 @p1 $0x1;
	p0 =	seq.s32 s7, s2  }
0x1e: {  	s7 =	smul.u32 @!p0 $0xF7A, s2;
	p2 =	seq.s32 @!p0 s5, $0x0  }
0x1f: {  	s9 =	smul.u32 $0xF7A, s1;
	s8 =	simm.s32 @!p0 $0x1BF5;
	p2 =	por !p2, p0  }
0x20: {  	[sflag:s8] =	ssyncset.s32 @!p0 $0xFFFFF086;
	s6 =	sadd.s32 @!p0 s3, s7;
	s7 =	simm.s32 @!p0 $0x108  }
0x21: {  	s3 =	sadd.s32 s3, s9;
	s6 =	sadd.s32 @!p0 $0x88, s6;
	s7 =	simm.s32 @p2 $0x1082  }
0x22: {  	[simem:s7], [sflag:s8] =	dma.local @!p0 [hbm:s6], $0xF7A  }
0x23: {  	s9 =	sor.u32 $0xD0000000, s2;
	s6 =	simm.s32 $0x108;
	_ =	swait.ge @!p0 [sflag:s8], $0x0  }
0x24: {  	s3 =	sadd.s32 $0x88, s3;
	s6 =	simm.s32 @!p1 $0x1082;
	[sflag:s4] =	ssyncset.s32 $0xFFFFF086  }
0x25: {  	[simem:s6], [sflag:s4] =	dma.local [hbm:s3], $0xF7A  }
0x26: {  	[smem:$0x3F9C] =	sst s1;
	(tag) =	ssettag s2;
	_ =	strace s9  }
0x27: {  	s1 =	sld [smem:$0x3FAC]  }
0x28: {  	s2 =	sld [smem:$0x3FAD]  }
0x29: {  	s4 =	sld [smem:$0x3FAF]  }
0x2a: {  	p0 =	seq.s32 s5, $0x0;
	s5 =	sld [smem:$0x3FB0]  }
0x2b: {  	s6 =	sld [smem:$0x3FB1]  }
0x2c: {  	s7 =	sld [smem:$0x3FB2]  }
0x2d: {  	s3 =	simm.s32 $0x108;
	s8 =	sld [smem:$0x3FB3]  }
0x2e: {  	s3 =	simm.s32 @!p0 $0x1082;
	s9 =	sld [smem:$0x3FB4]  }
0x2f: {  	lr =	sadd.s32 s0, s3;
	s0 =	sld [smem:$0x3FAB]  }
0x30: {  	s3 =	sld [smem:$0x3FAE]  }
0x31: {  	[smem:$0x3FB7] =	sst s10  }
0x32: {  	s10 =	sld [smem:$0x3FB5];
	_ =	sdelay $0x3  }
0x33: {  	p0 =	seq.s32 s10, $0x1;
	s10 =	sld [smem:$0x3FB7];
	_ =	sdelay $0x3  }
0x34: {  	[smem:$0x3FB7] =	sst s10  }
0x35: {  	s10 =	sld [smem:$0x3FB6];
	_ =	sdelay $0x3  }
0x36: {  	p1 =	seq.s32 s10, $0x1;
	s10 =	sld [smem:$0x3FB7];
	_ =	sdelay $0x3  }
0x37: {  	[smem:$0x3FB7] =	sst s10  }
0x38: {  	s10 =	sld [smem:$0x3FB8]  }
0x39: {  	_ = 	snop;
	(pc) =	sbr.ind lr, $3  }
0x3a: {  	_ = 	snop  }
0x3b: {  	_ = 	snop  }
0x3c: {  	p2 =	seq.s32 s10, $0x1;
	s10 =	sld [smem:$0x3FB7]  }
0x3d: {  	_ =	shalt  }
0x3e: {  	_ =	shalt  }
0x3f: {  	_ =	shalt  }
0x40: {  	_ =	shalt  }
0x41: {  	_ =	shalt  }
0x42: {  	_ =	shalt  }
0x43: {  	_ =	shalt  }
0x44: {  	_ =	shalt  }
0x45: {  	_ =	shalt  }
0x46: {  	_ =	shalt  }
0x47: {  	_ =	shalt  }
0x48: {  	_ =	shalt  }
0x49: {  	_ =	shalt  }
0x4a: {  	_ =	shalt  }
0x4b: {  	_ =	shalt  }
0x4c: {  	_ =	shalt  }
0x4d: {  	_ =	shalt  }
0x4e: {  	_ =	shalt  }
0x4f: {  	_ =	shalt  }
0x50: {  	_ =	shalt  }
0x51: {  	_ =	shalt  }
0x52: {  	_ =	shalt  }
0x53: {  	_ =	shalt  }
0x54: {  	_ =	shalt  }
0x55: {  	_ =	shalt  }
0x56: {  	_ =	shalt  }
0x57: {  	_ =	shalt  }
0x58: {  	_ =	shalt  }
0x59: {  	_ =	shalt  }
0x5a: {  	_ =	shalt  }
0x5b: {  	_ =	shalt  }
0x5c: {  	_ =	shalt  }
0x5d: {  	_ =	shalt  }
0x5e: {  	_ =	shalt  }
0x5f: {  	_ =	shalt  }
0x60: {  	_ =	shalt  }
0x61: {  	_ =	shalt  }
0x62: {  	_ =	shalt  }
0x63: {  	_ =	shalt  }
0x64: {  	_ =	shalt  }
0x65: {  	_ =	shalt  }
0x66: {  	_ =	shalt  }
0x67: {  	_ =	shalt  }
0x68: {  	_ =	shalt  }
0x69: {  	_ =	shalt  }
0x6a: {  	_ =	shalt  }
0x6b: {  	_ =	shalt  }
0x6c: {  	_ =	shalt  }
0x6d: {  	_ =	shalt  }
0x6e: {  	_ =	shalt  }
0x6f: {  	_ =	shalt  }
0x70: {  	_ =	shalt  }
0x71: {  	_ =	shalt  }
0x72: {  	_ =	shalt  }
0x73: {  	_ =	shalt  }
0x74: {  	_ =	shalt  }
0x75: {  	_ =	shalt  }
0x76: {  	_ =	shalt  }
0x77: {  	_ =	shalt  }
0x78: {  	_ =	shalt  }
0x79: {  	_ =	shalt  }
0x7a: {  	_ =	shalt  }
0x7b: {  	_ =	shalt  }
0x7c: {  	_ =	shalt  }
0x7d: {  	_ =	shalt  }
0x7e: {  	_ =	shalt  }
0x7f: {  	_ =	shalt  }
0x80: {  	_ =	shalt  }
0x81: {  	_ =	shalt  }
0x82: {  	_ =	shalt  }
0x83: {  	_ =	shalt  }
0x84: {  	_ =	shalt  }
0x85: {  	_ =	shalt  }
0x86: {  	_ =	shalt  }
0x87: {  	_ =	shalt  }
.Lfunc_end0:
.L_simem_size_0:
called_computation_lowered:
.L_overlay_start_0:
0x88: {  	s2 =	sld [smem:$0x3FD9]  }
0x89: {  	s3 =	sld [smem:$0x3FFE];
	_ =	sdelay $0x1  }
0x8a: {  	s1 =	srdreg.scid  }
0x8b: {  	s0 =	sand.u32 $0x1, s1  }
0x8c: {  	s16 =	sshll.u32 s0, $0xA;
	s2 =	sadd.s32 s3, s2  }
0x8d: {  	s2 =	sadd.s32 s2, s16  }
0x8e: {  	[smem:$0x3FC3] =	sst s2  }
0x8f: {  	_ = 	snop  }
0x90: {  	(tm) =	ssettm $0x1  }
0x91: {  	s17 =	sld [smem:$0x3FFB];
	_ =	sdelay $0x3  }
0x92: {  	_ =	strace s17  }
0x93: {  	s2 =	sld [smem:$0x3FFC];
	_ =	sdelay $0x3  }
0x94: {  	_ =	strace s2  }
0x95: {  	s2 =	sld [smem:$0x3FFD];
	_ =	sdelay $0x3  }
0x96: {  	_ =	strace s2  }
0x97: {  	_ =	strace $0x8FFFFFFF  }
0x98: {  	s18 =	sld [smem:$0x3FDB];
	_ =	sdelay $0x1  }
0x99: {  	s19 =	simm.s32 $_scs_section_size  }
0x9a: {  	s4 =	simm.s32 $_size__tile_overlayer_lowered;
	s5 =	simm.s32 $_tile_overlayer_lowered  }
0x9b: {  	s22 =	simm.s32 $0x1BFF;
	s21 =	sshll.u32 s5, $0x1;
	s2 =	sadd.s32 s19, s18  }
0x9c: {  	s6 =	simm.s32 $0x0;
	s20 =	sshll.u32 s4, $0x1;
	s4 =	sadd.s32 s21, s2  }
0x9d: {  	[timem:s6], [sflag:s22] =	dma.local [hbm:s4], s20  }
0x9e: {  	_ =	swait.ge [sflag:s22], s20  }
0x9f: {  	s3 =	ssub.s32 $0x0, s20;
	[sflag:s22] =	ssyncset.done $0x0  }
0xa0: {  	[sflag:s22] =	ssyncadd.s32 s3;
	_ =	sdelay $0x1  }
0xa1: {  	s23 =	simm.s32 $0x1B8B  }
0xa2: {  	_ =	swait.ge [sflag:s23], $0x1  }
0xa3: {  	[sflag:s23] =	ssyncset.done $0x0  }
0xa4: {  	s25 =	simm.s32 $0x1B8E;
	s24 =	sld [smem:$0x3FFE];
	[sflag:s23] =	ssyncadd.s32 $0xFFFFFFFF  }
0xa5: {  	s26 =	simm.s32 $execute0_lowered;
	[smem:$0x3FD2] =	sst s25  }
0xa6: {  	s4 =	sshll.u32 s26, $0x1;
	_ =	strace $0x80000046;
	[dreg:$0x1] =	wrdreg $0xFFFFFFFF  }
0xa7: {  	s28 =	simm.s32 $_size_execute0_lowered;
	s2 =	sadd.s32 s2, s4;
	[dreg:$0x0] =	wrdreg $0x0  }
0xa8: {  	s4 =	sshll.u32 s28, $0x1;
	[dreg:$0x2] =	wrdreg s2  }
0xa9: {  	[dreg:$0x3] =	wrdreg s4  }
0xaa: {  	[dreg:$0x4] =	wrdreg $0xC0  }
0xab: {  	_ =	task [dreg:s6], $0x5FFFF  }
0xac: {  	[dreg:$0x1] =	wrdreg $0xFFFFFFFF  }
0xad: {  	[dreg:$0x0] =	wrdreg $0x60  }
0xae: {  	[dreg:$0x2] =	wrdreg s24  }
0xaf: {  	[dreg:$0x3] =	wrdreg $0x0  }
0xb0: {  	[dreg:$0x4] =	wrdreg $0x9  }
0xb1: {  	_ =	task.clear_ibuf [dreg:s6], $0x5FFFF;
	_ =	strace $0x90000046  }
0xb2: {  	s29 =	simm.s32 $0x9;
	_ =	strace $0x80000048  }
0xb3: {  	_ =	swait.ge [sflag:s29], $0x1  }
0xb4: {  	[sflag:s29] =	ssyncadd.s32 $0xFFFFFFFF  }
0xb5: {  	_ =	strace $0x90000048  }
0xb6: {  	_ =	sfence  }
0xb7: {  	s30 =	sld [smem:$0x0];
	_ =	sdelay $0x2  }
0xb8: {  	s31 =	sshll.u32 s1, $0xD;
	s1 =	sshrl.u32 s1, $0x2  }
0xb9: {  	s3 =	sand.u32 $0x4000, s31;
	s1 =	sadd.s32 s1, s30  }
0xba: {  	s0 =	sor.u32 s3, s0;
	s1 =	sshll.u32 s1, $0x11  }
0xbb: {  	s0 =	sor.u32 s1, s0  }
0xbc: {  	s0 =	sadd.s32 $0x8F2B, s0  }
0xbd: {  	[sflag:s0] =	ssyncadd.remote.s32 $0x1  }
0xbe: {  	_ =	sfence.sel $0xFFFF  }
0xbf: {  	[dreg:$0x0] =	wrdreg $0xFFFFFFFF;
	(pc) =	sbr.abs _section_cstart, $3  }
0xc0: {  	[dreg:$0x1] =	wrdreg $0xFFFFFFFF  }
0xc1: {  	_ =	task.clear_ibuf [dreg:s6], $0x2FFFF;
	_ =	strace $0x9FFFFFFF  }
0xc2: {  	(tm) =	ssettm $0x7FFFFFFF  }
0xc3: {  	_ =	shalt  }
tec
execute0_lowered:
.L_overlay_start_1:
0x0: {  	(tag) =	ssettag $0x1  }
0x1: {  	s0 =	rddreg [dreg:$0x0]  }
0x2: {  	s2 =	rddreg [dreg:$0x1];
	s3 =	simm.s32 $0x0  }
0x3: {  	s1 =	srdreg.scid;
	s13 =	stileid.u32;
	s15 =	simm.s32 $0x3  }
0x4: {  	s16 =	simm.s32 $0x2800;
	s17 =	simm.s32 $0x2A00;
	s18 =	simm.s32 $0x80  }
0x5: {  	s19 =	simm.s32 $0x2C00;
	s21 =	simm.s32 $0x3400;
	s28 =	simm.s32 $0x2A80  }
0x6: {  	s30 =	simm.s32 $0x2B00;
	s14 =	simm.s32 $0x0;
	[smem:$0x7FF] =	sst s3  }
0x7: {  	s1 =	sand.u32 $0x1, s1;
	s8 =	smul.u32 $0x500, s13;
	s4 =	sadd.s32 $0x1000, s0  }
0x8: {  	s5 =	sadd.s32 $0x6000, s0;
	s6 =	sadd.s32 $0x15000, s0;
	s7 =	sadd.s32 $0xB000, s0  }
0x9: {  	s10 =	sadd.s32 $0x1F000, s0;
	s12 =	smul.u32 $0xA000, s13;
	s25 =	sshll.u32 s13, $0x1  }
0xa: {  	s29 =	sshll.u32 s13, $0x6;
	_ =	strace $0x80000047;
	s9 =	smul.u32 $0x5000, s1  }
0xb: {  	[dreg:$0x3] =	wrdreg s10;
	s23 =	ssub.s32 $0x2, s1;
	s1 =	sor.u32 s1, s25  }
0xc: {  	s13 =	sor.u32 $0x1C03, s29;
	s25 =	simm.s32 $0x4400;
	s11 =	sshrl.u32 s23, $0x1  }
0xd: {  	s26 =	sshrl.u32 s12, $0x2;
	s12 =	simm.s32 $0x2;
	[dreg:$0x4] =	wrdreg s13  }
0xe: {  	s8 =	sadd.s32 s8, s9;
	s9 =	sadd.s32 $0x29600, s0;
	s24 =	ssub.s32 s23, s11  }
0xf: {  	s10 =	sadd.s32 s26, s2;
	s8 =	sadd.s32 s8, s0;
	s0 =	smax.u32 s24, $0x1  }
0x10: {  	s11 =	smul.u32 $0x50, s1;
	s10 =	sshrl.u32 s10, $0x3;
	[dreg:$0x6] =	wrdreg s0  }
0x11: {  	s23 =	simm.s32 $0x3C00;
	s31 =	sadd.s32 $0x1F600, s8;
	[dreg:$0x7] =	wrdreg s10  }
0x12: {  	s0 =	simm.s32 $0x2B80;
	s8 =	simm.s32 $0x1;
	[dreg:$0x5] =	wrdreg s31  }
.LBB2_1:
0x13: {  	[dreg:$0x8] =	wrdreg s14  }
0x14: {  	s1 =	rddreg [dreg:$0x3]  }
0x15: {  	[spmem:s10], [sflag:s13] =	dma.local [hbm:s1], $0x500  }
0x16: {  	_ =	swait.ge [sflag:s15], $0x500  }
0x17: {  	[sflag:s15] =	ssyncset.done $0x0  }
0x18: {  	[sflag:s15] =	ssyncadd.s32 $0xFFFFFB00  }
0x19: {  	s10 =	simm.s32 $0x0;
	[bflag:$0x0] =	sbarrier.arrive $0xFFFF  }
.LBB2_2:
0x1a: {  	s1 =	sshll.u32 s10, $0x2  }
0x1b: {  	s14 =	sadd.s32 s11, s1  }
0x1c: {  	s1 =	sshll.u32 s14, $0x4  }
0x1d: {  	s13 =	sadd.s32 s6, s1  }
0x1e: {  	[tilespmem:s16], [sflag:$0x3] =	stream.linear.gather [hbm4b:s13+s3], $0x200, $0x38;
	[tilespmem:$0x6C00] =	vst v63  }
0x1f: {  	_ =	swait.ge [sflag:s15], $0x200  }
0x20: {  	[sflag:s15] =	ssyncset.done $0x0  }
0x21: {  	s1 =	sadd.s32 s7, s1;
	[sflag:s15] =	ssyncadd.s32 $0xFFFFFE00  }
0x22: {  	[tilespmem:s17], [sflag:$0x3] =	stream.linear.gather [hbm4b:s1+s3], $0x200, $0x38;
	[tilespmem:$0x6C00] =	vst v63  }
0x23: {  	_ =	swait.ge [sflag:s15], $0x200  }
0x24: {  	[sflag:s15] =	ssyncset.done $0x0  }
0x25: {  	[sflag:s15] =	ssyncadd.s32 $0xFFFFFE00  }
0x26: {  	[tilespmem:s19], [sflag:$0x1] =	stream.indirect.gather [hbm4b:s4+s18], $0x10, s16, s18, $0xb8;
	[tilespmem:$0x6C00] =	vst v63  }
0x27: {  	s26 =	simm.s32 $0x2880  }
0x28: {  	[tilespmem:s21], [sflag:$0x1] =	stream.indirect.gather [hbm4b:s4+s18], $0x10, s26, s18, $0xb8;
	[tilespmem:$0x6C00] =	vst v63  }
0x29: {  	s13 =	simm.s32 $0x2900  }
0x2a: {  	[tilespmem:s23], [sflag:$0x1] =	stream.indirect.gather [hbm4b:s4+s18], $0x10, s13, s18, $0xb8;
	[tilespmem:$0x6C00] =	vst v63  }
0x2b: {  	s20 =	simm.s32 $0x2980  }
0x2c: {  	[tilespmem:s25], [sflag:$0x1] =	stream.indirect.gather [hbm4b:s4+s18], $0x10, s20, s18, $0xb8;
	[tilespmem:$0x6C00] =	vst v63  }
0x2d: {  	s22 =	simm.s32 $0x4C00  }
0x2e: {  	[tilespmem:s22], [sflag:$0x2] =	stream.indirect.gather [hbm4b:s5+s18], $0x10, s17, s18, $0xb8;
	[tilespmem:$0x6C00] =	vst v63  }
0x2f: {  	s24 =	simm.s32 $0x5400  }
0x30: {  	[tilespmem:s24], [sflag:$0x2] =	stream.indirect.gather [hbm4b:s5+s18], $0x10, s28, s18, $0xb8;
	[tilespmem:$0x6C00] =	vst v63  }
0x31: {  	s26 =	simm.s32 $0x5C00  }
0x32: {  	[tilespmem:s26], [sflag:$0x2] =	stream.indirect.gather [hbm4b:s5+s18], $0x10, s30, s18, $0xb8;
	[tilespmem:$0x6C00] =	vst v63  }
0x33: {  	s13 =	simm.s32 $0x6400  }
0x34: {  	[tilespmem:s13], [sflag:$0x2] =	stream.indirect.gather [hbm4b:s5+s18], $0x10, s0, s18, $0xb8;
	[tilespmem:$0x6C00] =	vst v63  }
0x35: {  	_ =	swait.ge [sflag:s8], $0x800  }
0x36: {  	[sflag:s8] =	ssyncset.done $0x0  }
0x37: {  	[sflag:s8] =	ssyncadd.s32 $0xFFFFF800  }
0x38: {  	_ =	swait.ge [sflag:s8], $0x800  }
0x39: {  	[sflag:s8] =	ssyncset.done $0x0  }
0x3a: {  	[sflag:s8] =	ssyncadd.s32 $0xFFFFF800  }
0x3b: {  	_ =	swait.ge [sflag:s8], $0x800  }
0x3c: {  	[sflag:s8] =	ssyncset.done $0x0  }
0x3d: {  	[sflag:s8] =	ssyncadd.s32 $0xFFFFF800  }
0x3e: {  	_ =	swait.ge [sflag:s8], $0x800  }
0x3f: {  	[sflag:s8] =	ssyncset.done $0x0  }
0x40: {  	[sflag:s8] =	ssyncadd.s32 $0xFFFFF800  }
0x41: {  	_ =	swait.ge [sflag:s12], $0x800  }
0x42: {  	[sflag:s12] =	ssyncset.done $0x0  }
0x43: {  	[sflag:s12] =	ssyncadd.s32 $0xFFFFF800  }
0x44: {  	_ =	swait.ge [sflag:s12], $0x800  }
0x45: {  	[sflag:s12] =	ssyncset.done $0x0  }
0x46: {  	[sflag:s12] =	ssyncadd.s32 $0xFFFFF800  }
0x47: {  	_ =	swait.ge [sflag:s12], $0x800  }
0x48: {  	[sflag:s12] =	ssyncset.done $0x0  }
0x49: {  	[sflag:s12] =	ssyncadd.s32 $0xFFFFF800  }
0x4a: {  	_ =	swait.ge [sflag:s12], $0x800  }
0x4b: {  	[sflag:s12] =	ssyncset.done $0x0  }
0x4c: {  	s20 =	simm.s32 $0x4C10;
	[sflag:s12] =	ssyncadd.s32 $0xFFFFF800  }
0x4d: {  	s13 =	simm.s32 $0x2C10;
	v0 =	vld [tilespmem:s20+$0x0]  }
0x4e: {  	v1 =	vld [tilespmem:s13+$0x0]  }
0x4f: {  	v2 =	vld [tilespmem:s20+$0xFFFFFFF0]  }
0x50: {  	v3 =	vld [tilespmem:s13+$0xFFFFFFF0]  }
0x51: {  	s22 =	simm.s32 $0x4C30  }
0x52: {  	s20 =	simm.s32 $0x2C30;
	v4 =	vld [tilespmem:s22+$0xFFFFFFF0]  }
0x53: {  	v6 =	vld [tilespmem:s20+$0x0];
	v0 =	vadd.f32 v0, v1  }
0x54: {  	v1 =	vld [tilespmem:s22+$0x0]  }
0x55: {  	v2 =	vadd.f32 v2, v3;
	v3 =	vld [tilespmem:s20+$0xFFFFFFF0];
	v5 =	vmul.f32 $2.000000030e-01, v0  }
0x56: {  	s24 =	simm.s32 $0x4C50;
	vm0 =	vge.f32 v0, $0.0e+00  }
0x57: {  	v8 =	vld [tilespmem:s24+$0xFFFFFFF0];
	v0 =	vsel vm0, v0, v5  }
0x58: {  	s22 =	simm.s32 $0x2C50;
	v7 =	vmul.f32 $2.000000030e-01, v2;
	v5 =	vld [tilespmem:s24+$0x0];
	v0 =	vmul.f32 $1.442695020e+00, v0  }
0x59: {  	vm0 =	vge.f32 v2, $0.0e+00;
	v1 =	vadd.f32 v1, v6;
	v6 =	vld [tilespmem:s22+$0xFFFFFFF0]  }
0x5a: {  	v2 =	vsel vm0, v2, v7;
	v3 =	vadd.f32 v4, v3;
	(erf) = vpow2.f32 v0;
	v0 =	vld [tilespmem:s22+$0x0]  }
0x5b: {  	v2 =	vmul.f32 $1.442695020e+00, v2;
	v4 =	vmul.f32 $2.000000030e-01, v1  }
0x5c: {  	v7 =	vmul.f32 $2.000000030e-01, v3;
	vm0 =	vge.f32 v1, $0.0e+00  }
0x5d: {  	vm1 =	vge.f32 v3, $0.0e+00;
	(erf) = vpow2.f32 v2;
	v1 =	vsel vm0, v1, v4  }
0x5e: {  	s26 =	simm.s32 $0x4C70;
	v2 =	vsel vm1, v3, v7;
	v4 =	vmul.f32 $1.442695020e+00, v1  }
0x5f: {  	v1 =	vld [tilespmem:s26+$0xFFFFFFF0];
	v9 =	vadd.f32 v5, v0;
	v0 =	vadd.f32 v8, v6;
	v6 =	vmul.f32 $1.442695020e+00, v2  }
0x60: {  	s29 =	simm.s32 $0x2C70;
	v5 =	vld [tilespmem:s26+$0x0];
	(erf) = vpow2.f32 v4  }
0x61: {  	v2 =	vld [tilespmem:s29+$0x0];
	v7 =	vmul.f32 $2.000000030e-01, v9;
	(erf) = vpow2.f32 v6  }
0x62: {  	v3 =	vld [tilespmem:s29+$0xFFFFFFF0];
	vm1 =	vge.f32 v9, $0.0e+00  }
0x63: {  	s31 =	simm.s32 $0x6;
	s1 =	simm.s32 $0x4C90;
	s24 =	simm.s32 $0x2C70;
	v4 =	vmul.f32 $2.000000030e-01, v0;
	vm0 =	vge.f32 v0, $0.0e+00;
	v7 =	vsel vm1, v9, v7;
	v6 =	vpop (erf)  }
.LBB2_3:
0x64: {  	s31 =	sadd.s32 $0x2, s31  }
0x65: {  	v8 =	vld [tilespmem:s1+$0x0];
	s29 =	sadd.s32 $0x20, s29;
	v7 =	vmul.f32 $1.442695020e+00, v7;
	[tilespmem:s13+$0x0] =	vst v6;
	s26 =	simm.s32 $0x5410;
	v6 =	vmov v1;
	p0 =	slt.u32 s31, $0x7E  }
.Ltmp0:
0x66: {  	v4 =	vsel vm0, v0, v4;
	v1 =	vld [tilespmem:s1+$0xFFFFFFF0];
	v5 =	vadd.f32 v5, v2;
	v9 =	vpop (erf);
	(pc) =	sbr.rel @p0 .LBB2_3-.Ltmp0, $4  }
0x67: {  	v10 =	vmul.f32 $1.442695020e+00, v4;
	v2 =	vld [tilespmem:s29+$0x0];
	v0 =	vadd.f32 v6, v3;
	(erf) = vpow2.f32 v7;
	[tilespmem:s13+$0xFFFFFFF0] =	vst v9;
	s13 =	smov.u32 s20;
	s20 =	smov.u32 s22;
	s22 =	smov.u32 s24  }
0x68: {  	s24 =	smov.u32 s29;
	v3 =	vld [tilespmem:s29+$0xFFFFFFF0];
	v7 =	vmul.f32 $2.000000030e-01, v5  }
0x69: {  	vm1 =	vge.f32 v5, $0.0e+00;
	v4 =	vmul.f32 $2.000000030e-01, v0;
	(erf) = vpow2.f32 v10  }
0x6a: {  	s1 =	sadd.s32 $0x20, s1;
	vm0 =	vge.f32 v0, $0.0e+00;
	v7 =	vsel vm1, v5, v7;
	v6 =	vpop (erf);
	v5 =	vmov v8  }
0x6b: {  	_ = 	snop  }
0x6c: {  	v2 =	vadd.f32 v5, v2  }
0x6d: {  	v1 =	vadd.f32 v1, v3  }
0x6e: {  	v0 =	vsel vm0, v0, v4;
	v5 =	vmul.f32 $2.000000030e-01, v2  }
0x6f: {  	v3 =	vmul.f32 $1.442695020e+00, v7;
	vm0 =	vge.f32 v2, $0.0e+00;
	v4 =	vmul.f32 $2.000000030e-01, v1  }
0x70: {  	v0 =	vmul.f32 $1.442695020e+00, v0;
	vm1 =	vge.f32 v1, $0.0e+00;
	v2 =	vsel vm0, v2, v5  }
0x71: {  	(erf) = vpow2.f32 v3;
	v2 =	vmul.f32 $1.442695020e+00, v2;
	v1 =	vsel vm1, v1, v4  }
0x72: {  	(erf) = vpow2.f32 v0;
	v0 =	vmul.f32 $1.442695020e+00, v1  }
0x73: {  	(erf) = vpow2.f32 v2  }
0x74: {  	(erf) = vpow2.f32 v0;
	_ =	sdelay $0x2  }
0x75: {  	[tilespmem:s13+$0x0] =	vst v6;
	v0 =	vpop (erf)  }
0x76: {  	v1 =	vpop (erf);
	[tilespmem:s13+$0xFFFFFFF0] =	vst v0  }
0x77: {  	v0 =	vpop (erf);
	[tilespmem:s20+$0x0] =	vst v1  }
0x78: {  	[tilespmem:s20+$0xFFFFFFF0] =	vst v0;
	v0 =	vpop (erf)  }
0x79: {  	[tilespmem:s22+$0x0] =	vst v0;
	v0 =	vpop (erf)  }
0x7a: {  	[tilespmem:s22+$0xFFFFFFF0] =	vst v0;
	v0 =	vpop (erf)  }
0x7b: {  	[tilespmem:s24+$0x0] =	vst v0;
	v0 =	vpop (erf)  }
0x7c: {  	[tilespmem:s24+$0xFFFFFFF0] =	vst v0  }
0x7d: {  	s13 =	simm.s32 $0x3410;
	v0 =	vld [tilespmem:s26+$0x0]  }
0x7e: {  	v1 =	vld [tilespmem:s13+$0x0]  }
0x7f: {  	v2 =	vld [tilespmem:s26+$0xFFFFFFF0]  }
0x80: {  	v3 =	vld [tilespmem:s13+$0xFFFFFFF0]  }
0x81: {  	s1 =	simm.s32 $0x5430  }
0x82: {  	s20 =	simm.s32 $0x3430;
	v4 =	vld [tilespmem:s1+$0xFFFFFFF0]  }
0x83: {  	v6 =	vld [tilespmem:s20+$0x0];
	v0 =	vadd.f32 v0, v1  }
0x84: {  	v1 =	vld [tilespmem:s1+$0x0]  }
0x85: {  	v2 =	vadd.f32 v2, v3;
	v3 =	vld [tilespmem:s20+$0xFFFFFFF0];
	v5 =	vmul.f32 $2.000000030e-01, v0  }
0x86: {  	s26 =	simm.s32 $0x5450;
	vm0 =	vge.f32 v0, $0.0e+00  }
0x87: {  	v8 =	vld [tilespmem:s26+$0xFFFFFFF0];
	v0 =	vsel vm0, v0, v5  }
0x88: {  	s22 =	simm.s32 $0x3450;
	v7 =	vmul.f32 $2.000000030e-01, v2;
	v5 =	vld [tilespmem:s26+$0x0];
	v0 =	vmul.f32 $1.442695020e+00, v0  }
0x89: {  	vm0 =	vge.f32 v2, $0.0e+00;
	v1 =	vadd.f32 v1, v6;
	v6 =	vld [tilespmem:s22+$0xFFFFFFF0]  }
0x8a: {  	v2 =	vsel vm0, v2, v7;
	v3 =	vadd.f32 v4, v3;
	(erf) = vpow2.f32 v0;
	v0 =	vld [tilespmem:s22+$0x0]  }
0x8b: {  	v2 =	vmul.f32 $1.442695020e+00, v2;
	v4 =	vmul.f32 $2.000000030e-01, v1  }
0x8c: {  	v7 =	vmul.f32 $2.000000030e-01, v3;
	vm0 =	vge.f32 v1, $0.0e+00  }
0x8d: {  	vm1 =	vge.f32 v3, $0.0e+00;
	(erf) = vpow2.f32 v2;
	v1 =	vsel vm0, v1, v4  }
0x8e: {  	s31 =	simm.s32 $0x5470;
	v2 =	vsel vm1, v3, v7;
	v4 =	vmul.f32 $1.442695020e+00, v1  }
0x8f: {  	v1 =	vld [tilespmem:s31+$0xFFFFFFF0];
	v9 =	vadd.f32 v5, v0;
	v0 =	vadd.f32 v8, v6;
	v6 =	vmul.f32 $1.442695020e+00, v2  }
0x90: {  	s26 =	simm.s32 $0x3470;
	v5 =	vld [tilespmem:s31+$0x0];
	(erf) = vpow2.f32 v4  }
0x91: {  	v2 =	vld [tilespmem:s26+$0x0];
	v7 =	vmul.f32 $2.000000030e-01, v9;
	(erf) = vpow2.f32 v6  }
0x92: {  	v3 =	vld [tilespmem:s26+$0xFFFFFFF0];
	vm1 =	vge.f32 v9, $0.0e+00  }
0x93: {  	s29 =	simm.s32 $0x6;
	s24 =	simm.s32 $0x3470;
	s1 =	simm.s32 $0x5490;
	v4 =	vmul.f32 $2.000000030e-01, v0;
	vm0 =	vge.f32 v0, $0.0e+00;
	v7 =	vsel vm1, v9, v7;
	v6 =	vpop (erf)  }
.LBB2_5:
0x94: {  	s29 =	sadd.s32 $0x2, s29  }
0x95: {  	v8 =	vld [tilespmem:s1+$0x0];
	s26 =	sadd.s32 $0x20, s26;
	v7 =	vmul.f32 $1.442695020e+00, v7;
	[tilespmem:s13+$0x0] =	vst v6;
	v6 =	vmov v1;
	p0 =	slt.u32 s29, $0x7E  }
.Ltmp1:
0x96: {  	v4 =	vsel vm0, v0, v4;
	v1 =	vld [tilespmem:s1+$0xFFFFFFF0];
	v5 =	vadd.f32 v5, v2;
	v9 =	vpop (erf);
	(pc) =	sbr.rel @p0 .LBB2_5-.Ltmp1, $4  }
0x97: {  	v10 =	vmul.f32 $1.442695020e+00, v4;
	v2 =	vld [tilespmem:s26+$0x0];
	v0 =	vadd.f32 v6, v3;
	(erf) = vpow2.f32 v7;
	[tilespmem:s13+$0xFFFFFFF0] =	vst v9;
	s13 =	smov.u32 s20;
	s20 =	smov.u32 s22;
	s22 =	smov.u32 s24  }
0x98: {  	s24 =	smov.u32 s26;
	v3 =	vld [tilespmem:s26+$0xFFFFFFF0];
	v7 =	vmul.f32 $2.000000030e-01, v5  }
0x99: {  	vm1 =	vge.f32 v5, $0.0e+00;
	v4 =	vmul.f32 $2.000000030e-01, v0;
	(erf) = vpow2.f32 v10  }
0x9a: {  	s1 =	sadd.s32 $0x20, s1;
	vm0 =	vge.f32 v0, $0.0e+00;
	v7 =	vsel vm1, v5, v7;
	v6 =	vpop (erf);
	v5 =	vmov v8  }
0x9b: {  	_ = 	snop  }
0x9c: {  	v2 =	vadd.f32 v5, v2  }
0x9d: {  	v1 =	vadd.f32 v1, v3  }
0x9e: {  	v0 =	vsel vm0, v0, v4;
	v5 =	vmul.f32 $2.000000030e-01, v2  }
0x9f: {  	v3 =	vmul.f32 $1.442695020e+00, v7;
	vm0 =	vge.f32 v2, $0.0e+00;
	v4 =	vmul.f32 $2.000000030e-01, v1  }
0xa0: {  	v0 =	vmul.f32 $1.442695020e+00, v0;
	vm1 =	vge.f32 v1, $0.0e+00;
	v2 =	vsel vm0, v2, v5  }
0xa1: {  	(erf) = vpow2.f32 v3;
	v2 =	vmul.f32 $1.442695020e+00, v2;
	v1 =	vsel vm1, v1, v4  }
0xa2: {  	(erf) = vpow2.f32 v0;
	v0 =	vmul.f32 $1.442695020e+00, v1  }
0xa3: {  	(erf) = vpow2.f32 v2  }
0xa4: {  	(erf) = vpow2.f32 v0;
	_ =	sdelay $0x2  }
0xa5: {  	[tilespmem:s13+$0x0] =	vst v6;
	v0 =	vpop (erf)  }
0xa6: {  	v1 =	vpop (erf);
	[tilespmem:s13+$0xFFFFFFF0] =	vst v0  }
0xa7: {  	v0 =	vpop (erf);
	[tilespmem:s20+$0x0] =	vst v1  }
0xa8: {  	[tilespmem:s20+$0xFFFFFFF0] =	vst v0;
	v0 =	vpop (erf)  }
0xa9: {  	[tilespmem:s22+$0x0] =	vst v0;
	v0 =	vpop (erf)  }
0xaa: {  	[tilespmem:s22+$0xFFFFFFF0] =	vst v0;
	v0 =	vpop (erf)  }
0xab: {  	[tilespmem:s24+$0x0] =	vst v0;
	v0 =	vpop (erf)  }
0xac: {  	s1 =	simm.s32 $0x5C10;
	[tilespmem:s24+$0xFFFFFFF0] =	vst v0  }
0xad: {  	s13 =	simm.s32 $0x3C10;
	v0 =	vld [tilespmem:s1+$0x0]  }
0xae: {  	v1 =	vld [tilespmem:s13+$0x0]  }
0xaf: {  	v2 =	vld [tilespmem:s1+$0xFFFFFFF0]  }
0xb0: {  	v3 =	vld [tilespmem:s13+$0xFFFFFFF0]  }
0xb1: {  	s22 =	simm.s32 $0x5C30  }
0xb2: {  	s20 =	simm.s32 $0x3C30;
	v4 =	vld [tilespmem:s22+$0xFFFFFFF0]  }
0xb3: {  	v6 =	vld [tilespmem:s20+$0x0];
	v0 =	vadd.f32 v0, v1  }
0xb4: {  	v1 =	vld [tilespmem:s22+$0x0]  }
0xb5: {  	v2 =	vadd.f32 v2, v3;
	v3 =	vld [tilespmem:s20+$0xFFFFFFF0];
	v5 =	vmul.f32 $2.000000030e-01, v0  }
0xb6: {  	s24 =	simm.s32 $0x5C50;
	vm0 =	vge.f32 v0, $0.0e+00  }
0xb7: {  	v8 =	vld [tilespmem:s24+$0xFFFFFFF0];
	v0 =	vsel vm0, v0, v5  }
0xb8: {  	s22 =	simm.s32 $0x3C50;
	v7 =	vmul.f32 $2.000000030e-01, v2;
	v5 =	vld [tilespmem:s24+$0x0];
	v0 =	vmul.f32 $1.442695020e+00, v0  }
0xb9: {  	vm0 =	vge.f32 v2, $0.0e+00;
	v1 =	vadd.f32 v1, v6;
	v6 =	vld [tilespmem:s22+$0xFFFFFFF0]  }
0xba: {  	v2 =	vsel vm0, v2, v7;
	v3 =	vadd.f32 v4, v3;
	(erf) = vpow2.f32 v0;
	v0 =	vld [tilespmem:s22+$0x0]  }
0xbb: {  	v2 =	vmul.f32 $1.442695020e+00, v2;
	v4 =	vmul.f32 $2.000000030e-01, v1  }
0xbc: {  	v7 =	vmul.f32 $2.000000030e-01, v3;
	vm0 =	vge.f32 v1, $0.0e+00  }
0xbd: {  	vm1 =	vge.f32 v3, $0.0e+00;
	(erf) = vpow2.f32 v2;
	v1 =	vsel vm0, v1, v4  }
0xbe: {  	s26 =	simm.s32 $0x5C70;
	v2 =	vsel vm1, v3, v7;
	v4 =	vmul.f32 $1.442695020e+00, v1  }
0xbf: {  	v1 =	vld [tilespmem:s26+$0xFFFFFFF0];
	v9 =	vadd.f32 v5, v0;
	v0 =	vadd.f32 v8, v6;
	v6 =	vmul.f32 $1.442695020e+00, v2  }
0xc0: {  	s29 =	simm.s32 $0x3C70;
	v5 =	vld [tilespmem:s26+$0x0];
	(erf) = vpow2.f32 v4  }
0xc1: {  	v2 =	vld [tilespmem:s29+$0x0];
	v7 =	vmul.f32 $2.000000030e-01, v9;
	(erf) = vpow2.f32 v6  }
0xc2: {  	v3 =	vld [tilespmem:s29+$0xFFFFFFF0];
	vm1 =	vge.f32 v9, $0.0e+00  }
0xc3: {  	s31 =	simm.s32 $0x6;
	s1 =	simm.s32 $0x5C90;
	s24 =	simm.s32 $0x3C70;
	v4 =	vmul.f32 $2.000000030e-01, v0;
	vm0 =	vge.f32 v0, $0.0e+00;
	v7 =	vsel vm1, v9, v7;
	v6 =	vpop (erf)  }
.LBB2_7:
0xc4: {  	s31 =	sadd.s32 $0x2, s31  }
0xc5: {  	v8 =	vld [tilespmem:s1+$0x0];
	s29 =	sadd.s32 $0x20, s29;
	v7 =	vmul.f32 $1.442695020e+00, v7;
	[tilespmem:s13+$0x0] =	vst v6;
	s26 =	simm.s32 $0x6410;
	v6 =	vmov v1;
	p0 =	slt.u32 s31, $0x7E  }
.Ltmp2:
0xc6: {  	v4 =	vsel vm0, v0, v4;
	v1 =	vld [tilespmem:s1+$0xFFFFFFF0];
	v5 =	vadd.f32 v5, v2;
	v9 =	vpop (erf);
	(pc) =	sbr.rel @p0 .LBB2_7-.Ltmp2, $4  }
0xc7: {  	v10 =	vmul.f32 $1.442695020e+00, v4;
	v2 =	vld [tilespmem:s29+$0x0];
	v0 =	vadd.f32 v6, v3;
	(erf) = vpow2.f32 v7;
	[tilespmem:s13+$0xFFFFFFF0] =	vst v9;
	s13 =	smov.u32 s20;
	s20 =	smov.u32 s22;
	s22 =	smov.u32 s24  }
0xc8: {  	s24 =	smov.u32 s29;
	v3 =	vld [tilespmem:s29+$0xFFFFFFF0];
	v7 =	vmul.f32 $2.000000030e-01, v5  }
0xc9: {  	vm1 =	vge.f32 v5, $0.0e+00;
	v4 =	vmul.f32 $2.000000030e-01, v0;
	(erf) = vpow2.f32 v10  }
0xca: {  	s1 =	sadd.s32 $0x20, s1;
	vm0 =	vge.f32 v0, $0.0e+00;
	v7 =	vsel vm1, v5, v7;
	v6 =	vpop (erf);
	v5 =	vmov v8  }
0xcb: {  	_ = 	snop  }
0xcc: {  	v2 =	vadd.f32 v5, v2  }
0xcd: {  	v1 =	vadd.f32 v1, v3  }
0xce: {  	v0 =	vsel vm0, v0, v4;
	v5 =	vmul.f32 $2.000000030e-01, v2  }
0xcf: {  	v3 =	vmul.f32 $1.442695020e+00, v7;
	vm0 =	vge.f32 v2, $0.0e+00;
	v4 =	vmul.f32 $2.000000030e-01, v1  }
0xd0: {  	v0 =	vmul.f32 $1.442695020e+00, v0;
	vm1 =	vge.f32 v1, $0.0e+00;
	v2 =	vsel vm0, v2, v5  }
0xd1: {  	(erf) = vpow2.f32 v3;
	v2 =	vmul.f32 $1.442695020e+00, v2;
	v1 =	vsel vm1, v1, v4  }
0xd2: {  	(erf) = vpow2.f32 v0;
	v0 =	vmul.f32 $1.442695020e+00, v1  }
0xd3: {  	(erf) = vpow2.f32 v2  }
0xd4: {  	(erf) = vpow2.f32 v0;
	_ =	sdelay $0x2  }
0xd5: {  	[tilespmem:s13+$0x0] =	vst v6;
	v0 =	vpop (erf)  }
0xd6: {  	v1 =	vpop (erf);
	[tilespmem:s13+$0xFFFFFFF0] =	vst v0  }
0xd7: {  	v0 =	vpop (erf);
	[tilespmem:s20+$0x0] =	vst v1  }
0xd8: {  	[tilespmem:s20+$0xFFFFFFF0] =	vst v0;
	v0 =	vpop (erf)  }
0xd9: {  	[tilespmem:s22+$0x0] =	vst v0;
	v0 =	vpop (erf)  }
0xda: {  	[tilespmem:s22+$0xFFFFFFF0] =	vst v0;
	v0 =	vpop (erf)  }
0xdb: {  	[tilespmem:s24+$0x0] =	vst v0;
	v0 =	vpop (erf)  }
0xdc: {  	[tilespmem:s24+$0xFFFFFFF0] =	vst v0  }
0xdd: {  	s13 =	simm.s32 $0x4410;
	v0 =	vld [tilespmem:s26+$0x0]  }
0xde: {  	v1 =	vld [tilespmem:s13+$0x0]  }
0xdf: {  	v2 =	vld [tilespmem:s26+$0xFFFFFFF0]  }
0xe0: {  	v3 =	vld [tilespmem:s13+$0xFFFFFFF0]  }
0xe1: {  	s1 =	simm.s32 $0x6430  }
0xe2: {  	s20 =	simm.s32 $0x4430;
	v4 =	vld [tilespmem:s1+$0xFFFFFFF0]  }
0xe3: {  	v6 =	vld [tilespmem:s20+$0x0];
	v0 =	vadd.f32 v0, v1  }
0xe4: {  	v1 =	vld [tilespmem:s1+$0x0]  }
0xe5: {  	v2 =	vadd.f32 v2, v3;
	v3 =	vld [tilespmem:s20+$0xFFFFFFF0];
	v5 =	vmul.f32 $2.000000030e-01, v0  }
0xe6: {  	s26 =	simm.s32 $0x6450;
	vm0 =	vge.f32 v0, $0.0e+00  }
0xe7: {  	v8 =	vld [tilespmem:s26+$0xFFFFFFF0];
	v0 =	vsel vm0, v0, v5  }
0xe8: {  	s22 =	simm.s32 $0x4450;
	v7 =	vmul.f32 $2.000000030e-01, v2;
	v5 =	vld [tilespmem:s26+$0x0];
	v0 =	vmul.f32 $1.442695020e+00, v0  }
0xe9: {  	vm0 =	vge.f32 v2, $0.0e+00;
	v1 =	vadd.f32 v1, v6;
	v6 =	vld [tilespmem:s22+$0xFFFFFFF0]  }
0xea: {  	v2 =	vsel vm0, v2, v7;
	v3 =	vadd.f32 v4, v3;
	(erf) = vpow2.f32 v0;
	v0 =	vld [tilespmem:s22+$0x0]  }
0xeb: {  	v2 =	vmul.f32 $1.442695020e+00, v2;
	v4 =	vmul.f32 $2.000000030e-01, v1  }
0xec: {  	v7 =	vmul.f32 $2.000000030e-01, v3;
	vm0 =	vge.f32 v1, $0.0e+00  }
0xed: {  	vm1 =	vge.f32 v3, $0.0e+00;
	(erf) = vpow2.f32 v2;
	v1 =	vsel vm0, v1, v4  }
0xee: {  	s31 =	simm.s32 $0x6470;
	v2 =	vsel vm1, v3, v7;
	v4 =	vmul.f32 $1.442695020e+00, v1  }
0xef: {  	v1 =	vld [tilespmem:s31+$0xFFFFFFF0];
	v9 =	vadd.f32 v5, v0;
	v0 =	vadd.f32 v8, v6;
	v6 =	vmul.f32 $1.442695020e+00, v2  }
0xf0: {  	s26 =	simm.s32 $0x4470;
	v5 =	vld [tilespmem:s31+$0x0];
	(erf) = vpow2.f32 v4  }
0xf1: {  	v2 =	vld [tilespmem:s26+$0x0];
	v7 =	vmul.f32 $2.000000030e-01, v9;
	(erf) = vpow2.f32 v6  }
0xf2: {  	v3 =	vld [tilespmem:s26+$0xFFFFFFF0];
	vm1 =	vge.f32 v9, $0.0e+00  }
0xf3: {  	s29 =	simm.s32 $0x6;
	s24 =	simm.s32 $0x4470;
	s1 =	simm.s32 $0x6490;
	v4 =	vmul.f32 $2.000000030e-01, v0;
	vm0 =	vge.f32 v0, $0.0e+00;
	v7 =	vsel vm1, v9, v7;
	v6 =	vpop (erf)  }
.LBB2_9:
0xf4: {  	s29 =	sadd.s32 $0x2, s29  }
0xf5: {  	v8 =	vld [tilespmem:s1+$0x0];
	s26 =	sadd.s32 $0x20, s26;
	v7 =	vmul.f32 $1.442695020e+00, v7;
	[tilespmem:s13+$0x0] =	vst v6;
	v6 =	vmov v1;
	p0 =	slt.u32 s29, $0x7E  }
.Ltmp3:
0xf6: {  	v4 =	vsel vm0, v0, v4;
	v1 =	vld [tilespmem:s1+$0xFFFFFFF0];
	v5 =	vadd.f32 v5, v2;
	v9 =	vpop (erf);
	(pc) =	sbr.rel @p0 .LBB2_9-.Ltmp3, $4  }
0xf7: {  	v10 =	vmul.f32 $1.442695020e+00, v4;
	v2 =	vld [tilespmem:s26+$0x0];
	v0 =	vadd.f32 v6, v3;
	(erf) = vpow2.f32 v7;
	[tilespmem:s13+$0xFFFFFFF0] =	vst v9;
	s13 =	smov.u32 s20;
	s20 =	smov.u32 s22;
	s22 =	smov.u32 s24  }
0xf8: {  	s24 =	smov.u32 s26;
	v3 =	vld [tilespmem:s26+$0xFFFFFFF0];
	v7 =	vmul.f32 $2.000000030e-01, v5  }
0xf9: {  	vm1 =	vge.f32 v5, $0.0e+00;
	v4 =	vmul.f32 $2.000000030e-01, v0;
	(erf) = vpow2.f32 v10  }
0xfa: {  	s1 =	sadd.s32 $0x20, s1;
	vm0 =	vge.f32 v0, $0.0e+00;
	v7 =	vsel vm1, v5, v7;
	v6 =	vpop (erf);
	v5 =	vmov v8  }
0xfb: {  	_ = 	snop  }
0xfc: {  	v2 =	vadd.f32 v5, v2  }
0xfd: {  	v1 =	vadd.f32 v1, v3  }
0xfe: {  	v54 =	vmul.f32 $1.442695020e+00, v7;
	v5 =	vmul.f32 $2.000000030e-01, v2  }
0xff: {  	v0 =	vsel vm0, v0, v4;
	vm15 =	vge.f32 v2, $0.0e+00;
	v55 =	vmul.f32 $2.000000030e-01, v1  }
0x100: {  	v0 =	vmul.f32 $1.442695020e+00, v0;
	vm1 =	vge.f32 v1, $0.0e+00;
	v2 =	vsel vm15, v2, v5  }
0x101: {  	(erf) = vpow2.f32 v54;
	v2 =	vmul.f32 $1.442695020e+00, v2;
	v1 =	vsel vm1, v1, v55  }
0x102: {  	(erf) = vpow2.f32 v0;
	v56 =	vmul.f32 $1.442695020e+00, v1  }
0x103: {  	(erf) = vpow2.f32 v2  }
0x104: {  	(erf) = vpow2.f32 v56;
	_ =	sdelay $0x2  }
0x105: {  	v57 =	vpop (erf);
	[tilespmem:s13+$0x0] =	vst v6  }
0x106: {  	[tilespmem:s13+$0xFFFFFFF0] =	vst v57;
	v58 =	vpop (erf)  }
0x107: {  	[tilespmem:s20+$0x0] =	vst v58;
	v59 =	vpop (erf)  }
0x108: {  	[tilespmem:s20+$0xFFFFFFF0] =	vst v59;
	v60 =	vpop (erf)  }
0x109: {  	[tilespmem:s22+$0x0] =	vst v60;
	v61 =	vpop (erf)  }
0x10a: {  	[tilespmem:s22+$0xFFFFFFF0] =	vst v61;
	v62 =	vpop (erf)  }
0x10b: {  	[tilespmem:s24+$0x0] =	vst v62;
	v63 =	vpop (erf)  }
0x10c: {  	[tilespmem:s24+$0xFFFFFFF0] =	vst v63  }
0x10d: {  	[spmem:s2] =	stream.indirect.scatter.add.f32 [tilespmem:s19], [sflag:$0x1], $0x10, s17, s18, $0xb8;
	[tilespmem:$0x6C00] =	vst v63  }
0x10e: {  	_ = 	snop  }
0x10f: {  	[spmem:s2] =	stream.indirect.scatter.add.f32 [tilespmem:s21], [sflag:$0x1], $0x10, s28, s18, $0xb8;
	[tilespmem:$0x6C00] =	vst v63  }
0x110: {  	_ = 	snop  }
0x111: {  	[spmem:s2] =	stream.indirect.scatter.add.f32 [tilespmem:s23], [sflag:$0x1], $0x10, s30, s18, $0xb8;
	[tilespmem:$0x6C00] =	vst v63  }
0x112: {  	s1 =	sshll.u32 s14, $0x8  }
0x113: {  	[spmem:s2] =	stream.indirect.scatter.add.f32 [tilespmem:s25], [sflag:$0x1], $0x10, s0, s18, $0xb8;
	[tilespmem:$0x6C00] =	vst v63  }
0x114: {  	s1 =	sadd.s32 s9, s1  }
0x115: {  	[hbm4b:s1+s3] =	stream.linear.scatter [tilespmem:s19], [sflag:$0x2], $0x2000, $0x38;
	[tilespmem:$0x6C00] =	vst v63  }
0x116: {  	_ =	swait.ge [sflag:s8], $0x800  }
0x117: {  	[sflag:s8] =	ssyncset.done $0x0  }
0x118: {  	[sflag:s8] =	ssyncadd.s32 $0xFFFFF800  }
0x119: {  	_ =	swait.ge [sflag:s8], $0x800  }
0x11a: {  	[sflag:s8] =	ssyncset.done $0x0  }
0x11b: {  	[sflag:s8] =	ssyncadd.s32 $0xFFFFF800  }
0x11c: {  	_ =	swait.ge [sflag:s8], $0x800  }
0x11d: {  	[sflag:s8] =	ssyncset.done $0x0  }
0x11e: {  	s10 =	sadd.s32 $0x1, s10;
	[sflag:s8] =	ssyncadd.s32 $0xFFFFF800  }
0x11f: {  	p0 =	sne.s32 s10, $0x14;
	_ =	swait.ge [sflag:s8], $0x800  }
.Ltmp4:
0x120: {  	[sflag:s8] =	ssyncset.done $0x0;
	(pc) =	sbr.rel @p0 .LBB2_2-.Ltmp4, $4  }
0x121: {  	[sflag:s8] =	ssyncadd.s32 $0xFFFFF800  }
0x122: {  	_ =	swait.ge [sflag:s12], $0x2000  }
0x123: {  	[sflag:s12] =	ssyncset.done $0x0  }
0x124: {  	[sflag:s12] =	ssyncadd.s32 $0xFFFFE000  }
0x125: {  	[bflag:$0x0] =	sbarrier.arrive $0xFFFF  }
0x126: {  	s13 =	rddreg [dreg:$0x4]  }
0x127: {  	s1 =	rddreg [dreg:$0x5]  }
0x128: {  	s10 =	rddreg [dreg:$0x7]  }
0x129: {  	[hbm:s1], [sflag:s13] =	dma.local [spmem:s10], $0x500  }
0x12a: {  	_ =	swait.ge [sflag:s15], $0x500  }
0x12b: {  	s14 =	rddreg [dreg:$0x8]  }
0x12c: {  	s31 =	rddreg [dreg:$0x6];
	s14 =	sadd.s32 $0x1, s14  }
0x12d: {  	p0 =	sne.s32 s14, s31  }
.Ltmp5:
0x12e: {  	_ = 	snop;
	(pc) =	sbr.rel @p0 .LBB2_1-.Ltmp5, $3  }
0x12f: {  	_ =	sdelay $0x1  }
0x130: {  	[sflag:s15] =	ssyncset.done $0x0  }
0x131: {  	[sflag:s15] =	ssyncadd.s32 $0xFFFFFB00  }
0x132: {  	_ =	sfence.sel $0x180000  }
0x133: {  	[bflag:$0x0] =	sbarrier.arrive $0xFFFF  }
0x134: {  	_ =	strace $0x90000047  }
0x135: {  	s0 =	stileid.u32;
	[bflag:$0x2] =	sbarrier.arrive $0xFFFF  }
0x136: {  	p0 =	sne.s32 s0, $0x0;
	s0 =	rddreg [dreg:$0x2]  }
0x137: {  	s0 =	sadd.s32 @!p0 $0x100000, s0  }
0x138: {  	[sflag:s0] =	ssyncadd.tile.s32 @!p0 $0x1;
	_ =	shalt  }
.Lfunc_end2:
_tile_overlayer_lowered:
.L_overlay_start_2:
0x139: {  	(tag) =	ssettag $0x2  }
0x13a: {  	s0 =	rddreg [dreg:$0x0];
	s2 =	stileid.u32  }
0x13b: {  	s1 =	rddreg [dreg:$0x1];
	p0 =	sne.s32 s2, $0x0  }
0x13c: {  	s3 =	rddreg [dreg:$0x2];
	[bflag:$0x3] =	sbarrier.arrive $0xFFFF;
	s2 =	simm.s32 @!p0 $0x1C03  }
0x13d: {  	[timem:s3], [sflag:s2] =	dma.local @!p0 [hbm:s0], s1  }
0x13e: {  	s0 =	simm.s32 @!p0 $0x3  }
0x13f: {  	_ =	swait.ge @!p0 [sflag:s0], s1  }
0x140: {  	s1 =	ssub.s32 @!p0 $0x0, s1;
	[sflag:s0] =	ssyncset.done @!p0 $0x0  }
0x141: {  	[sflag:s0] =	ssyncadd.s32 @!p0 s1  }
0x142: {  	[bflag:$0x3] =	sbarrier.arrive $0xFFFF  }
0x143: {  	_ =	shalt  }

</sc_bundles>
